<compile_context>
chip_gen: v7x
topology: tpu7x:2x2x1
jax: 0.10.2.dev20260603
libtpu: 0.0.44.dev20260713+nightly
codegen_flags: <defaults>
</compile_context>

<pallas_src>
import functools

import jax
import jax.numpy as jnp
from jax import lax
from jax.experimental import pallas as pl
from jax.experimental.pallas import tpu as pltpu
from jax.experimental.pallas import tpu_sc as plsc

NN = 10000
EE = 320000
DD = 128

NC = 2
NS = 16
NW = NC * NS
EPT = EE // NW
CH = 80
NCH = EPT // CH
G = CH // 16
CHA = 400
NCHA = EPT // CHA
GA = CHA // 16
NP = 10240
RPT = NP // NS

_f32 = jnp.float32
_mesh = plsc.VectorSubcoreMesh(core_axis_name="c", subcore_axis_name="s",
                               num_cores=NC, num_subcores=NS)
_sc_params = pltpu.CompilerParams(needs_layout_passes=False)


def _gather_body(p1_hbm, p2_hbm, cx_hbm, cy_hbm, cz_hbm, src_hbm, dst_hbm,
                 hp_hbm, dx_hbm, dy_hbm, dz_hbm,
                 idx_sv, idx_dv, bs0, bd0, bs1, bd1, cxv, cyv, czv,
                 dxB, dyB, dzB, sem_s0, sem_d0, sem_s1, sem_d1):
    c = lax.axis_index("c")
    s = lax.axis_index("s")
    wid = s * NC + c
    base = wid * EPT

    pltpu.sync_copy(cx_hbm, cxv)
    pltpu.sync_copy(cy_hbm, cyv)
    pltpu.sync_copy(cz_hbm, czv)
    pltpu.sync_copy(src_hbm.at[pl.ds(base, EPT)], idx_sv)
    pltpu.sync_copy(dst_hbm.at[pl.ds(base, EPT)], idx_dv)

    def issue(ch, bs, bd, ss, sd):
        loff = ch * CH
        pltpu.async_copy(p1_hbm.at[idx_sv.at[pl.ds(loff, CH)]], bs, ss)
        pltpu.async_copy(p2_hbm.at[idx_dv.at[pl.ds(loff, CH)]], bd, sd)

    def wait(bs, bd, ss, sd):
        pltpu.make_async_copy(p1_hbm.at[idx_sv.at[pl.ds(0, CH)]], bs, ss).wait()
        pltpu.make_async_copy(p2_hbm.at[idx_dv.at[pl.ds(0, CH)]], bd, sd).wait()

    def process(ch, bs, bd):
        loff = ch * CH
        for g in range(G):
            sl16 = pl.ds(loff + g * 16, 16)
            sv = idx_sv[sl16]
            dv = idx_dv[sl16]
            dxB[sl16] = plsc.load_gather(cxv, [dv]) - plsc.load_gather(cxv, [sv])
            dyB[sl16] = plsc.load_gather(cyv, [dv]) - plsc.load_gather(cyv, [sv])
            dzB[sl16] = plsc.load_gather(czv, [dv]) - plsc.load_gather(czv, [sv])

        def row(j, carry2):
            for g in range(DD // 16):
                sl = pl.ds(g * 16, 16)
                bs[j, sl] = bs[j, sl] + bd[j, sl]
            return carry2

        lax.fori_loop(0, CH, row, 0)
        pltpu.sync_copy(bs, hp_hbm.at[pl.ds(base + loff, CH)])

    issue(0, bs0, bd0, sem_s0, sem_d0)

    def step(i, carry):
        a = 2 * i
        issue(a + 1, bs1, bd1, sem_s1, sem_d1)
        wait(bs0, bd0, sem_s0, sem_d0)
        process(a, bs0, bd0)
        issue(a + 2, bs0, bd0, sem_s0, sem_d0)
        wait(bs1, bd1, sem_s1, sem_d1)
        process(a + 1, bs1, bd1)
        return carry

    lax.fori_loop(0, (NCH - 1) // 2, step, 0)
    wait(bs0, bd0, sem_s0, sem_d0)
    process(NCH - 1, bs0, bd0)

    pltpu.sync_copy(dxB, dx_hbm.at[pl.ds(base, EPT)])
    pltpu.sync_copy(dyB, dy_hbm.at[pl.ds(base, EPT)])
    pltpu.sync_copy(dzB, dz_hbm.at[pl.ds(base, EPT)])


_gather = functools.partial(
    pl.kernel,
    out_type=(jax.ShapeDtypeStruct((EE, DD), _f32),
              jax.ShapeDtypeStruct((EE,), _f32),
              jax.ShapeDtypeStruct((EE,), _f32),
              jax.ShapeDtypeStruct((EE,), _f32)),
    mesh=_mesh,
    compiler_params=_sc_params,
    scratch_types=[
        pltpu.VMEM((EPT,), jnp.int32),
        pltpu.VMEM((EPT,), jnp.int32),
        pltpu.VMEM((CH, DD), _f32),
        pltpu.VMEM((CH, DD), _f32),
        pltpu.VMEM((CH, DD), _f32),
        pltpu.VMEM((CH, DD), _f32),
        pltpu.VMEM((NN,), _f32),
        pltpu.VMEM((NN,), _f32),
        pltpu.VMEM((NN,), _f32),
        pltpu.VMEM((EPT,), _f32),
        pltpu.VMEM((EPT,), _f32),
        pltpu.VMEM((EPT,), _f32),
        pltpu.SemaphoreType.DMA,
        pltpu.SemaphoreType.DMA,
        pltpu.SemaphoreType.DMA,
        pltpu.SemaphoreType.DMA,
    ],
)(_gather_body)


def _pre_body(nf_ref, w1a_ref, w1b_ref, be1_ref, p1_ref, p2_ref):
    nf = nf_ref[...]
    p1_ref[...] = (jnp.dot(nf, w1a_ref[...], preferred_element_type=_f32)
                   + be1_ref[...])
    p2_ref[...] = jnp.dot(nf, w1b_ref[...], preferred_element_type=_f32)


def _pre(nfp, w1a, w1b, be1):
    return pl.pallas_call(
        _pre_body,
        out_shape=[
            jax.ShapeDtypeStruct((NP, DD), _f32),
            jax.ShapeDtypeStruct((NP, DD), _f32),
        ],
    )(nfp, w1a, w1b, be1)


def _scat_ef_body(ef_hbm, dst3_hbm, z128_hbm, pef_hbm, acc128, idxv, eb0, eb1,
                  sem0, sem1):
    c = lax.axis_index("c")
    s = lax.axis_index("s")
    wid = s * NC + c
    base = wid * EPT
    r0 = s * RPT

    pltpu.sync_copy(z128_hbm.at[pl.ds(r0, RPT)], acc128.at[pl.ds(r0, RPT)])
    pltpu.sync_copy(dst3_hbm.at[wid], idxv)
    plsc.subcore_barrier()

    def issue(ch, eb, sem):
        pltpu.async_copy(ef_hbm.at[pl.ds(base + ch * CH, CH)], eb, sem)

    def wait(eb, sem):
        pltpu.make_async_copy(ef_hbm.at[pl.ds(base, CH)], eb, sem).wait()

    issue(0, eb0, sem0)

    def step(i, carry):
        a = 2 * i
        issue(a + 1, eb1, sem1)
        wait(eb0, sem0)
        pltpu.sync_copy(eb0, acc128.at[idxv.at[a]], add=True)
        issue(a + 2, eb0, sem0)
        wait(eb1, sem1)
        pltpu.sync_copy(eb1, acc128.at[idxv.at[a + 1]], add=True)
        return carry

    lax.fori_loop(0, (NCH - 1) // 2, step, 0)
    wait(eb0, sem0)
    pltpu.sync_copy(eb0, acc128.at[idxv.at[NCH - 1]], add=True)
    plsc.subcore_barrier()

    pltpu.sync_copy(acc128.at[pl.ds(r0, RPT)], pef_hbm.at[c].at[pl.ds(r0, RPT)])


_scat_ef = functools.partial(
    pl.kernel,
    out_type=jax.ShapeDtypeStruct((NC, NP, DD), _f32),
    mesh=_mesh,
    compiler_params=_sc_params,
    scratch_types=[
        pltpu.VMEM_SHARED((NP, DD), _f32),
        pltpu.VMEM((NCH, CH), jnp.int32),
        pltpu.VMEM((CH, DD), _f32),
        pltpu.VMEM((CH, DD), _f32),
        pltpu.SemaphoreType.DMA,
        pltpu.SemaphoreType.DMA,
    ],
)(_scat_ef_body)


def _scat_aux_body(dst_hbm, wx_hbm, wy_hbm, wz_hbm, z4_hbm, paux_hbm,
                   acc4, idxb, wxb, wyb, wzb):
    c = lax.axis_index("c")
    s = lax.axis_index("s")
    wid = s * NC + c
    base = wid * EPT

    pltpu.sync_copy(z4_hbm, acc4)
    ones16 = jnp.ones((16,), _f32)

    def step(i, carry):
        off = base + i * CHA
        pltpu.sync_copy(dst_hbm.at[pl.ds(off, CHA)], idxb)
        pltpu.sync_copy(wx_hbm.at[pl.ds(off, CHA)], wxb)
        pltpu.sync_copy(wy_hbm.at[pl.ds(off, CHA)], wyb)
        pltpu.sync_copy(wz_hbm.at[pl.ds(off, CHA)], wzb)
        for g in range(GA):
            dv = idxb[pl.ds(g * 16, 16)]
            plsc.addupdate_scatter(acc4, [dv], wxb[pl.ds(g * 16, 16)])
            plsc.addupdate_scatter(acc4, [dv + NP], wyb[pl.ds(g * 16, 16)])
            plsc.addupdate_scatter(acc4, [dv + 2 * NP], wzb[pl.ds(g * 16, 16)])
            plsc.addupdate_scatter(acc4, [dv + 3 * NP], ones16)
        return carry

    lax.fori_loop(0, NCHA, step, 0)
    pltpu.sync_copy(acc4, paux_hbm.at[wid])


_scat_aux = functools.partial(
    pl.kernel,
    out_type=jax.ShapeDtypeStruct((NW, 4 * NP), _f32),
    mesh=_mesh,
    compiler_params=_sc_params,
    scratch_types=[
        pltpu.VMEM((4 * NP,), _f32),
        pltpu.VMEM((CHA,), jnp.int32),
        pltpu.VMEM((CHA,), _f32),
        pltpu.VMEM((CHA,), _f32),
        pltpu.VMEM((CHA,), _f32),
    ],
)(_scat_aux_body)


BE = 512


def _edge_body(hp_ref, dx_ref, dy_ref, dz_ref,
               w1c_ref,
               w2_ref, be2_ref, wc1_ref, bc1_ref, wc2_ref,
               ef_ref, wx_ref, wy_ref, wz_ref):
    dx = dx_ref[...]
    dy = dy_ref[...]
    dz = dz_ref[...]
    radial = (dx * dx + dy * dy + dz * dz).reshape(BE, 1)
    h1 = jnp.maximum(hp_ref[...] + radial * w1c_ref[...], 0.0)
    ef = jnp.maximum(jnp.dot(h1, w2_ref[...], preferred_element_type=_f32)
                     + be2_ref[...], 0.0)
    c1 = jnp.maximum(jnp.dot(ef, wc1_ref[...], preferred_element_type=_f32)
                     + bc1_ref[...], 0.0)
    w = jnp.sum(c1 * wc2_ref[...], axis=1)
    ef_ref[...] = ef
    wx_ref[...] = dx * w
    wy_ref[...] = dy * w
    wz_ref[...] = dz * w


def _edge_mlp(hp, dx, dy, dz, w1c, w2, be2, wc1, bc1, wc2):
    nblk = EE // BE
    full128 = pl.BlockSpec((DD, DD), lambda i: (0, 0))
    row128 = pl.BlockSpec((1, DD), lambda i: (0, 0))
    vec = pl.BlockSpec((BE,), lambda i: (i,))
    return pl.pallas_call(
        _edge_body,
        grid=(nblk,),
        in_specs=[
            pl.BlockSpec((BE, DD), lambda i: (i, 0)),
            vec, vec, vec,
            row128,
            full128, row128, full128, row128, row128,
        ],
        out_specs=[
            pl.BlockSpec((BE, DD), lambda i: (i, 0)),
            vec, vec, vec,
        ],
        out_shape=[
            jax.ShapeDtypeStruct((EE, DD), _f32),
            jax.ShapeDtypeStruct((EE,), _f32),
            jax.ShapeDtypeStruct((EE,), _f32),
            jax.ShapeDtypeStruct((EE,), _f32),
        ],
    )(hp, dx, dy, dz, w1c, w2, be2, wc1, bc1, wc2)


def _node_body(nf_ref, ct_ref, pef_ref, paux_ref,
               wn1a_ref, wn1b_ref, bn1_ref, wn2_ref, bn2_ref,
               nfo_ref, cot_ref):
    agg = pef_ref[0] + pef_ref[1]
    pa = paux_ref[...]
    wx = jnp.sum(pa[:, 0:NP], axis=0, keepdims=True)
    wy = jnp.sum(pa[:, NP:2 * NP], axis=0, keepdims=True)
    wz = jnp.sum(pa[:, 2 * NP:3 * NP], axis=0, keepdims=True)
    cnt = jnp.maximum(jnp.sum(pa[:, 3 * NP:4 * NP], axis=0, keepdims=True), 1.0)
    inv = 1.0 / cnt
    delta = jnp.concatenate(
        [wx * inv, wy * inv, wz * inv, jnp.zeros((5, NP), _f32)], axis=0)
    cot_ref[...] = ct_ref[...] + delta
    nf = nf_ref[...]
    h = jnp.maximum(jnp.dot(nf, wn1a_ref[...], preferred_element_type=_f32)
                    + jnp.dot(agg, wn1b_ref[...], preferred_element_type=_f32)
                    + bn1_ref[...], 0.0)
    nfo_ref[...] = (nf + jnp.dot(h, wn2_ref[...], preferred_element_type=_f32)
                    + bn2_ref[...])


def _node_mlp(nf, ct8, pef, paux, wn1a, wn1b, bn1, wn2, bn2):
    return pl.pallas_call(
        _node_body,
        out_shape=[
            jax.ShapeDtypeStruct((NP, DD), _f32),
            jax.ShapeDtypeStruct((8, NP), _f32),
        ],
    )(nf, ct8, pef, paux, wn1a, wn1b, bn1, wn2, bn2)


def kernel(node_feat, coord, edge_list, We1, be1, We2, be2,
           Wn1, bn1, Wn2, bn2, Wc1, bc1, Wc2):
    src = edge_list[:, 0]
    dst = edge_list[:, 1]
    cx = coord[:, 0]
    cy = coord[:, 1]
    cz = coord[:, 2]
    ct8 = jnp.pad(coord.T, ((0, 5), (0, NP - NN)))
    nfp = jnp.pad(node_feat, ((0, NP - NN), (0, 0)))

    w1a = We1[:DD]
    w1b = We1[DD:2 * DD]
    w1c = We1[2 * DD:2 * DD + 1]
    p1, p2 = _pre(nfp, w1a, w1b, be1.reshape(1, DD))

    hp, dx, dy, dz = _gather(p1, p2, cx, cy, cz, src, dst)

    ef, wx, wy, wz = _edge_mlp(hp, dx, dy, dz, w1c,
                               We2, be2.reshape(1, DD),
                               Wc1, bc1.reshape(1, DD), Wc2.reshape(1, DD))

    z128 = jnp.zeros((NP, DD), _f32)
    z4 = jnp.zeros((4 * NP,), _f32)
    pef = _scat_ef(ef, dst.reshape(NW, NCH, CH), z128)
    paux = _scat_aux(dst, wx, wy, wz, z4)

    nfo, cot = _node_mlp(nfp, ct8, pef, paux,
                         Wn1[:DD], Wn1[DD:2 * DD], bn1.reshape(1, DD),
                         Wn2, bn2.reshape(1, DD))
    return (nfo[:NN], cot[:3, :NN].T)

# --- scband reference (transcript-rebuilt; emitter-appended) ---
"""Pipeline reference for scband-egcl-89764816487047 (READ-ONLY COPY).

The authoritative reference and input builder live on the scoring server;
editing this copy changes nothing except your own understanding.
"""

import jax, jax.numpy as jnp
import numpy as np

N = 10000
E = 320000
D = 128
H = 128


def _lin(key, fan_in, fan_out):
    return jax.random.normal(key, (fan_in, fan_out), jnp.float32) * (1.0 / np.sqrt(fan_in))


def setup_inputs(seed: int = 0) -> dict:
    key = jax.random.key(seed)
    ks = jax.random.split(key, 16)
    inp = {}
    inp["node_feat"] = jax.random.normal(ks[0], (N, D), jnp.float32)
    inp["coord"] = jax.random.normal(ks[1], (N, 3), jnp.float32)
    inp["edge_list"] = jax.random.randint(ks[2], (E, 2), 0, N, jnp.int32)
    # edge_mlp: Linear(2D+1, H) -> ReLU -> Linear(H, H) -> ReLU
    inp["We1"] = _lin(ks[3], 2 * D + 1, H)
    inp["be1"] = jnp.zeros((H,), jnp.float32)
    inp["We2"] = _lin(ks[4], H, H)
    inp["be2"] = jnp.zeros((H,), jnp.float32)
    # node_mlp: Linear(H+D, H) -> ReLU -> Linear(H, H)
    inp["Wn1"] = _lin(ks[5], H + D, H)
    inp["bn1"] = jnp.zeros((H,), jnp.float32)
    inp["Wn2"] = _lin(ks[6], H, H)
    inp["bn2"] = jnp.zeros((H,), jnp.float32)
    # coord_mlp: Linear(H, H) -> ReLU -> Linear(H, 1, bias=False) (xavier gain 0.001)
    inp["Wc1"] = _lin(ks[7], H, H)
    inp["bc1"] = jnp.zeros((H,), jnp.float32)
    inp["Wc2"] = _lin(ks[8], H, 1) * 0.001
    return inp


def reference(node_feat, coord, edge_list, We1, be1, We2, be2, Wn1, bn1, Wn2, bn2, Wc1, bc1, Wc2):
    relu = jax.nn.relu
    node_in = edge_list[:, 0]
    node_out = edge_list[:, 1]
    # coord2radial
    coord_diff = coord[node_out] - coord[node_in]
    radial = jnp.sum(coord_diff ** 2, axis=1, keepdims=True)
    # edge_function (no attention, no edge_attr)
    ef_in = jnp.concatenate([node_feat[node_in], node_feat[node_out], radial], axis=1)
    edge_feat = relu(relu(ef_in @ We1 + be1) @ We2 + be2)
    # coord_function: coords_agg == 'mean'
    weighted_trans = coord_diff * (relu(edge_feat @ Wc1 + bc1) @ Wc2)
    agg_sum = jax.ops.segment_sum(weighted_trans, node_out, num_segments=N)
    cnt = jax.ops.segment_sum(jnp.ones((E, 1), jnp.float32), node_out, num_segments=N)
    agg_trans = agg_sum / jnp.clip(cnt, 1.0, None)
    coord_out = coord + agg_trans
    # node_function (residual, no node_attr)
    agg_edge_feat = jax.ops.segment_sum(edge_feat, node_out, num_segments=N)
    nf_in = jnp.concatenate([node_feat, agg_edge_feat], axis=1)
    nf_out = relu(nf_in @ Wn1 + bn1) @ Wn2 + bn2
    nf_out = node_feat + nf_out
    return (nf_out, coord_out)

if __name__ == "__main__":
    import jax
    _d = setup_inputs()
    print(jax.jit(kernel)(*tuple(_d.values())))

</pallas_src>

<mosaic_0001>
#map = affine_map<(d0, d1) -> (0, 0)>
#map1 = affine_map<(d0, d1) -> (0, 0, 0)>
module attributes {stable_mosaic.version = 14 : i64} {
  func.func @_scat_ef_body(%arg0: i32, %arg1: i32, %arg2: memref<320000x128xf32, #tpu.memory_space<hbm>>, %arg3: memref<32x125x80xi32, #tpu.memory_space<hbm>>, %arg4: memref<10240x128xf32, #tpu.memory_space<hbm>>, %arg5: memref<2x10240x128xf32, #tpu.memory_space<hbm>>, %arg6: memref<10240x128xf32, #tpu.memory_space<vmem_shared>>, %arg7: memref<125x80xi32, #tpu.memory_space<vmem>>, %arg8: memref<80x128xf32, #tpu.memory_space<vmem>>, %arg9: memref<80x128xf32, #tpu.memory_space<vmem>>, %arg10: memref<!tpu.dma_semaphore, #tpu.memory_space<semaphore_mem>>, %arg11: memref<!tpu.dma_semaphore, #tpu.memory_space<semaphore_mem>>) attributes {dimension_semantics = [#tpu.dimension_semantics<core_parallel>, #tpu.dimension_semantics<subcore_parallel>], iteration_bounds = array<i64: 2, 16>, scalar_prefetch = 0 : i64, scratch_operands = 6 : i64, tpu.core_type = #tpu.core_type<sc_vector_subcore>, window_params = [{transform_indices = #map}, {transform_indices = #map1}, {transform_indices = #map}, {transform_indices = #map1}]} {
    %mul3A = arith.constant 2 : i32
    %mul3A_0 = arith.muli %arg1, %mul3A : i32
    %add3A = arith.addi %mul3A_0, %arg0 : i32
    %mul3A_1 = arith.constant 10000 : i32
    %mul3A_2 = arith.muli %add3A, %mul3A_1 : i32
    %mul3A_3 = arith.constant 640 : i32
    %mul3A_4 = arith.muli %arg1, %mul3A_3 : i32
    "tpu.region"() ({
      %run_scoped3A_19 = tpu.sem_alloc : memref<!tpu.dma_semaphore, #tpu.memory_space<semaphore_mem>>
      %dma_start3A_20 = arith.constant 0 : i32
      %dma_start3A_21 = tpu.memref_slice %arg6[%mul3A_4, %dma_start3A_20] : memref<10240x128xf32, #tpu.memory_space<vmem_shared>> -> memref<640x128xf32, #tpu.memory_space<vmem_shared>>
      %dma_start3A_22 = arith.constant 0 : i32
      %dma_start3A_23 = tpu.memref_slice %arg4[%mul3A_4, %dma_start3A_22] : memref<10240x128xf32, #tpu.memory_space<hbm>> -> memref<640x128xf32, #tpu.memory_space<hbm>>
      tpu.enqueue_dma source(%dma_start3A_23 : memref<640x128xf32, #tpu.memory_space<hbm>>) target(%dma_start3A_21 : memref<640x128xf32, #tpu.memory_space<vmem_shared>>) target_semaphore(%run_scoped3A_19 : memref<!tpu.dma_semaphore, #tpu.memory_space<semaphore_mem>>)
      %dma_wait3A_24 = arith.constant 0 : i32
      %dma_wait3A_25 = tpu.memref_slice %arg6[%mul3A_4, %dma_wait3A_24] : memref<10240x128xf32, #tpu.memory_space<vmem_shared>> -> memref<640x128xf32, #tpu.memory_space<vmem_shared>>
      %dma_wait3A_26 = arith.constant 0 : i32
      %dma_wait3A_27 = tpu.memref_slice %arg4[%mul3A_4, %dma_wait3A_26] : memref<10240x128xf32, #tpu.memory_space<hbm>> -> memref<640x128xf32, #tpu.memory_space<hbm>>
      tpu.wait_dma2 semaphore(%run_scoped3A_19 : memref<!tpu.dma_semaphore, #tpu.memory_space<semaphore_mem>>) src(%dma_wait3A_27 : memref<640x128xf32, #tpu.memory_space<hbm>>) dst(%dma_wait3A_25 : memref<640x128xf32, #tpu.memory_space<vmem_shared>>)
      tpu.yield
    }) : () -> ()
    "tpu.region"() ({
      %run_scoped3A_19 = tpu.sem_alloc : memref<!tpu.dma_semaphore, #tpu.memory_space<semaphore_mem>>
      %dma_start3A_20 = arith.constant 0 : i32
      %dma_start3A_21 = arith.constant 0 : i32
      %dma_start3A_22 = tpu.memref_slice %arg3[%add3A, %dma_start3A_20, %dma_start3A_21] : memref<32x125x80xi32, #tpu.memory_space<hbm>> -> memref<1x125x80xi32, #tpu.memory_space<hbm>>
      %dma_start3A_23 = tpu.memref_squeeze %dma_start3A_22 : memref<1x125x80xi32, #tpu.memory_space<hbm>> -> memref<125x80xi32, #tpu.memory_space<hbm>>
      %dma_start3A_24 = arith.constant 0 : i32
      %dma_start3A_25 = arith.constant 0 : i32
      %dma_start3A_26 = tpu.memref_slice %arg3[%add3A, %dma_start3A_24, %dma_start3A_25] : memref<32x125x80xi32, #tpu.memory_space<hbm>> -> memref<1x125x80xi32, #tpu.memory_space<hbm>>
      %dma_start3A_27 = tpu.memref_squeeze %dma_start3A_26 : memref<1x125x80xi32, #tpu.memory_space<hbm>> -> memref<125x80xi32, #tpu.memory_space<hbm>>
      tpu.enqueue_dma source(%dma_start3A_27 : memref<125x80xi32, #tpu.memory_space<hbm>>) target(%arg7 : memref<125x80xi32, #tpu.memory_space<vmem>>) target_semaphore(%run_scoped3A_19 : memref<!tpu.dma_semaphore, #tpu.memory_space<semaphore_mem>>)
      %dma_wait3A_28 = arith.constant 0 : i32
      %dma_wait3A_29 = arith.constant 0 : i32
      %dma_wait3A_30 = tpu.memref_slice %arg3[%add3A, %dma_wait3A_28, %dma_wait3A_29] : memref<32x125x80xi32, #tpu.memory_space<hbm>> -> memref<1x125x80xi32, #tpu.memory_space<hbm>>
      %dma_wait3A_31 = tpu.memref_squeeze %dma_wait3A_30 : memref<1x125x80xi32, #tpu.memory_space<hbm>> -> memref<125x80xi32, #tpu.memory_space<hbm>>
      %dma_wait3A_32 = arith.constant 0 : i32
      %dma_wait3A_33 = arith.constant 0 : i32
      %dma_wait3A_34 = tpu.memref_slice %arg3[%add3A, %dma_wait3A_32, %dma_wait3A_33] : memref<32x125x80xi32, #tpu.memory_space<hbm>> -> memref<1x125x80xi32, #tpu.memory_space<hbm>>
      %dma_wait3A_35 = tpu.memref_squeeze %dma_wait3A_34 : memref<1x125x80xi32, #tpu.memory_space<hbm>> -> memref<125x80xi32, #tpu.memory_space<hbm>>
      tpu.wait_dma2 semaphore(%run_scoped3A_19 : memref<!tpu.dma_semaphore, #tpu.memory_space<semaphore_mem>>) src(%dma_wait3A_35 : memref<125x80xi32, #tpu.memory_space<hbm>>) dst(%arg7 : memref<125x80xi32, #tpu.memory_space<vmem>>)
      tpu.yield
    }) : () -> ()
    %barrier3A = arith.constant 0 : index
    tpu.barrier barrier_id(%barrier3A)
    %add3A_5 = arith.constant 0 : i32
    %add3A_6 = arith.addi %mul3A_2, %add3A_5 : i32
    %dma_start3A = arith.constant 0 : i32
    %dma_start3A_7 = tpu.memref_slice %arg2[%add3A_6, %dma_start3A] : memref<320000x128xf32, #tpu.memory_space<hbm>> -> memref<80x128xf32, #tpu.memory_space<hbm>>
    %dma_start3A_8 = arith.constant 0 : i32
    %dma_start3A_9 = tpu.memref_slice %arg2[%add3A_6, %dma_start3A_8] : memref<320000x128xf32, #tpu.memory_space<hbm>> -> memref<80x128xf32, #tpu.memory_space<hbm>>
    tpu.enqueue_dma source(%dma_start3A_9 : memref<80x128xf32, #tpu.memory_space<hbm>>) target(%arg8 : memref<80x128xf32, #tpu.memory_space<vmem>>) target_semaphore(%arg10 : memref<!tpu.dma_semaphore, #tpu.memory_space<semaphore_mem>>)
    %scan3A = arith.constant 0 : i32
    %scan3A_10 = arith.constant 0 : i32
    %scan3A_11 = arith.constant 62 : i32
    %scan3A_12 = arith.addi %scan3A_10, %scan3A_11 : i32
    %scan3A_13 = arith.constant 1 : i32
    scf.for %scan3A_19 = %scan3A_10 to %scan3A_12 step %scan3A_13  : i32 {
      %mul3A_20 = arith.constant 2 : i32
      %mul3A_21 = arith.muli %mul3A_20, %scan3A_19 : i32
      %add3A_22 = arith.constant 1 : i32
      %add3A_23 = arith.addi %mul3A_21, %add3A_22 : i32
      %mul3A_24 = arith.constant 80 : i32
      %mul3A_25 = arith.muli %add3A_23, %mul3A_24 : i32
      %add3A_26 = arith.addi %mul3A_2, %mul3A_25 : i32
      %dma_start3A_27 = arith.constant 0 : i32
      %dma_start3A_28 = tpu.memref_slice %arg2[%add3A_26, %dma_start3A_27] : memref<320000x128xf32, #tpu.memory_space<hbm>> -> memref<80x128xf32, #tpu.memory_space<hbm>>
      %dma_start3A_29 = arith.constant 0 : i32
      %dma_start3A_30 = tpu.memref_slice %arg2[%add3A_26, %dma_start3A_29] : memref<320000x128xf32, #tpu.memory_space<hbm>> -> memref<80x128xf32, #tpu.memory_space<hbm>>
      tpu.enqueue_dma source(%dma_start3A_30 : memref<80x128xf32, #tpu.memory_space<hbm>>) target(%arg9 : memref<80x128xf32, #tpu.memory_space<vmem>>) target_semaphore(%arg11 : memref<!tpu.dma_semaphore, #tpu.memory_space<semaphore_mem>>)
      %dma_wait3A_31 = arith.constant 0 : i32
      %dma_wait3A_32 = tpu.memref_slice %arg2[%mul3A_2, %dma_wait3A_31] : memref<320000x128xf32, #tpu.memory_space<hbm>> -> memref<80x128xf32, #tpu.memory_space<hbm>>
      %dma_wait3A_33 = arith.constant 0 : i32
      %dma_wait3A_34 = tpu.memref_slice %arg2[%mul3A_2, %dma_wait3A_33] : memref<320000x128xf32, #tpu.memory_space<hbm>> -> memref<80x128xf32, #tpu.memory_space<hbm>>
      tpu.wait_dma2 semaphore(%arg10 : memref<!tpu.dma_semaphore, #tpu.memory_space<semaphore_mem>>) src(%dma_wait3A_34 : memref<80x128xf32, #tpu.memory_space<hbm>>) dst(%arg8 : memref<80x128xf32, #tpu.memory_space<vmem>>)
      "tpu.region"() ({
        %run_scoped3A_50 = tpu.sem_alloc : memref<!tpu.dma_semaphore, #tpu.memory_space<semaphore_mem>>
        %dma_start3A_51 = arith.constant 0 : i32
        %dma_start3A_52 = tpu.memref_slice %arg7[%mul3A_21, %dma_start3A_51] : memref<125x80xi32, #tpu.memory_space<vmem>> -> memref<1x80xi32, #tpu.memory_space<vmem>>
        %dma_start3A_53 = tpu.memref_squeeze %dma_start3A_52 : memref<1x80xi32, #tpu.memory_space<vmem>> -> memref<80xi32, #tpu.memory_space<vmem>>
        %dma_start3A_54 = arith.constant 0 : i32
        %dma_start3A_55 = arith.constant 0 : i32
        %dma_start3A_56 = tpu.memref_slice %arg6[%dma_start3A_54, %dma_start3A_55] : memref<10240x128xf32, #tpu.memory_space<vmem_shared>> -> memref<10240x128xf32, #tpu.memory_space<vmem_shared>>
        tpu.enqueue_indirect_dma source(%arg8 : memref<80x128xf32, #tpu.memory_space<vmem>>) target(%dma_start3A_56 : memref<10240x128xf32, #tpu.memory_space<vmem_shared>>) offsets(%dma_start3A_53 : memref<80xi32, #tpu.memory_space<vmem>>) semaphore(%run_scoped3A_50 : memref<!tpu.dma_semaphore, #tpu.memory_space<semaphore_mem>>) {add = true}
        %dma_wait3A_57 = arith.constant 0 : i32
        %dma_wait3A_58 = tpu.memref_slice %arg7[%mul3A_21, %dma_wait3A_57] : memref<125x80xi32, #tpu.memory_space<vmem>> -> memref<1x80xi32, #tpu.memory_space<vmem>>
        %dma_wait3A_59 = tpu.memref_squeeze %dma_wait3A_58 : memref<1x80xi32, #tpu.memory_space<vmem>> -> memref<80xi32, #tpu.memory_space<vmem>>
        %dma_wait3A_60 = arith.constant 0 : i32
        %dma_wait3A_61 = arith.constant 0 : i32
        %dma_wait3A_62 = tpu.memref_slice %arg6[%dma_wait3A_60, %dma_wait3A_61] : memref<10240x128xf32, #tpu.memory_space<vmem_shared>> -> memref<10240x128xf32, #tpu.memory_space<vmem_shared>>
        tpu.wait_indirect_dma semaphore(%run_scoped3A_50 : memref<!tpu.dma_semaphore, #tpu.memory_space<semaphore_mem>>) src(%arg8 : memref<80x128xf32, #tpu.memory_space<vmem>>) dst(%dma_wait3A_62 : memref<10240x128xf32, #tpu.memory_space<vmem_shared>>)
        tpu.yield
      }) : () -> ()
      %add3A_35 = arith.constant 2 : i32
      %add3A_36 = arith.addi %mul3A_21, %add3A_35 : i32
      %mul3A_37 = arith.constant 80 : i32
      %mul3A_38 = arith.muli %add3A_36, %mul3A_37 : i32
      %add3A_39 = arith.addi %mul3A_2, %mul3A_38 : i32
      %dma_start3A_40 = arith.constant 0 : i32
      %dma_start3A_41 = tpu.memref_slice %arg2[%add3A_39, %dma_start3A_40] : memref<320000x128xf32, #tpu.memory_space<hbm>> -> memref<80x128xf32, #tpu.memory_space<hbm>>
      %dma_start3A_42 = arith.constant 0 : i32
      %dma_start3A_43 = tpu.memref_slice %arg2[%add3A_39, %dma_start3A_42] : memref<320000x128xf32, #tpu.memory_space<hbm>> -> memref<80x128xf32, #tpu.memory_space<hbm>>
      tpu.enqueue_dma source(%dma_start3A_43 : memref<80x128xf32, #tpu.memory_space<hbm>>) target(%arg8 : memref<80x128xf32, #tpu.memory_space<vmem>>) target_semaphore(%arg10 : memref<!tpu.dma_semaphore, #tpu.memory_space<semaphore_mem>>)
      %dma_wait3A_44 = arith.constant 0 : i32
      %dma_wait3A_45 = tpu.memref_slice %arg2[%mul3A_2, %dma_wait3A_44] : memref<320000x128xf32, #tpu.memory_space<hbm>> -> memref<80x128xf32, #tpu.memory_space<hbm>>
      %dma_wait3A_46 = arith.constant 0 : i32
      %dma_wait3A_47 = tpu.memref_slice %arg2[%mul3A_2, %dma_wait3A_46] : memref<320000x128xf32, #tpu.memory_space<hbm>> -> memref<80x128xf32, #tpu.memory_space<hbm>>
      tpu.wait_dma2 semaphore(%arg11 : memref<!tpu.dma_semaphore, #tpu.memory_space<semaphore_mem>>) src(%dma_wait3A_47 : memref<80x128xf32, #tpu.memory_space<hbm>>) dst(%arg9 : memref<80x128xf32, #tpu.memory_space<vmem>>)
      %add3A_48 = arith.constant 1 : i32
      %add3A_49 = arith.addi %mul3A_21, %add3A_48 : i32
      "tpu.region"() ({
        %run_scoped3A_50 = tpu.sem_alloc : memref<!tpu.dma_semaphore, #tpu.memory_space<semaphore_mem>>
        %dma_start3A_51 = arith.constant 0 : i32
        %dma_start3A_52 = tpu.memref_slice %arg7[%add3A_49, %dma_start3A_51] : memref<125x80xi32, #tpu.memory_space<vmem>> -> memref<1x80xi32, #tpu.memory_space<vmem>>
        %dma_start3A_53 = tpu.memref_squeeze %dma_start3A_52 : memref<1x80xi32, #tpu.memory_space<vmem>> -> memref<80xi32, #tpu.memory_space<vmem>>
        %dma_start3A_54 = arith.constant 0 : i32
        %dma_start3A_55 = arith.constant 0 : i32
        %dma_start3A_56 = tpu.memref_slice %arg6[%dma_start3A_54, %dma_start3A_55] : memref<10240x128xf32, #tpu.memory_space<vmem_shared>> -> memref<10240x128xf32, #tpu.memory_space<vmem_shared>>
        tpu.enqueue_indirect_dma source(%arg9 : memref<80x128xf32, #tpu.memory_space<vmem>>) target(%dma_start3A_56 : memref<10240x128xf32, #tpu.memory_space<vmem_shared>>) offsets(%dma_start3A_53 : memref<80xi32, #tpu.memory_space<vmem>>) semaphore(%run_scoped3A_50 : memref<!tpu.dma_semaphore, #tpu.memory_space<semaphore_mem>>) {add = true}
        %dma_wait3A_57 = arith.constant 0 : i32
        %dma_wait3A_58 = tpu.memref_slice %arg7[%add3A_49, %dma_wait3A_57] : memref<125x80xi32, #tpu.memory_space<vmem>> -> memref<1x80xi32, #tpu.memory_space<vmem>>
        %dma_wait3A_59 = tpu.memref_squeeze %dma_wait3A_58 : memref<1x80xi32, #tpu.memory_space<vmem>> -> memref<80xi32, #tpu.memory_space<vmem>>
        %dma_wait3A_60 = arith.constant 0 : i32
        %dma_wait3A_61 = arith.constant 0 : i32
        %dma_wait3A_62 = tpu.memref_slice %arg6[%dma_wait3A_60, %dma_wait3A_61] : memref<10240x128xf32, #tpu.memory_space<vmem_shared>> -> memref<10240x128xf32, #tpu.memory_space<vmem_shared>>
        tpu.wait_indirect_dma semaphore(%run_scoped3A_50 : memref<!tpu.dma_semaphore, #tpu.memory_space<semaphore_mem>>) src(%arg9 : memref<80x128xf32, #tpu.memory_space<vmem>>) dst(%dma_wait3A_62 : memref<10240x128xf32, #tpu.memory_space<vmem_shared>>)
        tpu.yield
      }) : () -> ()
    }
    %scan3A_14 = arith.constant 62 : i32
    %dma_wait3A = arith.constant 0 : i32
    %dma_wait3A_15 = tpu.memref_slice %arg2[%mul3A_2, %dma_wait3A] : memref<320000x128xf32, #tpu.memory_space<hbm>> -> memref<80x128xf32, #tpu.memory_space<hbm>>
    %dma_wait3A_16 = arith.constant 0 : i32
    %dma_wait3A_17 = tpu.memref_slice %arg2[%mul3A_2, %dma_wait3A_16] : memref<320000x128xf32, #tpu.memory_space<hbm>> -> memref<80x128xf32, #tpu.memory_space<hbm>>
    tpu.wait_dma2 semaphore(%arg10 : memref<!tpu.dma_semaphore, #tpu.memory_space<semaphore_mem>>) src(%dma_wait3A_17 : memref<80x128xf32, #tpu.memory_space<hbm>>) dst(%arg8 : memref<80x128xf32, #tpu.memory_space<vmem>>)
    %run_scoped3A = arith.constant 124 : i32
    "tpu.region"() ({
      %run_scoped3A_19 = tpu.sem_alloc : memref<!tpu.dma_semaphore, #tpu.memory_space<semaphore_mem>>
      %dma_start3A_20 = arith.constant 0 : i32
      %dma_start3A_21 = tpu.memref_slice %arg7[%run_scoped3A, %dma_start3A_20] : memref<125x80xi32, #tpu.memory_space<vmem>> -> memref<1x80xi32, #tpu.memory_space<vmem>>
      %dma_start3A_22 = tpu.memref_squeeze %dma_start3A_21 : memref<1x80xi32, #tpu.memory_space<vmem>> -> memref<80xi32, #tpu.memory_space<vmem>>
      %dma_start3A_23 = arith.constant 0 : i32
      %dma_start3A_24 = arith.constant 0 : i32
      %dma_start3A_25 = tpu.memref_slice %arg6[%dma_start3A_23, %dma_start3A_24] : memref<10240x128xf32, #tpu.memory_space<vmem_shared>> -> memref<10240x128xf32, #tpu.memory_space<vmem_shared>>
      tpu.enqueue_indirect_dma source(%arg8 : memref<80x128xf32, #tpu.memory_space<vmem>>) target(%dma_start3A_25 : memref<10240x128xf32, #tpu.memory_space<vmem_shared>>) offsets(%dma_start3A_22 : memref<80xi32, #tpu.memory_space<vmem>>) semaphore(%run_scoped3A_19 : memref<!tpu.dma_semaphore, #tpu.memory_space<semaphore_mem>>) {add = true}
      %dma_wait3A_26 = arith.constant 0 : i32
      %dma_wait3A_27 = tpu.memref_slice %arg7[%run_scoped3A, %dma_wait3A_26] : memref<125x80xi32, #tpu.memory_space<vmem>> -> memref<1x80xi32, #tpu.memory_space<vmem>>
      %dma_wait3A_28 = tpu.memref_squeeze %dma_wait3A_27 : memref<1x80xi32, #tpu.memory_space<vmem>> -> memref<80xi32, #tpu.memory_space<vmem>>
      %dma_wait3A_29 = arith.constant 0 : i32
      %dma_wait3A_30 = arith.constant 0 : i32
      %dma_wait3A_31 = tpu.memref_slice %arg6[%dma_wait3A_29, %dma_wait3A_30] : memref<10240x128xf32, #tpu.memory_space<vmem_shared>> -> memref<10240x128xf32, #tpu.memory_space<vmem_shared>>
      tpu.wait_indirect_dma semaphore(%run_scoped3A_19 : memref<!tpu.dma_semaphore, #tpu.memory_space<semaphore_mem>>) src(%arg8 : memref<80x128xf32, #tpu.memory_space<vmem>>) dst(%dma_wait3A_31 : memref<10240x128xf32, #tpu.memory_space<vmem_shared>>)
      tpu.yield
    }) : () -> ()
    %barrier3A_18 = arith.constant 0 : index
    tpu.barrier barrier_id(%barrier3A_18)
    "tpu.region"() ({
      %run_scoped3A_19 = tpu.sem_alloc : memref<!tpu.dma_semaphore, #tpu.memory_space<semaphore_mem>>
      %dma_start3A_20 = arith.constant 0 : i32
      %dma_start3A_21 = arith.constant 0 : i32
      %dma_start3A_22 = tpu.memref_slice %arg5[%arg0, %dma_start3A_20, %dma_start3A_21] : memref<2x10240x128xf32, #tpu.memory_space<hbm>> -> memref<1x10240x128xf32, #tpu.memory_space<hbm>>
      %dma_start3A_23 = tpu.memref_squeeze %dma_start3A_22 : memref<1x10240x128xf32, #tpu.memory_space<hbm>> -> memref<10240x128xf32, #tpu.memory_space<hbm>>
      %dma_start3A_24 = arith.constant 0 : i32
      %dma_start3A_25 = tpu.memref_slice %dma_start3A_23[%mul3A_4, %dma_start3A_24] : memref<10240x128xf32, #tpu.memory_space<hbm>> -> memref<640x128xf32, #tpu.memory_space<hbm>>
      %dma_start3A_26 = arith.constant 0 : i32
      %dma_start3A_27 = tpu.memref_slice %arg6[%mul3A_4, %dma_start3A_26] : memref<10240x128xf32, #tpu.memory_space<vmem_shared>> -> memref<640x128xf32, #tpu.memory_space<vmem_shared>>
      tpu.enqueue_dma source(%dma_start3A_27 : memref<640x128xf32, #tpu.memory_space<vmem_shared>>) target(%dma_start3A_25 : memref<640x128xf32, #tpu.memory_space<hbm>>) target_semaphore(%run_scoped3A_19 : memref<!tpu.dma_semaphore, #tpu.memory_space<semaphore_mem>>)
      %dma_wait3A_28 = arith.constant 0 : i32
      %dma_wait3A_29 = arith.constant 0 : i32
      %dma_wait3A_30 = tpu.memref_slice %arg5[%arg0, %dma_wait3A_28, %dma_wait3A_29] : memref<2x10240x128xf32, #tpu.memory_space<hbm>> -> memref<1x10240x128xf32, #tpu.memory_space<hbm>>
      %dma_wait3A_31 = tpu.memref_squeeze %dma_wait3A_30 : memref<1x10240x128xf32, #tpu.memory_space<hbm>> -> memref<10240x128xf32, #tpu.memory_space<hbm>>
      %dma_wait3A_32 = arith.constant 0 : i32
      %dma_wait3A_33 = tpu.memref_slice %dma_wait3A_31[%mul3A_4, %dma_wait3A_32] : memref<10240x128xf32, #tpu.memory_space<hbm>> -> memref<640x128xf32, #tpu.memory_space<hbm>>
      %dma_wait3A_34 = arith.constant 0 : i32
      %dma_wait3A_35 = tpu.memref_slice %arg6[%mul3A_4, %dma_wait3A_34] : memref<10240x128xf32, #tpu.memory_space<vmem_shared>> -> memref<640x128xf32, #tpu.memory_space<vmem_shared>>
      tpu.wait_dma2 semaphore(%run_scoped3A_19 : memref<!tpu.dma_semaphore, #tpu.memory_space<semaphore_mem>>) src(%dma_wait3A_35 : memref<640x128xf32, #tpu.memory_space<vmem_shared>>) dst(%dma_wait3A_33 : memref<640x128xf32, #tpu.memory_space<hbm>>)
      tpu.yield
    }) : () -> ()
    return
  }
}

#map = affine_map<(d0, d1) -> (0, 0)>
#map1 = affine_map<(d0, d1) -> (0)>
module attributes {stable_mosaic.version = 14 : i64} {
  func.func @_gather_body(%arg0: i32, %arg1: i32, %arg2: memref<10240x128xf32, #tpu.memory_space<hbm>>, %arg3: memref<10240x128xf32, #tpu.memory_space<hbm>>, %arg4: memref<10000xf32, #tpu.memory_space<hbm>>, %arg5: memref<10000xf32, #tpu.memory_space<hbm>>, %arg6: memref<10000xf32, #tpu.memory_space<hbm>>, %arg7: memref<320000xi32, #tpu.memory_space<hbm>>, %arg8: memref<320000xi32, #tpu.memory_space<hbm>>, %arg9: memref<320000x128xf32, #tpu.memory_space<hbm>>, %arg10: memref<320000xf32, #tpu.memory_space<hbm>>, %arg11: memref<320000xf32, #tpu.memory_space<hbm>>, %arg12: memref<320000xf32, #tpu.memory_space<hbm>>, %arg13: memref<10000xi32, #tpu.memory_space<vmem>>, %arg14: memref<10000xi32, #tpu.memory_space<vmem>>, %arg15: memref<80x128xf32, #tpu.memory_space<vmem>>, %arg16: memref<80x128xf32, #tpu.memory_space<vmem>>, %arg17: memref<80x128xf32, #tpu.memory_space<vmem>>, %arg18: memref<80x128xf32, #tpu.memory_space<vmem>>, %arg19: memref<10000xf32, #tpu.memory_space<vmem>>, %arg20: memref<10000xf32, #tpu.memory_space<vmem>>, %arg21: memref<10000xf32, #tpu.memory_space<vmem>>, %arg22: memref<10000xf32, #tpu.memory_space<vmem>>, %arg23: memref<10000xf32, #tpu.memory_space<vmem>>, %arg24: memref<10000xf32, #tpu.memory_space<vmem>>, %arg25: memref<!tpu.dma_semaphore, #tpu.memory_space<semaphore_mem>>, %arg26: memref<!tpu.dma_semaphore, #tpu.memory_space<semaphore_mem>>, %arg27: memref<!tpu.dma_semaphore, #tpu.memory_space<semaphore_mem>>, %arg28: memref<!tpu.dma_semaphore, #tpu.memory_space<semaphore_mem>>) attributes {dimension_semantics = [#tpu.dimension_semantics<core_parallel>, #tpu.dimension_semantics<subcore_parallel>], iteration_bounds = array<i64: 2, 16>, scalar_prefetch = 0 : i64, scratch_operands = 16 : i64, tpu.core_type = #tpu.core_type<sc_vector_subcore>, window_params = [{transform_indices = #map}, {transform_indices = #map}, {transform_indices = #map1}, {transform_indices = #map1}, {transform_indices = #map1}, {transform_indices = #map1}, {transform_indices = #map1}, {transform_indices = #map}, {transform_indices = #map1}, {transform_indices = #map1}, {transform_indices = #map1}]} {
    %mul3A = arith.constant 2 : i32
    %mul3A_0 = arith.muli %arg1, %mul3A : i32
    %add3A = arith.addi %mul3A_0, %arg0 : i32
    %mul3A_1 = arith.constant 10000 : i32
    %mul3A_2 = arith.muli %add3A, %mul3A_1 : i32
    "tpu.region"() ({
      %run_scoped3A = tpu.sem_alloc : memref<!tpu.dma_semaphore, #tpu.memory_space<semaphore_mem>>
      tpu.enqueue_dma source(%arg4 : memref<10000xf32, #tpu.memory_space<hbm>>) target(%arg19 : memref<10000xf32, #tpu.memory_space<vmem>>) target_semaphore(%run_scoped3A : memref<!tpu.dma_semaphore, #tpu.memory_space<semaphore_mem>>)
      tpu.wait_dma2 semaphore(%run_scoped3A : memref<!tpu.dma_semaphore, #tpu.memory_space<semaphore_mem>>) src(%arg4 : memref<10000xf32, #tpu.memory_space<hbm>>) dst(%arg19 : memref<10000xf32, #tpu.memory_space<vmem>>)
      tpu.yield
    }) : () -> ()
    "tpu.region"() ({
      %run_scoped3A = tpu.sem_alloc : memref<!tpu.dma_semaphore, #tpu.memory_space<semaphore_mem>>
      tpu.enqueue_dma source(%arg5 : memref<10000xf32, #tpu.memory_space<hbm>>) target(%arg20 : memref<10000xf32, #tpu.memory_space<vmem>>) target_semaphore(%run_scoped3A : memref<!tpu.dma_semaphore, #tpu.memory_space<semaphore_mem>>)
      tpu.wait_dma2 semaphore(%run_scoped3A : memref<!tpu.dma_semaphore, #tpu.memory_space<semaphore_mem>>) src(%arg5 : memref<10000xf32, #tpu.memory_space<hbm>>) dst(%arg20 : memref<10000xf32, #tpu.memory_space<vmem>>)
      tpu.yield
    }) : () -> ()
    "tpu.region"() ({
      %run_scoped3A = tpu.sem_alloc : memref<!tpu.dma_semaphore, #tpu.memory_space<semaphore_mem>>
      tpu.enqueue_dma source(%arg6 : memref<10000xf32, #tpu.memory_space<hbm>>) target(%arg21 : memref<10000xf32, #tpu.memory_space<vmem>>) target_semaphore(%run_scoped3A : memref<!tpu.dma_semaphore, #tpu.memory_space<semaphore_mem>>)
      tpu.wait_dma2 semaphore(%run_scoped3A : memref<!tpu.dma_semaphore, #tpu.memory_space<semaphore_mem>>) src(%arg6 : memref<10000xf32, #tpu.memory_space<hbm>>) dst(%arg21 : memref<10000xf32, #tpu.memory_space<vmem>>)
      tpu.yield
    }) : () -> ()
    "tpu.region"() ({
      %run_scoped3A = tpu.sem_alloc : memref<!tpu.dma_semaphore, #tpu.memory_space<semaphore_mem>>
      %dma_start3A_125 = tpu.memref_slice %arg7[%mul3A_2] : memref<320000xi32, #tpu.memory_space<hbm>> -> memref<10000xi32, #tpu.memory_space<hbm>>
      %dma_start3A_126 = tpu.memref_slice %arg7[%mul3A_2] : memref<320000xi32, #tpu.memory_space<hbm>> -> memref<10000xi32, #tpu.memory_space<hbm>>
      tpu.enqueue_dma source(%dma_start3A_126 : memref<10000xi32, #tpu.memory_space<hbm>>) target(%arg13 : memref<10000xi32, #tpu.memory_space<vmem>>) target_semaphore(%run_scoped3A : memref<!tpu.dma_semaphore, #tpu.memory_space<semaphore_mem>>)
      %dma_wait3A_127 = tpu.memref_slice %arg7[%mul3A_2] : memref<320000xi32, #tpu.memory_space<hbm>> -> memref<10000xi32, #tpu.memory_space<hbm>>
      %dma_wait3A_128 = tpu.memref_slice %arg7[%mul3A_2] : memref<320000xi32, #tpu.memory_space<hbm>> -> memref<10000xi32, #tpu.memory_space<hbm>>
      tpu.wait_dma2 semaphore(%run_scoped3A : memref<!tpu.dma_semaphore, #tpu.memory_space<semaphore_mem>>) src(%dma_wait3A_128 : memref<10000xi32, #tpu.memory_space<hbm>>) dst(%arg13 : memref<10000xi32, #tpu.memory_space<vmem>>)
      tpu.yield
    }) : () -> ()
    "tpu.region"() ({
      %run_scoped3A = tpu.sem_alloc : memref<!tpu.dma_semaphore, #tpu.memory_space<semaphore_mem>>
      %dma_start3A_125 = tpu.memref_slice %arg8[%mul3A_2] : memref<320000xi32, #tpu.memory_space<hbm>> -> memref<10000xi32, #tpu.memory_space<hbm>>
      %dma_start3A_126 = tpu.memref_slice %arg8[%mul3A_2] : memref<320000xi32, #tpu.memory_space<hbm>> -> memref<10000xi32, #tpu.memory_space<hbm>>
      tpu.enqueue_dma source(%dma_start3A_126 : memref<10000xi32, #tpu.memory_space<hbm>>) target(%arg14 : memref<10000xi32, #tpu.memory_space<vmem>>) target_semaphore(%run_scoped3A : memref<!tpu.dma_semaphore, #tpu.memory_space<semaphore_mem>>)
      %dma_wait3A_127 = tpu.memref_slice %arg8[%mul3A_2] : memref<320000xi32, #tpu.memory_space<hbm>> -> memref<10000xi32, #tpu.memory_space<hbm>>
      %dma_wait3A_128 = tpu.memref_slice %arg8[%mul3A_2] : memref<320000xi32, #tpu.memory_space<hbm>> -> memref<10000xi32, #tpu.memory_space<hbm>>
      tpu.wait_dma2 semaphore(%run_scoped3A : memref<!tpu.dma_semaphore, #tpu.memory_space<semaphore_mem>>) src(%dma_wait3A_128 : memref<10000xi32, #tpu.memory_space<hbm>>) dst(%arg14 : memref<10000xi32, #tpu.memory_space<vmem>>)
      tpu.yield
    }) : () -> ()
    %dma_start3A = arith.constant 0 : i32
    %dma_start3A_3 = tpu.memref_slice %arg13[%dma_start3A] : memref<10000xi32, #tpu.memory_space<vmem>> -> memref<80xi32, #tpu.memory_space<vmem>>
    %dma_start3A_4 = arith.constant 0 : i32
    %dma_start3A_5 = arith.constant 0 : i32
    %dma_start3A_6 = tpu.memref_slice %arg2[%dma_start3A_4, %dma_start3A_5] : memref<10240x128xf32, #tpu.memory_space<hbm>> -> memref<10240x128xf32, #tpu.memory_space<hbm>>
    tpu.enqueue_indirect_dma source(%dma_start3A_6 : memref<10240x128xf32, #tpu.memory_space<hbm>>) target(%arg15 : memref<80x128xf32, #tpu.memory_space<vmem>>) offsets(%dma_start3A_3 : memref<80xi32, #tpu.memory_space<vmem>>) semaphore(%arg25 : memref<!tpu.dma_semaphore, #tpu.memory_space<semaphore_mem>>)
    %dma_start3A_7 = arith.constant 0 : i32
    %dma_start3A_8 = tpu.memref_slice %arg14[%dma_start3A_7] : memref<10000xi32, #tpu.memory_space<vmem>> -> memref<80xi32, #tpu.memory_space<vmem>>
    %dma_start3A_9 = arith.constant 0 : i32
    %dma_start3A_10 = arith.constant 0 : i32
    %dma_start3A_11 = tpu.memref_slice %arg3[%dma_start3A_9, %dma_start3A_10] : memref<10240x128xf32, #tpu.memory_space<hbm>> -> memref<10240x128xf32, #tpu.memory_space<hbm>>
    tpu.enqueue_indirect_dma source(%dma_start3A_11 : memref<10240x128xf32, #tpu.memory_space<hbm>>) target(%arg16 : memref<80x128xf32, #tpu.memory_space<vmem>>) offsets(%dma_start3A_8 : memref<80xi32, #tpu.memory_space<vmem>>) semaphore(%arg26 : memref<!tpu.dma_semaphore, #tpu.memory_space<semaphore_mem>>)
    %scan3A = arith.constant 0 : i32
    %scan3A_12 = arith.constant 0 : i32
    %scan3A_13 = arith.constant 62 : i32
    %scan3A_14 = arith.addi %scan3A_12, %scan3A_13 : i32
    %scan3A_15 = arith.constant 1 : i32
    scf.for %scan3A_125 = %scan3A_12 to %scan3A_14 step %scan3A_15  : i32 {
      %mul3A_126 = arith.constant 2 : i32
      %mul3A_127 = arith.muli %mul3A_126, %scan3A_125 : i32
      %add3A_128 = arith.constant 1 : i32
      %add3A_129 = arith.addi %mul3A_127, %add3A_128 : i32
      %mul3A_130 = arith.constant 80 : i32
      %mul3A_131 = arith.muli %add3A_129, %mul3A_130 : i32
      %dma_start3A_132 = tpu.memref_slice %arg13[%mul3A_131] : memref<10000xi32, #tpu.memory_space<vmem>> -> memref<80xi32, #tpu.memory_space<vmem>>
      %dma_start3A_133 = arith.constant 0 : i32
      %dma_start3A_134 = arith.constant 0 : i32
      %dma_start3A_135 = tpu.memref_slice %arg2[%dma_start3A_133, %dma_start3A_134] : memref<10240x128xf32, #tpu.memory_space<hbm>> -> memref<10240x128xf32, #tpu.memory_space<hbm>>
      tpu.enqueue_indirect_dma source(%dma_start3A_135 : memref<10240x128xf32, #tpu.memory_space<hbm>>) target(%arg17 : memref<80x128xf32, #tpu.memory_space<vmem>>) offsets(%dma_start3A_132 : memref<80xi32, #tpu.memory_space<vmem>>) semaphore(%arg27 : memref<!tpu.dma_semaphore, #tpu.memory_space<semaphore_mem>>)
      %dma_start3A_136 = tpu.memref_slice %arg14[%mul3A_131] : memref<10000xi32, #tpu.memory_space<vmem>> -> memref<80xi32, #tpu.memory_space<vmem>>
      %dma_start3A_137 = arith.constant 0 : i32
      %dma_start3A_138 = arith.constant 0 : i32
      %dma_start3A_139 = tpu.memref_slice %arg3[%dma_start3A_137, %dma_start3A_138] : memref<10240x128xf32, #tpu.memory_space<hbm>> -> memref<10240x128xf32, #tpu.memory_space<hbm>>
      tpu.enqueue_indirect_dma source(%dma_start3A_139 : memref<10240x128xf32, #tpu.memory_space<hbm>>) target(%arg18 : memref<80x128xf32, #tpu.memory_space<vmem>>) offsets(%dma_start3A_136 : memref<80xi32, #tpu.memory_space<vmem>>) semaphore(%arg28 : memref<!tpu.dma_semaphore, #tpu.memory_space<semaphore_mem>>)
      %dma_wait3A_140 = arith.constant 0 : i32
      %dma_wait3A_141 = tpu.memref_slice %arg13[%dma_wait3A_140] : memref<10000xi32, #tpu.memory_space<vmem>> -> memref<80xi32, #tpu.memory_space<vmem>>
      %dma_wait3A_142 = arith.constant 0 : i32
      %dma_wait3A_143 = arith.constant 0 : i32
      %dma_wait3A_144 = tpu.memref_slice %arg2[%dma_wait3A_142, %dma_wait3A_143] : memref<10240x128xf32, #tpu.memory_space<hbm>> -> memref<10240x128xf32, #tpu.memory_space<hbm>>
      tpu.wait_indirect_dma semaphore(%arg25 : memref<!tpu.dma_semaphore, #tpu.memory_space<semaphore_mem>>) src(%dma_wait3A_144 : memref<10240x128xf32, #tpu.memory_space<hbm>>) dst(%arg15 : memref<80x128xf32, #tpu.memory_space<vmem>>)
      %dma_wait3A_145 = arith.constant 0 : i32
      %dma_wait3A_146 = tpu.memref_slice %arg14[%dma_wait3A_145] : memref<10000xi32, #tpu.memory_space<vmem>> -> memref<80xi32, #tpu.memory_space<vmem>>
      %dma_wait3A_147 = arith.constant 0 : i32
      %dma_wait3A_148 = arith.constant 0 : i32
      %dma_wait3A_149 = tpu.memref_slice %arg3[%dma_wait3A_147, %dma_wait3A_148] : memref<10240x128xf32, #tpu.memory_space<hbm>> -> memref<10240x128xf32, #tpu.memory_space<hbm>>
      tpu.wait_indirect_dma semaphore(%arg26 : memref<!tpu.dma_semaphore, #tpu.memory_space<semaphore_mem>>) src(%dma_wait3A_149 : memref<10240x128xf32, #tpu.memory_space<hbm>>) dst(%arg16 : memref<80x128xf32, #tpu.memory_space<vmem>>)
      %mul3A_150 = arith.constant 80 : i32
      %mul3A_151 = arith.muli %mul3A_127, %mul3A_150 : i32
      %add3A_152 = arith.constant 0 : i32
      %add3A_153 = arith.addi %mul3A_151, %add3A_152 : i32
      %get3A_154 = arith.index_cast %add3A_153 : i32 to index
      %get3A_155 = tpu.vector_load %arg13[%get3A_154] {strides = array<i32>} : memref<10000xi32, #tpu.memory_space<vmem>>, vector<16xi32>,
      %get3A_156 = arith.index_cast %add3A_153 : i32 to index
      %get3A_157 = tpu.vector_load %arg14[%get3A_156] {strides = array<i32>} : memref<10000xi32, #tpu.memory_space<vmem>>, vector<16xi32>,
      %gather3A_158 = tpu.vector_load_idx %arg19[%get3A_157] : memref<10000xf32, #tpu.memory_space<vmem>>[vector<16xi32>], vector<16xf32>,
      %gather3A_159 = tpu.vector_load_idx %arg19[%get3A_155] : memref<10000xf32, #tpu.memory_space<vmem>>[vector<16xi32>], vector<16xf32>,
      %sub3A_160 = arith.subf %gather3A_158, %gather3A_159 : vector<16xf32>
      %swap3A_161 = arith.index_cast %add3A_153 : i32 to index
      %swap3A_162 = tpu.vector_load %arg22[%swap3A_161] {strides = array<i32>} : memref<10000xf32, #tpu.memory_space<vmem>>, vector<16xf32>,
      tpu.vector_store %arg22[%swap3A_161], %sub3A_160 {strides = array<i32>} : memref<10000xf32, #tpu.memory_space<vmem>>, vector<16xf32>,
      %gather3A_163 = tpu.vector_load_idx %arg20[%get3A_157] : memref<10000xf32, #tpu.memory_space<vmem>>[vector<16xi32>], vector<16xf32>,
      %gather3A_164 = tpu.vector_load_idx %arg20[%get3A_155] : memref<10000xf32, #tpu.memory_space<vmem>>[vector<16xi32>], vector<16xf32>,
      %sub3A_165 = arith.subf %gather3A_163, %gather3A_164 : vector<16xf32>
      %swap3A_166 = arith.index_cast %add3A_153 : i32 to index
      %swap3A_167 = tpu.vector_load %arg23[%swap3A_166] {strides = array<i32>} : memref<10000xf32, #tpu.memory_space<vmem>>, vector<16xf32>,
      tpu.vector_store %arg23[%swap3A_166], %sub3A_165 {strides = array<i32>} : memref<10000xf32, #tpu.memory_space<vmem>>, vector<16xf32>,
      %gather3A_168 = tpu.vector_load_idx %arg21[%get3A_157] : memref<10000xf32, #tpu.memory_space<vmem>>[vector<16xi32>], vector<16xf32>,
      %gather3A_169 = tpu.vector_load_idx %arg21[%get3A_155] : memref<10000xf32, #tpu.memory_space<vmem>>[vector<16xi32>], vector<16xf32>,
      %sub3A_170 = arith.subf %gather3A_168, %gather3A_169 : vector<16xf32>
      %swap3A_171 = arith.index_cast %add3A_153 : i32 to index
      %swap3A_172 = tpu.vector_load %arg24[%swap3A_171] {strides = array<i32>} : memref<10000xf32, #tpu.memory_space<vmem>>, vector<16xf32>,
      tpu.vector_store %arg24[%swap3A_171], %sub3A_170 {strides = array<i32>} : memref<10000xf32, #tpu.memory_space<vmem>>, vector<16xf32>,
      %add3A_173 = arith.constant 16 : i32
      %add3A_174 = arith.addi %mul3A_151, %add3A_173 : i32
      %get3A_175 = arith.index_cast %add3A_174 : i32 to index
      %get3A_176 = tpu.vector_load %arg13[%get3A_175] {strides = array<i32>} : memref<10000xi32, #tpu.memory_space<vmem>>, vector<16xi32>,
      %get3A_177 = arith.index_cast %add3A_174 : i32 to index
      %get3A_178 = tpu.vector_load %arg14[%get3A_177] {strides = array<i32>} : memref<10000xi32, #tpu.memory_space<vmem>>, vector<16xi32>,
      %gather3A_179 = tpu.vector_load_idx %arg19[%get3A_178] : memref<10000xf32, #tpu.memory_space<vmem>>[vector<16xi32>], vector<16xf32>,
      %gather3A_180 = tpu.vector_load_idx %arg19[%get3A_176] : memref<10000xf32, #tpu.memory_space<vmem>>[vector<16xi32>], vector<16xf32>,
      %sub3A_181 = arith.subf %gather3A_179, %gather3A_180 : vector<16xf32>
      %swap3A_182 = arith.index_cast %add3A_174 : i32 to index
      %swap3A_183 = tpu.vector_load %arg22[%swap3A_182] {strides = array<i32>} : memref<10000xf32, #tpu.memory_space<vmem>>, vector<16xf32>,
      tpu.vector_store %arg22[%swap3A_182], %sub3A_181 {strides = array<i32>} : memref<10000xf32, #tpu.memory_space<vmem>>, vector<16xf32>,
      %gather3A_184 = tpu.vector_load_idx %arg20[%get3A_178] : memref<10000xf32, #tpu.memory_space<vmem>>[vector<16xi32>], vector<16xf32>,
      %gather3A_185 = tpu.vector_load_idx %arg20[%get3A_176] : memref<10000xf32, #tpu.memory_space<vmem>>[vector<16xi32>], vector<16xf32>,
      %sub3A_186 = arith.subf %gather3A_184, %gather3A_185 : vector<16xf32>
      %swap3A_187 = arith.index_cast %add3A_174 : i32 to index
      %swap3A_188 = tpu.vector_load %arg23[%swap3A_187] {strides = array<i32>} : memref<10000xf32, #tpu.memory_space<vmem>>, vector<16xf32>,
      tpu.vector_store %arg23[%swap3A_187], %sub3A_186 {strides = array<i32>} : memref<10000xf32, #tpu.memory_space<vmem>>, vector<16xf32>,
      %gather3A_189 = tpu.vector_load_idx %arg21[%get3A_178] : memref<10000xf32, #tpu.memory_space<vmem>>[vector<16xi32>], vector<16xf32>,
      %gather3A_190 = tpu.vector_load_idx %arg21[%get3A_176] : memref<10000xf32, #tpu.memory_space<vmem>>[vector<16xi32>], vector<16xf32>,
      %sub3A_191 = arith.subf %gather3A_189, %gather3A_190 : vector<16xf32>
      %swap3A_192 = arith.index_cast %add3A_174 : i32 to index
      %swap3A_193 = tpu.vector_load %arg24[%swap3A_192] {strides = array<i32>} : memref<10000xf32, #tpu.memory_space<vmem>>, vector<16xf32>,
      tpu.vector_store %arg24[%swap3A_192], %sub3A_191 {strides = array<i32>} : memref<10000xf32, #tpu.memory_space<vmem>>, vector<16xf32>,
      %add3A_194 = arith.constant 32 : i32
      %add3A_195 = arith.addi %mul3A_151, %add3A_194 : i32
      %get3A_196 = arith.index_cast %add3A_195 : i32 to index
      %get3A_197 = tpu.vector_load %arg13[%get3A_196] {strides = array<i32>} : memref<10000xi32, #tpu.memory_space<vmem>>, vector<16xi32>,
      %get3A_198 = arith.index_cast %add3A_195 : i32 to index
      %get3A_199 = tpu.vector_load %arg14[%get3A_198] {strides = array<i32>} : memref<10000xi32, #tpu.memory_space<vmem>>, vector<16xi32>,
      %gather3A_200 = tpu.vector_load_idx %arg19[%get3A_199] : memref<10000xf32, #tpu.memory_space<vmem>>[vector<16xi32>], vector<16xf32>,
      %gather3A_201 = tpu.vector_load_idx %arg19[%get3A_197] : memref<10000xf32, #tpu.memory_space<vmem>>[vector<16xi32>], vector<16xf32>,
      %sub3A_202 = arith.subf %gather3A_200, %gather3A_201 : vector<16xf32>
      %swap3A_203 = arith.index_cast %add3A_195 : i32 to index
      %swap3A_204 = tpu.vector_load %arg22[%swap3A_203] {strides = array<i32>} : memref<10000xf32, #tpu.memory_space<vmem>>, vector<16xf32>,
      tpu.vector_store %arg22[%swap3A_203], %sub3A_202 {strides = array<i32>} : memref<10000xf32, #tpu.memory_space<vmem>>, vector<16xf32>,
      %gather3A_205 = tpu.vector_load_idx %arg20[%get3A_199] : memref<10000xf32, #tpu.memory_space<vmem>>[vector<16xi32>], vector<16xf32>,
      %gather3A_206 = tpu.vector_load_idx %arg20[%get3A_197] : memref<10000xf32, #tpu.memory_space<vmem>>[vector<16xi32>], vector<16xf32>,
      %sub3A_207 = arith.subf %gather3A_205, %gather3A_206 : vector<16xf32>
      %swap3A_208 = arith.index_cast %add3A_195 : i32 to index
      %swap3A_209 = tpu.vector_load %arg23[%swap3A_208] {strides = array<i32>} : memref<10000xf32, #tpu.memory_space<vmem>>, vector<16xf32>,
      tpu.vector_store %arg23[%swap3A_208], %sub3A_207 {strides = array<i32>} : memref<10000xf32, #tpu.memory_space<vmem>>, vector<16xf32>,
      %gather3A_210 = tpu.vector_load_idx %arg21[%get3A_199] : memref<10000xf32, #tpu.memory_space<vmem>>[vector<16xi32>], vector<16xf32>,
      %gather3A_211 = tpu.vector_load_idx %arg21[%get3A_197] : memref<10000xf32, #tpu.memory_space<vmem>>[vector<16xi32>], vector<16xf32>,
      %sub3A_212 = arith.subf %gather3A_210, %gather3A_211 : vector<16xf32>
      %swap3A_213 = arith.index_cast %add3A_195 : i32 to index
      %swap3A_214 = tpu.vector_load %arg24[%swap3A_213] {strides = array<i32>} : memref<10000xf32, #tpu.memory_space<vmem>>, vector<16xf32>,
      tpu.vector_store %arg24[%swap3A_213], %sub3A_212 {strides = array<i32>} : memref<10000xf32, #tpu.memory_space<vmem>>, vector<16xf32>,
      %add3A_215 = arith.constant 48 : i32
      %add3A_216 = arith.addi %mul3A_151, %add3A_215 : i32
      %get3A_217 = arith.index_cast %add3A_216 : i32 to index
      %get3A_218 = tpu.vector_load %arg13[%get3A_217] {strides = array<i32>} : memref<10000xi32, #tpu.memory_space<vmem>>, vector<16xi32>,
      %get3A_219 = arith.index_cast %add3A_216 : i32 to index
      %get3A_220 = tpu.vector_load %arg14[%get3A_219] {strides = array<i32>} : memref<10000xi32, #tpu.memory_space<vmem>>, vector<16xi32>,
      %gather3A_221 = tpu.vector_load_idx %arg19[%get3A_220] : memref<10000xf32, #tpu.memory_space<vmem>>[vector<16xi32>], vector<16xf32>,
      %gather3A_222 = tpu.vector_load_idx %arg19[%get3A_218] : memref<10000xf32, #tpu.memory_space<vmem>>[vector<16xi32>], vector<16xf32>,
      %sub3A_223 = arith.subf %gather3A_221, %gather3A_222 : vector<16xf32>
      %swap3A_224 = arith.index_cast %add3A_216 : i32 to index
      %swap3A_225 = tpu.vector_load %arg22[%swap3A_224] {strides = array<i32>} : memref<10000xf32, #tpu.memory_space<vmem>>, vector<16xf32>,
      tpu.vector_store %arg22[%swap3A_224], %sub3A_223 {strides = array<i32>} : memref<10000xf32, #tpu.memory_space<vmem>>, vector<16xf32>,
      %gather3A_226 = tpu.vector_load_idx %arg20[%get3A_220] : memref<10000xf32, #tpu.memory_space<vmem>>[vector<16xi32>], vector<16xf32>,
      %gather3A_227 = tpu.vector_load_idx %arg20[%get3A_218] : memref<10000xf32, #tpu.memory_space<vmem>>[vector<16xi32>], vector<16xf32>,
      %sub3A_228 = arith.subf %gather3A_226, %gather3A_227 : vector<16xf32>
      %swap3A_229 = arith.index_cast %add3A_216 : i32 to index
      %swap3A_230 = tpu.vector_load %arg23[%swap3A_229] {strides = array<i32>} : memref<10000xf32, #tpu.memory_space<vmem>>, vector<16xf32>,
      tpu.vector_store %arg23[%swap3A_229], %sub3A_228 {strides = array<i32>} : memref<10000xf32, #tpu.memory_space<vmem>>, vector<16xf32>,
      %gather3A_231 = tpu.vector_load_idx %arg21[%get3A_220] : memref<10000xf32, #tpu.memory_space<vmem>>[vector<16xi32>], vector<16xf32>,
      %gather3A_232 = tpu.vector_load_idx %arg21[%get3A_218] : memref<10000xf32, #tpu.memory_space<vmem>>[vector<16xi32>], vector<16xf32>,
      %sub3A_233 = arith.subf %gather3A_231, %gather3A_232 : vector<16xf32>
      %swap3A_234 = arith.index_cast %add3A_216 : i32 to index
      %swap3A_235 = tpu.vector_load %arg24[%swap3A_234] {strides = array<i32>} : memref<10000xf32, #tpu.memory_space<vmem>>, vector<16xf32>,
      tpu.vector_store %arg24[%swap3A_234], %sub3A_233 {strides = array<i32>} : memref<10000xf32, #tpu.memory_space<vmem>>, vector<16xf32>,
      %add3A_236 = arith.constant 64 : i32
      %add3A_237 = arith.addi %mul3A_151, %add3A_236 : i32
      %get3A_238 = arith.index_cast %add3A_237 : i32 to index
      %get3A_239 = tpu.vector_load %arg13[%get3A_238] {strides = array<i32>} : memref<10000xi32, #tpu.memory_space<vmem>>, vector<16xi32>,
      %get3A_240 = arith.index_cast %add3A_237 : i32 to index
      %get3A_241 = tpu.vector_load %arg14[%get3A_240] {strides = array<i32>} : memref<10000xi32, #tpu.memory_space<vmem>>, vector<16xi32>,
      %gather3A_242 = tpu.vector_load_idx %arg19[%get3A_241] : memref<10000xf32, #tpu.memory_space<vmem>>[vector<16xi32>], vector<16xf32>,
      %gather3A_243 = tpu.vector_load_idx %arg19[%get3A_239] : memref<10000xf32, #tpu.memory_space<vmem>>[vector<16xi32>], vector<16xf32>,
      %sub3A_244 = arith.subf %gather3A_242, %gather3A_243 : vector<16xf32>
      %swap3A_245 = arith.index_cast %add3A_237 : i32 to index
      %swap3A_246 = tpu.vector_load %arg22[%swap3A_245] {strides = array<i32>} : memref<10000xf32, #tpu.memory_space<vmem>>, vector<16xf32>,
      tpu.vector_store %arg22[%swap3A_245], %sub3A_244 {strides = array<i32>} : memref<10000xf32, #tpu.memory_space<vmem>>, vector<16xf32>,
      %gather3A_247 = tpu.vector_load_idx %arg20[%get3A_241] : memref<10000xf32, #tpu.memory_space<vmem>>[vector<16xi32>], vector<16xf32>,
      %gather3A_248 = tpu.vector_load_idx %arg20[%get3A_239] : memref<10000xf32, #tpu.memory_space<vmem>>[vector<16xi32>], vector<16xf32>,
      %sub3A_249 = arith.subf %gather3A_247, %gather3A_248 : vector<16xf32>
      %swap3A_250 = arith.index_cast %add3A_237 : i32 to index
      %swap3A_251 = tpu.vector_load %arg23[%swap3A_250] {strides = array<i32>} : memref<10000xf32, #tpu.memory_space<vmem>>, vector<16xf32>,
      tpu.vector_store %arg23[%swap3A_250], %sub3A_249 {strides = array<i32>} : memref<10000xf32, #tpu.memory_space<vmem>>, vector<16xf32>,
      %gather3A_252 = tpu.vector_load_idx %arg21[%get3A_241] : memref<10000xf32, #tpu.memory_space<vmem>>[vector<16xi32>], vector<16xf32>,
      %gather3A_253 = tpu.vector_load_idx %arg21[%get3A_239] : memref<10000xf32, #tpu.memory_space<vmem>>[vector<16xi32>], vector<16xf32>,
      %sub3A_254 = arith.subf %gather3A_252, %gather3A_253 : vector<16xf32>
      %swap3A_255 = arith.index_cast %add3A_237 : i32 to index
      %swap3A_256 = tpu.vector_load %arg24[%swap3A_255] {strides = array<i32>} : memref<10000xf32, #tpu.memory_space<vmem>>, vector<16xf32>,
      tpu.vector_store %arg24[%swap3A_255], %sub3A_254 {strides = array<i32>} : memref<10000xf32, #tpu.memory_space<vmem>>, vector<16xf32>,
      %scan3A_257 = arith.constant 0 : i32
      %scan3A_258 = arith.constant 0 : i32
      %scan3A_259 = arith.constant 80 : i32
      %scan3A_260 = arith.addi %scan3A_258, %scan3A_259 : i32
      %scan3A_261 = arith.constant 1 : i32
      scf.for %scan3A_402 = %scan3A_258 to %scan3A_260 step %scan3A_261  : i32 {
        %get3A_403 = arith.index_cast %scan3A_402 : i32 to index
        %get3A_404 = arith.constant 0 : index
        %get3A_405 = tpu.vector_load %arg15[%get3A_403, %get3A_404] {strides = array<i32>} : memref<80x128xf32, #tpu.memory_space<vmem>>, vector<16xf32>,
        %get3A_406 = arith.index_cast %scan3A_402 : i32 to index
        %get3A_407 = arith.constant 0 : index
        %get3A_408 = tpu.vector_load %arg16[%get3A_406, %get3A_407] {strides = array<i32>} : memref<80x128xf32, #tpu.memory_space<vmem>>, vector<16xf32>,
        %add3A_409 = arith.addf %get3A_405, %get3A_408 : vector<16xf32>
        %swap3A_410 = arith.index_cast %scan3A_402 : i32 to index
        %swap3A_411 = arith.constant 0 : index
        %swap3A_412 = tpu.vector_load %arg15[%swap3A_410, %swap3A_411] {strides = array<i32>} : memref<80x128xf32, #tpu.memory_space<vmem>>, vector<16xf32>,
        tpu.vector_store %arg15[%swap3A_410, %swap3A_411], %add3A_409 {strides = array<i32>} : memref<80x128xf32, #tpu.memory_space<vmem>>, vector<16xf32>,
        %get3A_413 = arith.index_cast %scan3A_402 : i32 to index
        %get3A_414 = arith.constant 16 : index
        %get3A_415 = tpu.vector_load %arg15[%get3A_413, %get3A_414] {strides = array<i32>} : memref<80x128xf32, #tpu.memory_space<vmem>>, vector<16xf32>,
        %get3A_416 = arith.index_cast %scan3A_402 : i32 to index
        %get3A_417 = arith.constant 16 : index
        %get3A_418 = tpu.vector_load %arg16[%get3A_416, %get3A_417] {strides = array<i32>} : memref<80x128xf32, #tpu.memory_space<vmem>>, vector<16xf32>,
        %add3A_419 = arith.addf %get3A_415, %get3A_418 : vector<16xf32>
        %swap3A_420 = arith.index_cast %scan3A_402 : i32 to index
        %swap3A_421 = arith.constant 16 : index
        %swap3A_422 = tpu.vector_load %arg15[%swap3A_420, %swap3A_421] {strides = array<i32>} : memref<80x128xf32, #tpu.memory_space<vmem>>, vector<16xf32>,
        tpu.vector_store %arg15[%swap3A_420, %swap3A_421], %add3A_419 {strides = array<i32>} : memref<80x128xf32, #tpu.memory_space<vmem>>, vector<16xf32>,
        %get3A_423 = arith.index_cast %scan3A_402 : i32 to index
        %get3A_424 = arith.constant 32 : index
        %get3A_425 = tpu.vector_load %arg15[%get3A_423, %get3A_424] {strides = array<i32>} : memref<80x128xf32, #tpu.memory_space<vmem>>, vector<16xf32>,
        %get3A_426 = arith.index_cast %scan3A_402 : i32 to index
        %get3A_427 = arith.constant 32 : index
        %get3A_428 = tpu.vector_load %arg16[%get3A_426, %get3A_427] {strides = array<i32>} : memref<80x128xf32, #tpu.memory_space<vmem>>, vector<16xf32>,
        %add3A_429 = arith.addf %get3A_425, %get3A_428 : vector<16xf32>
        %swap3A_430 = arith.index_cast %scan3A_402 : i32 to index
        %swap3A_431 = arith.constant 32 : index
        %swap3A_432 = tpu.vector_load %arg15[%swap3A_430, %swap3A_431] {strides = array<i32>} : memref<80x128xf32, #tpu.memory_space<vmem>>, vector<16xf32>,
        tpu.vector_store %arg15[%swap3A_430, %swap3A_431], %add3A_429 {strides = array<i32>} : memref<80x128xf32, #tpu.memory_space<vmem>>, vector<16xf32>,
        %get3A_433 = arith.index_cast %scan3A_402 : i32 to index
        %get3A_434 = arith.constant 48 : index
        %get3A_435 = tpu.vector_load %arg15[%get3A_433, %get3A_434] {strides = array<i32>} : memref<80x128xf32, #tpu.memory_space<vmem>>, vector<16xf32>,
        %get3A_436 = arith.index_cast %scan3A_402 : i32 to index
        %get3A_437 = arith.constant 48 : index
        %get3A_438 = tpu.vector_load %arg16[%get3A_436, %get3A_437] {strides = array<i32>} : memref<80x128xf32, #tpu.memory_space<vmem>>, vector<16xf32>,
        %add3A_439 = arith.addf %get3A_435, %get3A_438 : vector<16xf32>
        %swap3A_440 = arith.index_cast %scan3A_402 : i32 to index
        %swap3A_441 = arith.constant 48 : index
        %swap3A_442 = tpu.vector_load %arg15[%swap3A_440, %swap3A_441] {strides = array<i32>} : memref<80x128xf32, #tpu.memory_space<vmem>>, vector<16xf32>,
        tpu.vector_store %arg15[%swap3A_440, %swap3A_441], %add3A_439 {strides = array<i32>} : memref<80x128xf32, #tpu.memory_space<vmem>>, vector<16xf32>,
        %get3A_443 = arith.index_cast %scan3A_402 : i32 to index
        %get3A_444 = arith.constant 64 : index
        %get3A_445 = tpu.vector_load %arg15[%get3A_443, %get3A_444] {strides = array<i32>} : memref<80x128xf32, #tpu.memory_space<vmem>>, vector<16xf32>,
        %get3A_446 = arith.index_cast %scan3A_402 : i32 to index
        %get3A_447 = arith.constant 64 : index
        %get3A_448 = tpu.vector_load %arg16[%get3A_446, %get3A_447] {strides = array<i32>} : memref<80x128xf32, #tpu.memory_space<vmem>>, vector<16xf32>,
        %add3A_449 = arith.addf %get3A_445, %get3A_448 : vector<16xf32>
        %swap3A_450 = arith.index_cast %scan3A_402 : i32 to index
        %swap3A_451 = arith.constant 64 : index
        %swap3A_452 = tpu.vector_load %arg15[%swap3A_450, %swap3A_451] {strides = array<i32>} : memref<80x128xf32, #tpu.memory_space<vmem>>, vector<16xf32>,
        tpu.vector_store %arg15[%swap3A_450, %swap3A_451], %add3A_449 {strides = array<i32>} : memref<80x128xf32, #tpu.memory_space<vmem>>, vector<16xf32>,
        %get3A_453 = arith.index_cast %scan3A_402 : i32 to index
        %get3A_454 = arith.constant 80 : index
        %get3A_455 = tpu.vector_load %arg15[%get3A_453, %get3A_454] {strides = array<i32>} : memref<80x128xf32, #tpu.memory_space<vmem>>, vector<16xf32>,
        %get3A_456 = arith.index_cast %scan3A_402 : i32 to index
        %get3A_457 = arith.constant 80 : index
        %get3A_458 = tpu.vector_load %arg16[%get3A_456, %get3A_457] {strides = array<i32>} : memref<80x128xf32, #tpu.memory_space<vmem>>, vector<16xf32>,
        %add3A_459 = arith.addf %get3A_455, %get3A_458 : vector<16xf32>
        %swap3A_460 = arith.index_cast %scan3A_402 : i32 to index
        %swap3A_461 = arith.constant 80 : index
        %swap3A_462 = tpu.vector_load %arg15[%swap3A_460, %swap3A_461] {strides = array<i32>} : memref<80x128xf32, #tpu.memory_space<vmem>>, vector<16xf32>,
        tpu.vector_store %arg15[%swap3A_460, %swap3A_461], %add3A_459 {strides = array<i32>} : memref<80x128xf32, #tpu.memory_space<vmem>>, vector<16xf32>,
        %get3A_463 = arith.index_cast %scan3A_402 : i32 to index
        %get3A_464 = arith.constant 96 : index
        %get3A_465 = tpu.vector_load %arg15[%get3A_463, %get3A_464] {strides = array<i32>} : memref<80x128xf32, #tpu.memory_space<vmem>>, vector<16xf32>,
        %get3A_466 = arith.index_cast %scan3A_402 : i32 to index
        %get3A_467 = arith.constant 96 : index
        %get3A_468 = tpu.vector_load %arg16[%get3A_466, %get3A_467] {strides = array<i32>} : memref<80x128xf32, #tpu.memory_space<vmem>>, vector<16xf32>,
        %add3A_469 = arith.addf %get3A_465, %get3A_468 : vector<16xf32>
        %swap3A_470 = arith.index_cast %scan3A_402 : i32 to index
        %swap3A_471 = arith.constant 96 : index
        %swap3A_472 = tpu.vector_load %arg15[%swap3A_470, %swap3A_471] {strides = array<i32>} : memref<80x128xf32, #tpu.memory_space<vmem>>, vector<16xf32>,
        tpu.vector_store %arg15[%swap3A_470, %swap3A_471], %add3A_469 {strides = array<i32>} : memref<80x128xf32, #tpu.memory_space<vmem>>, vector<16xf32>,
        %get3A_473 = arith.index_cast %scan3A_402 : i32 to index
        %get3A_474 = arith.constant 112 : index
        %get3A_475 = tpu.vector_load %arg15[%get3A_473, %get3A_474] {strides = array<i32>} : memref<80x128xf32, #tpu.memory_space<vmem>>, vector<16xf32>,
        %get3A_476 = arith.index_cast %scan3A_402 : i32 to index
        %get3A_477 = arith.constant 112 : index
        %get3A_478 = tpu.vector_load %arg16[%get3A_476, %get3A_477] {strides = array<i32>} : memref<80x128xf32, #tpu.memory_space<vmem>>, vector<16xf32>,
        %add3A_479 = arith.addf %get3A_475, %get3A_478 : vector<16xf32>
        %swap3A_480 = arith.index_cast %scan3A_402 : i32 to index
        %swap3A_481 = arith.constant 112 : index
        %swap3A_482 = tpu.vector_load %arg15[%swap3A_480, %swap3A_481] {strides = array<i32>} : memref<80x128xf32, #tpu.memory_space<vmem>>, vector<16xf32>,
        tpu.vector_store %arg15[%swap3A_480, %swap3A_481], %add3A_479 {strides = array<i32>} : memref<80x128xf32, #tpu.memory_space<vmem>>, vector<16xf32>,
      }
      %scan3A_262 = arith.constant 80 : i32
      %add3A_263 = arith.addi %mul3A_2, %mul3A_151 : i32
      "tpu.region"() ({
        %run_scoped3A = tpu.sem_alloc : memref<!tpu.dma_semaphore, #tpu.memory_space<semaphore_mem>>
        %dma_start3A_402 = arith.constant 0 : i32
        %dma_start3A_403 = tpu.memref_slice %arg9[%add3A_263, %dma_start3A_402] : memref<320000x128xf32, #tpu.memory_space<hbm>> -> memref<80x128xf32, #tpu.memory_space<hbm>>
        %dma_start3A_404 = arith.constant 0 : i32
        %dma_start3A_405 = tpu.memref_slice %arg9[%add3A_263, %dma_start3A_404] : memref<320000x128xf32, #tpu.memory_space<hbm>> -> memref<80x128xf32, #tpu.memory_space<hbm>>
        tpu.enqueue_dma source(%arg15 : memref<80x128xf32, #tpu.memory_space<vmem>>) target(%dma_start3A_405 : memref<80x128xf32, #tpu.memory_space<hbm>>) target_semaphore(%run_scoped3A : memref<!tpu.dma_semaphore, #tpu.memory_space<semaphore_mem>>)
        %dma_wait3A_406 = arith.constant 0 : i32
        %dma_wait3A_407 = tpu.memref_slice %arg9[%add3A_263, %dma_wait3A_406] : memref<320000x128xf32, #tpu.memory_space<hbm>> -> memref<80x128xf32, #tpu.memory_space<hbm>>
        %dma_wait3A_408 = arith.constant 0 : i32
        %dma_wait3A_409 = tpu.memref_slice %arg9[%add3A_263, %dma_wait3A_408] : memref<320000x128xf32, #tpu.memory_space<hbm>> -> memref<80x128xf32, #tpu.memory_space<hbm>>
        tpu.wait_dma2 semaphore(%run_scoped3A : memref<!tpu.dma_semaphore, #tpu.memory_space<semaphore_mem>>) src(%arg15 : memref<80x128xf32, #tpu.memory_space<vmem>>) dst(%dma_wait3A_409 : memref<80x128xf32, #tpu.memory_space<hbm>>)
        tpu.yield
      }) : () -> ()
      %add3A_264 = arith.constant 2 : i32
      %add3A_265 = arith.addi %mul3A_127, %add3A_264 : i32
      %mul3A_266 = arith.constant 80 : i32
      %mul3A_267 = arith.muli %add3A_265, %mul3A_266 : i32
      %dma_start3A_268 = tpu.memref_slice %arg13[%mul3A_267] : memref<10000xi32, #tpu.memory_space<vmem>> -> memref<80xi32, #tpu.memory_space<vmem>>
      %dma_start3A_269 = arith.constant 0 : i32
      %dma_start3A_270 = arith.constant 0 : i32
      %dma_start3A_271 = tpu.memref_slice %arg2[%dma_start3A_269, %dma_start3A_270] : memref<10240x128xf32, #tpu.memory_space<hbm>> -> memref<10240x128xf32, #tpu.memory_space<hbm>>
      tpu.enqueue_indirect_dma source(%dma_start3A_271 : memref<10240x128xf32, #tpu.memory_space<hbm>>) target(%arg15 : memref<80x128xf32, #tpu.memory_space<vmem>>) offsets(%dma_start3A_268 : memref<80xi32, #tpu.memory_space<vmem>>) semaphore(%arg25 : memref<!tpu.dma_semaphore, #tpu.memory_space<semaphore_mem>>)
      %dma_start3A_272 = tpu.memref_slice %arg14[%mul3A_267] : memref<10000xi32, #tpu.memory_space<vmem>> -> memref<80xi32, #tpu.memory_space<vmem>>
      %dma_start3A_273 = arith.constant 0 : i32
      %dma_start3A_274 = arith.constant 0 : i32
      %dma_start3A_275 = tpu.memref_slice %arg3[%dma_start3A_273, %dma_start3A_274] : memref<10240x128xf32, #tpu.memory_space<hbm>> -> memref<10240x128xf32, #tpu.memory_space<hbm>>
      tpu.enqueue_indirect_dma source(%dma_start3A_275 : memref<10240x128xf32, #tpu.memory_space<hbm>>) target(%arg16 : memref<80x128xf32, #tpu.memory_space<vmem>>) offsets(%dma_start3A_272 : memref<80xi32, #tpu.memory_space<vmem>>) semaphore(%arg26 : memref<!tpu.dma_semaphore, #tpu.memory_space<semaphore_mem>>)
      %dma_wait3A_276 = arith.constant 0 : i32
      %dma_wait3A_277 = tpu.memref_slice %arg13[%dma_wait3A_276] : memref<10000xi32, #tpu.memory_space<vmem>> -> memref<80xi32, #tpu.memory_space<vmem>>
      %dma_wait3A_278 = arith.constant 0 : i32
      %dma_wait3A_279 = arith.constant 0 : i32
      %dma_wait3A_280 = tpu.memref_slice %arg2[%dma_wait3A_278, %dma_wait3A_279] : memref<10240x128xf32, #tpu.memory_space<hbm>> -> memref<10240x128xf32, #tpu.memory_space<hbm>>
      tpu.wait_indirect_dma semaphore(%arg27 : memref<!tpu.dma_semaphore, #tpu.memory_space<semaphore_mem>>) src(%dma_wait3A_280 : memref<10240x128xf32, #tpu.memory_space<hbm>>) dst(%arg17 : memref<80x128xf32, #tpu.memory_space<vmem>>)
      %dma_wait3A_281 = arith.constant 0 : i32
      %dma_wait3A_282 = tpu.memref_slice %arg14[%dma_wait3A_281] : memref<10000xi32, #tpu.memory_space<vmem>> -> memref<80xi32, #tpu.memory_space<vmem>>
      %dma_wait3A_283 = arith.constant 0 : i32
      %dma_wait3A_284 = arith.constant 0 : i32
      %dma_wait3A_285 = tpu.memref_slice %arg3[%dma_wait3A_283, %dma_wait3A_284] : memref<10240x128xf32, #tpu.memory_space<hbm>> -> memref<10240x128xf32, #tpu.memory_space<hbm>>
      tpu.wait_indirect_dma semaphore(%arg28 : memref<!tpu.dma_semaphore, #tpu.memory_space<semaphore_mem>>) src(%dma_wait3A_285 : memref<10240x128xf32, #tpu.memory_space<hbm>>) dst(%arg18 : memref<80x128xf32, #tpu.memory_space<vmem>>)
      %add3A_286 = arith.constant 1 : i32
      %add3A_287 = arith.addi %mul3A_127, %add3A_286 : i32
      %mul3A_288 = arith.constant 80 : i32
      %mul3A_289 = arith.muli %add3A_287, %mul3A_288 : i32
      %add3A_290 = arith.constant 0 : i32
      %add3A_291 = arith.addi %mul3A_289, %add3A_290 : i32
      %get3A_292 = arith.index_cast %add3A_291 : i32 to index
      %get3A_293 = tpu.vector_load %arg13[%get3A_292] {strides = array<i32>} : memref<10000xi32, #tpu.memory_space<vmem>>, vector<16xi32>,
      %get3A_294 = arith.index_cast %add3A_291 : i32 to index
      %get3A_295 = tpu.vector_load %arg14[%get3A_294] {strides = array<i32>} : memref<10000xi32, #tpu.memory_space<vmem>>, vector<16xi32>,
      %gather3A_296 = tpu.vector_load_idx %arg19[%get3A_295] : memref<10000xf32, #tpu.memory_space<vmem>>[vector<16xi32>], vector<16xf32>,
      %gather3A_297 = tpu.vector_load_idx %arg19[%get3A_293] : memref<10000xf32, #tpu.memory_space<vmem>>[vector<16xi32>], vector<16xf32>,
      %sub3A_298 = arith.subf %gather3A_296, %gather3A_297 : vector<16xf32>
      %swap3A_299 = arith.index_cast %add3A_291 : i32 to index
      %swap3A_300 = tpu.vector_load %arg22[%swap3A_299] {strides = array<i32>} : memref<10000xf32, #tpu.memory_space<vmem>>, vector<16xf32>,
      tpu.vector_store %arg22[%swap3A_299], %sub3A_298 {strides = array<i32>} : memref<10000xf32, #tpu.memory_space<vmem>>, vector<16xf32>,
      %gather3A_301 = tpu.vector_load_idx %arg20[%get3A_295] : memref<10000xf32, #tpu.memory_space<vmem>>[vector<16xi32>], vector<16xf32>,
      %gather3A_302 = tpu.vector_load_idx %arg20[%get3A_293] : memref<10000xf32, #tpu.memory_space<vmem>>[vector<16xi32>], vector<16xf32>,
      %sub3A_303 = arith.subf %gather3A_301, %gather3A_302 : vector<16xf32>
      %swap3A_304 = arith.index_cast %add3A_291 : i32 to index
      %swap3A_305 = tpu.vector_load %arg23[%swap3A_304] {strides = array<i32>} : memref<10000xf32, #tpu.memory_space<vmem>>, vector<16xf32>,
      tpu.vector_store %arg23[%swap3A_304], %sub3A_303 {strides = array<i32>} : memref<10000xf32, #tpu.memory_space<vmem>>, vector<16xf32>,
      %gather3A_306 = tpu.vector_load_idx %arg21[%get3A_295] : memref<10000xf32, #tpu.memory_space<vmem>>[vector<16xi32>], vector<16xf32>,
      %gather3A_307 = tpu.vector_load_idx %arg21[%get3A_293] : memref<10000xf32, #tpu.memory_space<vmem>>[vector<16xi32>], vector<16xf32>,
      %sub3A_308 = arith.subf %gather3A_306, %gather3A_307 : vector<16xf32>
      %swap3A_309 = arith.index_cast %add3A_291 : i32 to index
      %swap3A_310 = tpu.vector_load %arg24[%swap3A_309] {strides = array<i32>} : memref<10000xf32, #tpu.memory_space<vmem>>, vector<16xf32>,
      tpu.vector_store %arg24[%swap3A_309], %sub3A_308 {strides = array<i32>} : memref<10000xf32, #tpu.memory_space<vmem>>, vector<16xf32>,
      %add3A_311 = arith.constant 16 : i32
      %add3A_312 = arith.addi %mul3A_289, %add3A_311 : i32
      %get3A_313 = arith.index_cast %add3A_312 : i32 to index
      %get3A_314 = tpu.vector_load %arg13[%get3A_313] {strides = array<i32>} : memref<10000xi32, #tpu.memory_space<vmem>>, vector<16xi32>,
      %get3A_315 = arith.index_cast %add3A_312 : i32 to index
      %get3A_316 = tpu.vector_load %arg14[%get3A_315] {strides = array<i32>} : memref<10000xi32, #tpu.memory_space<vmem>>, vector<16xi32>,
      %gather3A_317 = tpu.vector_load_idx %arg19[%get3A_316] : memref<10000xf32, #tpu.memory_space<vmem>>[vector<16xi32>], vector<16xf32>,
      %gather3A_318 = tpu.vector_load_idx %arg19[%get3A_314] : memref<10000xf32, #tpu.memory_space<vmem>>[vector<16xi32>], vector<16xf32>,
      %sub3A_319 = arith.subf %gather3A_317, %gather3A_318 : vector<16xf32>
      %swap3A_320 = arith.index_cast %add3A_312 : i32 to index
      %swap3A_321 = tpu.vector_load %arg22[%swap3A_320] {strides = array<i32>} : memref<10000xf32, #tpu.memory_space<vmem>>, vector<16xf32>,
      tpu.vector_store %arg22[%swap3A_320], %sub3A_319 {strides = array<i32>} : memref<10000xf32, #tpu.memory_space<vmem>>, vector<16xf32>,
      %gather3A_322 = tpu.vector_load_idx %arg20[%get3A_316] : memref<10000xf32, #tpu.memory_space<vmem>>[vector<16xi32>], vector<16xf32>,
      %gather3A_323 = tpu.vector_load_idx %arg20[%get3A_314] : memref<10000xf32, #tpu.memory_space<vmem>>[vector<16xi32>], vector<16xf32>,
      %sub3A_324 = arith.subf %gather3A_322, %gather3A_323 : vector<16xf32>
      %swap3A_325 = arith.index_cast %add3A_312 : i32 to index
      %swap3A_326 = tpu.vector_load %arg23[%swap3A_325] {strides = array<i32>} : memref<10000xf32, #tpu.memory_space<vmem>>, vector<16xf32>,
      tpu.vector_store %arg23[%swap3A_325], %sub3A_324 {strides = array<i32>} : memref<10000xf32, #tpu.memory_space<vmem>>, vector<16xf32>,
      %gather3A_327 = tpu.vector_load_idx %arg21[%get3A_316] : memref<10000xf32, #tpu.memory_space<vmem>>[vector<16xi32>], vector<16xf32>,
      %gather3A_328 = tpu.vector_load_idx %arg21[%get3A_314] : memref<10000xf32, #tpu.memory_space<vmem>>[vector<16xi32>], vector<16xf32>,
      %sub3A_329 = arith.subf %gather3A_327, %gather3A_328 : vector<16xf32>
      %swap3A_330 = arith.index_cast %add3A_312 : i32 to index
      %swap3A_331 = tpu.vector_load %arg24[%swap3A_330] {strides = array<i32>} : memref<10000xf32, #tpu.memory_space<vmem>>, vector<16xf32>,
      tpu.vector_store %arg24[%swap3A_330], %sub3A_329 {strides = array<i32>} : memref<10000xf32, #tpu.memory_space<vmem>>, vector<16xf32>,
      %add3A_332 = arith.constant 32 : i32
      %add3A_333 = arith.addi %mul3A_289, %add3A_332 : i32
      %get3A_334 = arith.index_cast %add3A_333 : i32 to index
      %get3A_335 = tpu.vector_load %arg13[%get3A_334] {strides = array<i32>} : memref<10000xi32, #tpu.memory_space<vmem>>, vector<16xi32>,
      %get3A_336 = arith.index_cast %add3A_333 : i32 to index
      %get3A_337 = tpu.vector_load %arg14[%get3A_336] {strides = array<i32>} : memref<10000xi32, #tpu.memory_space<vmem>>, vector<16xi32>,
      %gather3A_338 = tpu.vector_load_idx %arg19[%get3A_337] : memref<10000xf32, #tpu.memory_space<vmem>>[vector<16xi32>], vector<16xf32>,
      %gather3A_339 = tpu.vector_load_idx %arg19[%get3A_335] : memref<10000xf32, #tpu.memory_space<vmem>>[vector<16xi32>], vector<16xf32>,
      %sub3A_340 = arith.subf %gather3A_338, %gather3A_339 : vector<16xf32>
      %swap3A_341 = arith.index_cast %add3A_333 : i32 to index
      %swap3A_342 = tpu.vector_load %arg22[%swap3A_341] {strides = array<i32>} : memref<10000xf32, #tpu.memory_space<vmem>>, vector<16xf32>,
      tpu.vector_store %arg22[%swap3A_341], %sub3A_340 {strides = array<i32>} : memref<10000xf32, #tpu.memory_space<vmem>>, vector<16xf32>,
      %gather3A_343 = tpu.vector_load_idx %arg20[%get3A_337] : memref<10000xf32, #tpu.memory_space<vmem>>[vector<16xi32>], vector<16xf32>,
      %gather3A_344 = tpu.vector_load_idx %arg20[%get3A_335] : memref<10000xf32, #tpu.memory_space<vmem>>[vector<16xi32>], vector<16xf32>,
      %sub3A_345 = arith.subf %gather3A_343, %gather3A_344 : vector<16xf32>
      %swap3A_346 = arith.index_cast %add3A_333 : i32 to index
      %swap3A_347 = tpu.vector_load %arg23[%swap3A_346] {strides = array<i32>} : memref<10000xf32, #tpu.memory_space<vmem>>, vector<16xf32>,
      tpu.vector_store %arg23[%swap3A_346], %sub3A_345 {strides = array<i32>} : memref<10000xf32, #tpu.memory_space<vmem>>, vector<16xf32>,
      %gather3A_348 = tpu.vector_load_idx %arg21[%get3A_337] : memref<10000xf32, #tpu.memory_space<vmem>>[vector<16xi32>], vector<16xf32>,
      %gather3A_349 = tpu.vector_load_idx %arg21[%get3A_335] : memref<10000xf32, #tpu.memory_space<vmem>>[vector<16xi32>], vector<16xf32>,
      %sub3A_350 = arith.subf %gather3A_348, %gather3A_349 : vector<16xf32>
      %swap3A_351 = arith.index_cast %add3A_333 : i32 to index
      %swap3A_352 = tpu.vector_load %arg24[%swap3A_351] {strides = array<i32>} : memref<10000xf32, #tpu.memory_space<vmem>>, vector<16xf32>,
      tpu.vector_store %arg24[%swap3A_351], %sub3A_350 {strides = array<i32>} : memref<10000xf32, #tpu.memory_space<vmem>>, vector<16xf32>,
      %add3A_353 = arith.constant 48 : i32
      %add3A_354 = arith.addi %mul3A_289, %add3A_353 : i32
      %get3A_355 = arith.index_cast %add3A_354 : i32 to index
      %get3A_356 = tpu.vector_load %arg13[%get3A_355] {strides = array<i32>} : memref<10000xi32, #tpu.memory_space<vmem>>, vector<16xi32>,
      %get3A_357 = arith.index_cast %add3A_354 : i32 to index
      %get3A_358 = tpu.vector_load %arg14[%get3A_357] {strides = array<i32>} : memref<10000xi32, #tpu.memory_space<vmem>>, vector<16xi32>,
      %gather3A_359 = tpu.vector_load_idx %arg19[%get3A_358] : memref<10000xf32, #tpu.memory_space<vmem>>[vector<16xi32>], vector<16xf32>,
      %gather3A_360 = tpu.vector_load_idx %arg19[%get3A_356] : memref<10000xf32, #tpu.memory_space<vmem>>[vector<16xi32>], vector<16xf32>,
      %sub3A_361 = arith.subf %gather3A_359, %gather3A_360 : vector<16xf32>
      %swap3A_362 = arith.index_cast %add3A_354 : i32 to index
      %swap3A_363 = tpu.vector_load %arg22[%swap3A_362] {strides = array<i32>} : memref<10000xf32, #tpu.memory_space<vmem>>, vector<16xf32>,
      tpu.vector_store %arg22[%swap3A_362], %sub3A_361 {strides = array<i32>} : memref<10000xf32, #tpu.memory_space<vmem>>, vector<16xf32>,
      %gather3A_364 = tpu.vector_load_idx %arg20[%get3A_358] : memref<10000xf32, #tpu.memory_space<vmem>>[vector<16xi32>], vector<16xf32>,
      %gather3A_365 = tpu.vector_load_idx %arg20[%get3A_356] : memref<10000xf32, #tpu.memory_space<vmem>>[vector<16xi32>], vector<16xf32>,
      %sub3A_366 = arith.subf %gather3A_364, %gather3A_365 : vector<16xf32>
      %swap3A_367 = arith.index_cast %add3A_354 : i32 to index
      %swap3A_368 = tpu.vector_load %arg23[%swap3A_367] {strides = array<i32>} : memref<10000xf32, #tpu.memory_space<vmem>>, vector<16xf32>,
      tpu.vector_store %arg23[%swap3A_367], %sub3A_366 {strides = array<i32>} : memref<10000xf32, #tpu.memory_space<vmem>>, vector<16xf32>,
      %gather3A_369 = tpu.vector_load_idx %arg21[%get3A_358] : memref<10000xf32, #tpu.memory_space<vmem>>[vector<16xi32>], vector<16xf32>,
      %gather3A_370 = tpu.vector_load_idx %arg21[%get3A_356] : memref<10000xf32, #tpu.memory_space<vmem>>[vector<16xi32>], vector<16xf32>,
      %sub3A_371 = arith.subf %gather3A_369, %gather3A_370 : vector<16xf32>
      %swap3A_372 = arith.index_cast %add3A_354 : i32 to index
      %swap3A_373 = tpu.vector_load %arg24[%swap3A_372] {strides = array<i32>} : memref<10000xf32, #tpu.memory_space<vmem>>, vector<16xf32>,
      tpu.vector_store %arg24[%swap3A_372], %sub3A_371 {strides = array<i32>} : memref<10000xf32, #tpu.memory_space<vmem>>, vector<16xf32>,
      %add3A_374 = arith.constant 64 : i32
      %add3A_375 = arith.addi %mul3A_289, %add3A_374 : i32
      %get3A_376 = arith.index_cast %add3A_375 : i32 to index
      %get3A_377 = tpu.vector_load %arg13[%get3A_376] {strides = array<i32>} : memref<10000xi32, #tpu.memory_space<vmem>>, vector<16xi32>,
      %get3A_378 = arith.index_cast %add3A_375 : i32 to index
      %get3A_379 = tpu.vector_load %arg14[%get3A_378] {strides = array<i32>} : memref<10000xi32, #tpu.memory_space<vmem>>, vector<16xi32>,
      %gather3A_380 = tpu.vector_load_idx %arg19[%get3A_379] : memref<10000xf32, #tpu.memory_space<vmem>>[vector<16xi32>], vector<16xf32>,
      %gather3A_381 = tpu.vector_load_idx %arg19[%get3A_377] : memref<10000xf32, #tpu.memory_space<vmem>>[vector<16xi32>], vector<16xf32>,
      %sub3A_382 = arith.subf %gather3A_380, %gather3A_381 : vector<16xf32>
      %swap3A_383 = arith.index_cast %add3A_375 : i32 to index
      %swap3A_384 = tpu.vector_load %arg22[%swap3A_383] {strides = array<i32>} : memref<10000xf32, #tpu.memory_space<vmem>>, vector<16xf32>,
      tpu.vector_store %arg22[%swap3A_383], %sub3A_382 {strides = array<i32>} : memref<10000xf32, #tpu.memory_space<vmem>>, vector<16xf32>,
      %gather3A_385 = tpu.vector_load_idx %arg20[%get3A_379] : memref<10000xf32, #tpu.memory_space<vmem>>[vector<16xi32>], vector<16xf32>,
      %gather3A_386 = tpu.vector_load_idx %arg20[%get3A_377] : memref<10000xf32, #tpu.memory_space<vmem>>[vector<16xi32>], vector<16xf32>,
      %sub3A_387 = arith.subf %gather3A_385, %gather3A_386 : vector<16xf32>
      %swap3A_388 = arith.index_cast %add3A_375 : i32 to index
      %swap3A_389 = tpu.vector_load %arg23[%swap3A_388] {strides = array<i32>} : memref<10000xf32, #tpu.memory_space<vmem>>, vector<16xf32>,
      tpu.vector_store %arg23[%swap3A_388], %sub3A_387 {strides = array<i32>} : memref<10000xf32, #tpu.memory_space<vmem>>, vector<16xf32>,
      %gather3A_390 = tpu.vector_load_idx %arg21[%get3A_379] : memref<10000xf32, #tpu.memory_space<vmem>>[vector<16xi32>], vector<16xf32>,
      %gather3A_391 = tpu.vector_load_idx %arg21[%get3A_377] : memref<10000xf32, #tpu.memory_space<vmem>>[vector<16xi32>], vector<16xf32>,
      %sub3A_392 = arith.subf %gather3A_390, %gather3A_391 : vector<16xf32>
      %swap3A_393 = arith.index_cast %add3A_375 : i32 to index
      %swap3A_394 = tpu.vector_load %arg24[%swap3A_393] {strides = array<i32>} : memref<10000xf32, #tpu.memory_space<vmem>>, vector<16xf32>,
      tpu.vector_store %arg24[%swap3A_393], %sub3A_392 {strides = array<i32>} : memref<10000xf32, #tpu.memory_space<vmem>>, vector<16xf32>,
      %scan3A_395 = arith.constant 0 : i32
      %scan3A_396 = arith.constant 0 : i32
      %scan3A_397 = arith.constant 80 : i32
      %scan3A_398 = arith.addi %scan3A_396, %scan3A_397 : i32
      %scan3A_399 = arith.constant 1 : i32
      scf.for %scan3A_402 = %scan3A_396 to %scan3A_398 step %scan3A_399  : i32 {
        %get3A_403 = arith.index_cast %scan3A_402 : i32 to index
        %get3A_404 = arith.constant 0 : index
        %get3A_405 = tpu.vector_load %arg17[%get3A_403, %get3A_404] {strides = array<i32>} : memref<80x128xf32, #tpu.memory_space<vmem>>, vector<16xf32>,
        %get3A_406 = arith.index_cast %scan3A_402 : i32 to index
        %get3A_407 = arith.constant 0 : index
        %get3A_408 = tpu.vector_load %arg18[%get3A_406, %get3A_407] {strides = array<i32>} : memref<80x128xf32, #tpu.memory_space<vmem>>, vector<16xf32>,
        %add3A_409 = arith.addf %get3A_405, %get3A_408 : vector<16xf32>
        %swap3A_410 = arith.index_cast %scan3A_402 : i32 to index
        %swap3A_411 = arith.constant 0 : index
        %swap3A_412 = tpu.vector_load %arg17[%swap3A_410, %swap3A_411] {strides = array<i32>} : memref<80x128xf32, #tpu.memory_space<vmem>>, vector<16xf32>,
        tpu.vector_store %arg17[%swap3A_410, %swap3A_411], %add3A_409 {strides = array<i32>} : memref<80x128xf32, #tpu.memory_space<vmem>>, vector<16xf32>,
        %get3A_413 = arith.index_cast %scan3A_402 : i32 to index
        %get3A_414 = arith.constant 16 : index
        %get3A_415 = tpu.vector_load %arg17[%get3A_413, %get3A_414] {strides = array<i32>} : memref<80x128xf32, #tpu.memory_space<vmem>>, vector<16xf32>,
        %get3A_416 = arith.index_cast %scan3A_402 : i32 to index
        %get3A_417 = arith.constant 16 : index
        %get3A_418 = tpu.vector_load %arg18[%get3A_416, %get3A_417] {strides = array<i32>} : memref<80x128xf32, #tpu.memory_space<vmem>>, vector<16xf32>,
        %add3A_419 = arith.addf %get3A_415, %get3A_418 : vector<16xf32>
        %swap3A_420 = arith.index_cast %scan3A_402 : i32 to index
        %swap3A_421 = arith.constant 16 : index
        %swap3A_422 = tpu.vector_load %arg17[%swap3A_420, %swap3A_421] {strides = array<i32>} : memref<80x128xf32, #tpu.memory_space<vmem>>, vector<16xf32>,
        tpu.vector_store %arg17[%swap3A_420, %swap3A_421], %add3A_419 {strides = array<i32>} : memref<80x128xf32, #tpu.memory_space<vmem>>, vector<16xf32>,
        %get3A_423 = arith.index_cast %scan3A_402 : i32 to index
        %get3A_424 = arith.constant 32 : index
        %get3A_425 = tpu.vector_load %arg17[%get3A_423, %get3A_424] {strides = array<i32>} : memref<80x128xf32, #tpu.memory_space<vmem>>, vector<16xf32>,
        %get3A_426 = arith.index_cast %scan3A_402 : i32 to index
        %get3A_427 = arith.constant 32 : index
        %get3A_428 = tpu.vector_load %arg18[%get3A_426, %get3A_427] {strides = array<i32>} : memref<80x128xf32, #tpu.memory_space<vmem>>, vector<16xf32>,
        %add3A_429 = arith.addf %get3A_425, %get3A_428 : vector<16xf32>
        %swap3A_430 = arith.index_cast %scan3A_402 : i32 to index
        %swap3A_431 = arith.constant 32 : index
        %swap3A_432 = tpu.vector_load %arg17[%swap3A_430, %swap3A_431] {strides = array<i32>} : memref<80x128xf32, #tpu.memory_space<vmem>>, vector<16xf32>,
        tpu.vector_store %arg17[%swap3A_430, %swap3A_431], %add3A_429 {strides = array<i32>} : memref<80x128xf32, #tpu.memory_space<vmem>>, vector<16xf32>,
        %get3A_433 = arith.index_cast %scan3A_402 : i32 to index
        %get3A_434 = arith.constant 48 : index
        %get3A_435 = tpu.vector_load %arg17[%get3A_433, %get3A_434] {strides = array<i32>} : memref<80x128xf32, #tpu.memory_space<vmem>>, vector<16xf32>,
        %get3A_436 = arith.index_cast %scan3A_402 : i32 to index
        %get3A_437 = arith.constant 48 : index
        %get3A_438 = tpu.vector_load %arg18[%get3A_436, %get3A_437] {strides = array<i32>} : memref<80x128xf32, #tpu.memory_space<vmem>>, vector<16xf32>,
        %add3A_439 = arith.addf %get3A_435, %get3A_438 : vector<16xf32>
        %swap3A_440 = arith.index_cast %scan3A_402 : i32 to index
        %swap3A_441 = arith.constant 48 : index
        %swap3A_442 = tpu.vector_load %arg17[%swap3A_440, %swap3A_441] {strides = array<i32>} : memref<80x128xf32, #tpu.memory_space<vmem>>, vector<16xf32>,
        tpu.vector_store %arg17[%swap3A_440, %swap3A_441], %add3A_439 {strides = array<i32>} : memref<80x128xf32, #tpu.memory_space<vmem>>, vector<16xf32>,
        %get3A_443 = arith.index_cast %scan3A_402 : i32 to index
        %get3A_444 = arith.constant 64 : index
        %get3A_445 = tpu.vector_load %arg17[%get3A_443, %get3A_444] {strides = array<i32>} : memref<80x128xf32, #tpu.memory_space<vmem>>, vector<16xf32>,
        %get3A_446 = arith.index_cast %scan3A_402 : i32 to index
        %get3A_447 = arith.constant 64 : index
        %get3A_448 = tpu.vector_load %arg18[%get3A_446, %get3A_447] {strides = array<i32>} : memref<80x128xf32, #tpu.memory_space<vmem>>, vector<16xf32>,
        %add3A_449 = arith.addf %get3A_445, %get3A_448 : vector<16xf32>
        %swap3A_450 = arith.index_cast %scan3A_402 : i32 to index
        %swap3A_451 = arith.constant 64 : index
        %swap3A_452 = tpu.vector_load %arg17[%swap3A_450, %swap3A_451] {strides = array<i32>} : memref<80x128xf32, #tpu.memory_space<vmem>>, vector<16xf32>,
        tpu.vector_store %arg17[%swap3A_450, %swap3A_451], %add3A_449 {strides = array<i32>} : memref<80x128xf32, #tpu.memory_space<vmem>>, vector<16xf32>,
        %get3A_453 = arith.index_cast %scan3A_402 : i32 to index
        %get3A_454 = arith.constant 80 : index
        %get3A_455 = tpu.vector_load %arg17[%get3A_453, %get3A_454] {strides = array<i32>} : memref<80x128xf32, #tpu.memory_space<vmem>>, vector<16xf32>,
        %get3A_456 = arith.index_cast %scan3A_402 : i32 to index
        %get3A_457 = arith.constant 80 : index
        %get3A_458 = tpu.vector_load %arg18[%get3A_456, %get3A_457] {strides = array<i32>} : memref<80x128xf32, #tpu.memory_space<vmem>>, vector<16xf32>,
        %add3A_459 = arith.addf %get3A_455, %get3A_458 : vector<16xf32>
        %swap3A_460 = arith.index_cast %scan3A_402 : i32 to index
        %swap3A_461 = arith.constant 80 : index
        %swap3A_462 = tpu.vector_load %arg17[%swap3A_460, %swap3A_461] {strides = array<i32>} : memref<80x128xf32, #tpu.memory_space<vmem>>, vector<16xf32>,
        tpu.vector_store %arg17[%swap3A_460, %swap3A_461], %add3A_459 {strides = array<i32>} : memref<80x128xf32, #tpu.memory_space<vmem>>, vector<16xf32>,
        %get3A_463 = arith.index_cast %scan3A_402 : i32 to index
        %get3A_464 = arith.constant 96 : index
        %get3A_465 = tpu.vector_load %arg17[%get3A_463, %get3A_464] {strides = array<i32>} : memref<80x128xf32, #tpu.memory_space<vmem>>, vector<16xf32>,
        %get3A_466 = arith.index_cast %scan3A_402 : i32 to index
        %get3A_467 = arith.constant 96 : index
        %get3A_468 = tpu.vector_load %arg18[%get3A_466, %get3A_467] {strides = array<i32>} : memref<80x128xf32, #tpu.memory_space<vmem>>, vector<16xf32>,
        %add3A_469 = arith.addf %get3A_465, %get3A_468 : vector<16xf32>
        %swap3A_470 = arith.index_cast %scan3A_402 : i32 to index
        %swap3A_471 = arith.constant 96 : index
        %swap3A_472 = tpu.vector_load %arg17[%swap3A_470, %swap3A_471] {strides = array<i32>} : memref<80x128xf32, #tpu.memory_space<vmem>>, vector<16xf32>,
        tpu.vector_store %arg17[%swap3A_470, %swap3A_471], %add3A_469 {strides = array<i32>} : memref<80x128xf32, #tpu.memory_space<vmem>>, vector<16xf32>,
        %get3A_473 = arith.index_cast %scan3A_402 : i32 to index
        %get3A_474 = arith.constant 112 : index
        %get3A_475 = tpu.vector_load %arg17[%get3A_473, %get3A_474] {strides = array<i32>} : memref<80x128xf32, #tpu.memory_space<vmem>>, vector<16xf32>,
        %get3A_476 = arith.index_cast %scan3A_402 : i32 to index
        %get3A_477 = arith.constant 112 : index
        %get3A_478 = tpu.vector_load %arg18[%get3A_476, %get3A_477] {strides = array<i32>} : memref<80x128xf32, #tpu.memory_space<vmem>>, vector<16xf32>,
        %add3A_479 = arith.addf %get3A_475, %get3A_478 : vector<16xf32>
        %swap3A_480 = arith.index_cast %scan3A_402 : i32 to index
        %swap3A_481 = arith.constant 112 : index
        %swap3A_482 = tpu.vector_load %arg17[%swap3A_480, %swap3A_481] {strides = array<i32>} : memref<80x128xf32, #tpu.memory_space<vmem>>, vector<16xf32>,
        tpu.vector_store %arg17[%swap3A_480, %swap3A_481], %add3A_479 {strides = array<i32>} : memref<80x128xf32, #tpu.memory_space<vmem>>, vector<16xf32>,
      }
      %scan3A_400 = arith.constant 80 : i32
      %add3A_401 = arith.addi %mul3A_2, %mul3A_289 : i32
      "tpu.region"() ({
        %run_scoped3A = tpu.sem_alloc : memref<!tpu.dma_semaphore, #tpu.memory_space<semaphore_mem>>
        %dma_start3A_402 = arith.constant 0 : i32
        %dma_start3A_403 = tpu.memref_slice %arg9[%add3A_401, %dma_start3A_402] : memref<320000x128xf32, #tpu.memory_space<hbm>> -> memref<80x128xf32, #tpu.memory_space<hbm>>
        %dma_start3A_404 = arith.constant 0 : i32
        %dma_start3A_405 = tpu.memref_slice %arg9[%add3A_401, %dma_start3A_404] : memref<320000x128xf32, #tpu.memory_space<hbm>> -> memref<80x128xf32, #tpu.memory_space<hbm>>
        tpu.enqueue_dma source(%arg17 : memref<80x128xf32, #tpu.memory_space<vmem>>) target(%dma_start3A_405 : memref<80x128xf32, #tpu.memory_space<hbm>>) target_semaphore(%run_scoped3A : memref<!tpu.dma_semaphore, #tpu.memory_space<semaphore_mem>>)
        %dma_wait3A_406 = arith.constant 0 : i32
        %dma_wait3A_407 = tpu.memref_slice %arg9[%add3A_401, %dma_wait3A_406] : memref<320000x128xf32, #tpu.memory_space<hbm>> -> memref<80x128xf32, #tpu.memory_space<hbm>>
        %dma_wait3A_408 = arith.constant 0 : i32
        %dma_wait3A_409 = tpu.memref_slice %arg9[%add3A_401, %dma_wait3A_408] : memref<320000x128xf32, #tpu.memory_space<hbm>> -> memref<80x128xf32, #tpu.memory_space<hbm>>
        tpu.wait_dma2 semaphore(%run_scoped3A : memref<!tpu.dma_semaphore, #tpu.memory_space<semaphore_mem>>) src(%arg17 : memref<80x128xf32, #tpu.memory_space<vmem>>) dst(%dma_wait3A_409 : memref<80x128xf32, #tpu.memory_space<hbm>>)
        tpu.yield
      }) : () -> ()
    }
    %scan3A_16 = arith.constant 62 : i32
    %dma_wait3A = arith.constant 0 : i32
    %dma_wait3A_17 = tpu.memref_slice %arg13[%dma_wait3A] : memref<10000xi32, #tpu.memory_space<vmem>> -> memref<80xi32, #tpu.memory_space<vmem>>
    %dma_wait3A_18 = arith.constant 0 : i32
    %dma_wait3A_19 = arith.constant 0 : i32
    %dma_wait3A_20 = tpu.memref_slice %arg2[%dma_wait3A_18, %dma_wait3A_19] : memref<10240x128xf32, #tpu.memory_space<hbm>> -> memref<10240x128xf32, #tpu.memory_space<hbm>>
    tpu.wait_indirect_dma semaphore(%arg25 : memref<!tpu.dma_semaphore, #tpu.memory_space<semaphore_mem>>) src(%dma_wait3A_20 : memref<10240x128xf32, #tpu.memory_space<hbm>>) dst(%arg15 : memref<80x128xf32, #tpu.memory_space<vmem>>)
    %dma_wait3A_21 = arith.constant 0 : i32
    %dma_wait3A_22 = tpu.memref_slice %arg14[%dma_wait3A_21] : memref<10000xi32, #tpu.memory_space<vmem>> -> memref<80xi32, #tpu.memory_space<vmem>>
    %dma_wait3A_23 = arith.constant 0 : i32
    %dma_wait3A_24 = arith.constant 0 : i32
    %dma_wait3A_25 = tpu.memref_slice %arg3[%dma_wait3A_23, %dma_wait3A_24] : memref<10240x128xf32, #tpu.memory_space<hbm>> -> memref<10240x128xf32, #tpu.memory_space<hbm>>
    tpu.wait_indirect_dma semaphore(%arg26 : memref<!tpu.dma_semaphore, #tpu.memory_space<semaphore_mem>>) src(%dma_wait3A_25 : memref<10240x128xf32, #tpu.memory_space<hbm>>) dst(%arg16 : memref<80x128xf32, #tpu.memory_space<vmem>>)
    %get3A = arith.constant 9920 : index
    %get3A_26 = tpu.vector_load %arg13[%get3A] {strides = array<i32>} : memref<10000xi32, #tpu.memory_space<vmem>>, vector<16xi32>,
    %get3A_27 = arith.constant 9920 : index
    %get3A_28 = tpu.vector_load %arg14[%get3A_27] {strides = array<i32>} : memref<10000xi32, #tpu.memory_space<vmem>>, vector<16xi32>,
    %gather3A = tpu.vector_load_idx %arg19[%get3A_28] : memref<10000xf32, #tpu.memory_space<vmem>>[vector<16xi32>], vector<16xf32>,
    %gather3A_29 = tpu.vector_load_idx %arg19[%get3A_26] : memref<10000xf32, #tpu.memory_space<vmem>>[vector<16xi32>], vector<16xf32>,
    %sub3A = arith.subf %gather3A, %gather3A_29 : vector<16xf32>
    %swap3A = arith.constant 9920 : index
    %swap3A_30 = tpu.vector_load %arg22[%swap3A] {strides = array<i32>} : memref<10000xf32, #tpu.memory_space<vmem>>, vector<16xf32>,
    tpu.vector_store %arg22[%swap3A], %sub3A {strides = array<i32>} : memref<10000xf32, #tpu.memory_space<vmem>>, vector<16xf32>,
    %gather3A_31 = tpu.vector_load_idx %arg20[%get3A_28] : memref<10000xf32, #tpu.memory_space<vmem>>[vector<16xi32>], vector<16xf32>,
    %gather3A_32 = tpu.vector_load_idx %arg20[%get3A_26] : memref<10000xf32, #tpu.memory_space<vmem>>[vector<16xi32>], vector<16xf32>,
    %sub3A_33 = arith.subf %gather3A_31, %gather3A_32 : vector<16xf32>
    %swap3A_34 = arith.constant 9920 : index
    %swap3A_35 = tpu.vector_load %arg23[%swap3A_34] {strides = array<i32>} : memref<10000xf32, #tpu.memory_space<vmem>>, vector<16xf32>,
    tpu.vector_store %arg23[%swap3A_34], %sub3A_33 {strides = array<i32>} : memref<10000xf32, #tpu.memory_space<vmem>>, vector<16xf32>,
    %gather3A_36 = tpu.vector_load_idx %arg21[%get3A_28] : memref<10000xf32, #tpu.memory_space<vmem>>[vector<16xi32>], vector<16xf32>,
    %gather3A_37 = tpu.vector_load_idx %arg21[%get3A_26] : memref<10000xf32, #tpu.memory_space<vmem>>[vector<16xi32>], vector<16xf32>,
    %sub3A_38 = arith.subf %gather3A_36, %gather3A_37 : vector<16xf32>
    %swap3A_39 = arith.constant 9920 : index
    %swap3A_40 = tpu.vector_load %arg24[%swap3A_39] {strides = array<i32>} : memref<10000xf32, #tpu.memory_space<vmem>>, vector<16xf32>,
    tpu.vector_store %arg24[%swap3A_39], %sub3A_38 {strides = array<i32>} : memref<10000xf32, #tpu.memory_space<vmem>>, vector<16xf32>,
    %get3A_41 = arith.constant 9936 : index
    %get3A_42 = tpu.vector_load %arg13[%get3A_41] {strides = array<i32>} : memref<10000xi32, #tpu.memory_space<vmem>>, vector<16xi32>,
    %get3A_43 = arith.constant 9936 : index
    %get3A_44 = tpu.vector_load %arg14[%get3A_43] {strides = array<i32>} : memref<10000xi32, #tpu.memory_space<vmem>>, vector<16xi32>,
    %gather3A_45 = tpu.vector_load_idx %arg19[%get3A_44] : memref<10000xf32, #tpu.memory_space<vmem>>[vector<16xi32>], vector<16xf32>,
    %gather3A_46 = tpu.vector_load_idx %arg19[%get3A_42] : memref<10000xf32, #tpu.memory_space<vmem>>[vector<16xi32>], vector<16xf32>,
    %sub3A_47 = arith.subf %gather3A_45, %gather3A_46 : vector<16xf32>
    %swap3A_48 = arith.constant 9936 : index
    %swap3A_49 = tpu.vector_load %arg22[%swap3A_48] {strides = array<i32>} : memref<10000xf32, #tpu.memory_space<vmem>>, vector<16xf32>,
    tpu.vector_store %arg22[%swap3A_48], %sub3A_47 {strides = array<i32>} : memref<10000xf32, #tpu.memory_space<vmem>>, vector<16xf32>,
    %gather3A_50 = tpu.vector_load_idx %arg20[%get3A_44] : memref<10000xf32, #tpu.memory_space<vmem>>[vector<16xi32>], vector<16xf32>,
    %gather3A_51 = tpu.vector_load_idx %arg20[%get3A_42] : memref<10000xf32, #tpu.memory_space<vmem>>[vector<16xi32>], vector<16xf32>,
    %sub3A_52 = arith.subf %gather3A_50, %gather3A_51 : vector<16xf32>
    %swap3A_53 = arith.constant 9936 : index
    %swap3A_54 = tpu.vector_load %arg23[%swap3A_53] {strides = array<i32>} : memref<10000xf32, #tpu.memory_space<vmem>>, vector<16xf32>,
    tpu.vector_store %arg23[%swap3A_53], %sub3A_52 {strides = array<i32>} : memref<10000xf32, #tpu.memory_space<vmem>>, vector<16xf32>,
    %gather3A_55 = tpu.vector_load_idx %arg21[%get3A_44] : memref<10000xf32, #tpu.memory_space<vmem>>[vector<16xi32>], vector<16xf32>,
    %gather3A_56 = tpu.vector_load_idx %arg21[%get3A_42] : memref<10000xf32, #tpu.memory_space<vmem>>[vector<16xi32>], vector<16xf32>,
    %sub3A_57 = arith.subf %gather3A_55, %gather3A_56 : vector<16xf32>
    %swap3A_58 = arith.constant 9936 : index
    %swap3A_59 = tpu.vector_load %arg24[%swap3A_58] {strides = array<i32>} : memref<10000xf32, #tpu.memory_space<vmem>>, vector<16xf32>,
    tpu.vector_store %arg24[%swap3A_58], %sub3A_57 {strides = array<i32>} : memref<10000xf32, #tpu.memory_space<vmem>>, vector<16xf32>,
    %get3A_60 = arith.constant 9952 : index
    %get3A_61 = tpu.vector_load %arg13[%get3A_60] {strides = array<i32>} : memref<10000xi32, #tpu.memory_space<vmem>>, vector<16xi32>,
    %get3A_62 = arith.constant 9952 : index
    %get3A_63 = tpu.vector_load %arg14[%get3A_62] {strides = array<i32>} : memref<10000xi32, #tpu.memory_space<vmem>>, vector<16xi32>,
    %gather3A_64 = tpu.vector_load_idx %arg19[%get3A_63] : memref<10000xf32, #tpu.memory_space<vmem>>[vector<16xi32>], vector<16xf32>,
    %gather3A_65 = tpu.vector_load_idx %arg19[%get3A_61] : memref<10000xf32, #tpu.memory_space<vmem>>[vector<16xi32>], vector<16xf32>,
    %sub3A_66 = arith.subf %gather3A_64, %gather3A_65 : vector<16xf32>
    %swap3A_67 = arith.constant 9952 : index
    %swap3A_68 = tpu.vector_load %arg22[%swap3A_67] {strides = array<i32>} : memref<10000xf32, #tpu.memory_space<vmem>>, vector<16xf32>,
    tpu.vector_store %arg22[%swap3A_67], %sub3A_66 {strides = array<i32>} : memref<10000xf32, #tpu.memory_space<vmem>>, vector<16xf32>,
    %gather3A_69 = tpu.vector_load_idx %arg20[%get3A_63] : memref<10000xf32, #tpu.memory_space<vmem>>[vector<16xi32>], vector<16xf32>,
    %gather3A_70 = tpu.vector_load_idx %arg20[%get3A_61] : memref<10000xf32, #tpu.memory_space<vmem>>[vector<16xi32>], vector<16xf32>,
    %sub3A_71 = arith.subf %gather3A_69, %gather3A_70 : vector<16xf32>
    %swap3A_72 = arith.constant 9952 : index
    %swap3A_73 = tpu.vector_load %arg23[%swap3A_72] {strides = array<i32>} : memref<10000xf32, #tpu.memory_space<vmem>>, vector<16xf32>,
    tpu.vector_store %arg23[%swap3A_72], %sub3A_71 {strides = array<i32>} : memref<10000xf32, #tpu.memory_space<vmem>>, vector<16xf32>,
    %gather3A_74 = tpu.vector_load_idx %arg21[%get3A_63] : memref<10000xf32, #tpu.memory_space<vmem>>[vector<16xi32>], vector<16xf32>,
    %gather3A_75 = tpu.vector_load_idx %arg21[%get3A_61] : memref<10000xf32, #tpu.memory_space<vmem>>[vector<16xi32>], vector<16xf32>,
    %sub3A_76 = arith.subf %gather3A_74, %gather3A_75 : vector<16xf32>
    %swap3A_77 = arith.constant 9952 : index
    %swap3A_78 = tpu.vector_load %arg24[%swap3A_77] {strides = array<i32>} : memref<10000xf32, #tpu.memory_space<vmem>>, vector<16xf32>,
    tpu.vector_store %arg24[%swap3A_77], %sub3A_76 {strides = array<i32>} : memref<10000xf32, #tpu.memory_space<vmem>>, vector<16xf32>,
    %get3A_79 = arith.constant 9968 : index
    %get3A_80 = tpu.vector_load %arg13[%get3A_79] {strides = array<i32>} : memref<10000xi32, #tpu.memory_space<vmem>>, vector<16xi32>,
    %get3A_81 = arith.constant 9968 : index
    %get3A_82 = tpu.vector_load %arg14[%get3A_81] {strides = array<i32>} : memref<10000xi32, #tpu.memory_space<vmem>>, vector<16xi32>,
    %gather3A_83 = tpu.vector_load_idx %arg19[%get3A_82] : memref<10000xf32, #tpu.memory_space<vmem>>[vector<16xi32>], vector<16xf32>,
    %gather3A_84 = tpu.vector_load_idx %arg19[%get3A_80] : memref<10000xf32, #tpu.memory_space<vmem>>[vector<16xi32>], vector<16xf32>,
    %sub3A_85 = arith.subf %gather3A_83, %gather3A_84 : vector<16xf32>
    %swap3A_86 = arith.constant 9968 : index
    %swap3A_87 = tpu.vector_load %arg22[%swap3A_86] {strides = array<i32>} : memref<10000xf32, #tpu.memory_space<vmem>>, vector<16xf32>,
    tpu.vector_store %arg22[%swap3A_86], %sub3A_85 {strides = array<i32>} : memref<10000xf32, #tpu.memory_space<vmem>>, vector<16xf32>,
    %gather3A_88 = tpu.vector_load_idx %arg20[%get3A_82] : memref<10000xf32, #tpu.memory_space<vmem>>[vector<16xi32>], vector<16xf32>,
    %gather3A_89 = tpu.vector_load_idx %arg20[%get3A_80] : memref<10000xf32, #tpu.memory_space<vmem>>[vector<16xi32>], vector<16xf32>,
    %sub3A_90 = arith.subf %gather3A_88, %gather3A_89 : vector<16xf32>
    %swap3A_91 = arith.constant 9968 : index
    %swap3A_92 = tpu.vector_load %arg23[%swap3A_91] {strides = array<i32>} : memref<10000xf32, #tpu.memory_space<vmem>>, vector<16xf32>,
    tpu.vector_store %arg23[%swap3A_91], %sub3A_90 {strides = array<i32>} : memref<10000xf32, #tpu.memory_space<vmem>>, vector<16xf32>,
    %gather3A_93 = tpu.vector_load_idx %arg21[%get3A_82] : memref<10000xf32, #tpu.memory_space<vmem>>[vector<16xi32>], vector<16xf32>,
    %gather3A_94 = tpu.vector_load_idx %arg21[%get3A_80] : memref<10000xf32, #tpu.memory_space<vmem>>[vector<16xi32>], vector<16xf32>,
    %sub3A_95 = arith.subf %gather3A_93, %gather3A_94 : vector<16xf32>
    %swap3A_96 = arith.constant 9968 : index
    %swap3A_97 = tpu.vector_load %arg24[%swap3A_96] {strides = array<i32>} : memref<10000xf32, #tpu.memory_space<vmem>>, vector<16xf32>,
    tpu.vector_store %arg24[%swap3A_96], %sub3A_95 {strides = array<i32>} : memref<10000xf32, #tpu.memory_space<vmem>>, vector<16xf32>,
    %get3A_98 = arith.constant 9984 : index
    %get3A_99 = tpu.vector_load %arg13[%get3A_98] {strides = array<i32>} : memref<10000xi32, #tpu.memory_space<vmem>>, vector<16xi32>,
    %get3A_100 = arith.constant 9984 : index
    %get3A_101 = tpu.vector_load %arg14[%get3A_100] {strides = array<i32>} : memref<10000xi32, #tpu.memory_space<vmem>>, vector<16xi32>,
    %gather3A_102 = tpu.vector_load_idx %arg19[%get3A_101] : memref<10000xf32, #tpu.memory_space<vmem>>[vector<16xi32>], vector<16xf32>,
    %gather3A_103 = tpu.vector_load_idx %arg19[%get3A_99] : memref<10000xf32, #tpu.memory_space<vmem>>[vector<16xi32>], vector<16xf32>,
    %sub3A_104 = arith.subf %gather3A_102, %gather3A_103 : vector<16xf32>
    %swap3A_105 = arith.constant 9984 : index
    %swap3A_106 = tpu.vector_load %arg22[%swap3A_105] {strides = array<i32>} : memref<10000xf32, #tpu.memory_space<vmem>>, vector<16xf32>,
    tpu.vector_store %arg22[%swap3A_105], %sub3A_104 {strides = array<i32>} : memref<10000xf32, #tpu.memory_space<vmem>>, vector<16xf32>,
    %gather3A_107 = tpu.vector_load_idx %arg20[%get3A_101] : memref<10000xf32, #tpu.memory_space<vmem>>[vector<16xi32>], vector<16xf32>,
    %gather3A_108 = tpu.vector_load_idx %arg20[%get3A_99] : memref<10000xf32, #tpu.memory_space<vmem>>[vector<16xi32>], vector<16xf32>,
    %sub3A_109 = arith.subf %gather3A_107, %gather3A_108 : vector<16xf32>
    %swap3A_110 = arith.constant 9984 : index
    %swap3A_111 = tpu.vector_load %arg23[%swap3A_110] {strides = array<i32>} : memref<10000xf32, #tpu.memory_space<vmem>>, vector<16xf32>,
    tpu.vector_store %arg23[%swap3A_110], %sub3A_109 {strides = array<i32>} : memref<10000xf32, #tpu.memory_space<vmem>>, vector<16xf32>,
    %gather3A_112 = tpu.vector_load_idx %arg21[%get3A_101] : memref<10000xf32, #tpu.memory_space<vmem>>[vector<16xi32>], vector<16xf32>,
    %gather3A_113 = tpu.vector_load_idx %arg21[%get3A_99] : memref<10000xf32, #tpu.memory_space<vmem>>[vector<16xi32>], vector<16xf32>,
    %sub3A_114 = arith.subf %gather3A_112, %gather3A_113 : vector<16xf32>
    %swap3A_115 = arith.constant 9984 : index
    %swap3A_116 = tpu.vector_load %arg24[%swap3A_115] {strides = array<i32>} : memref<10000xf32, #tpu.memory_space<vmem>>, vector<16xf32>,
    tpu.vector_store %arg24[%swap3A_115], %sub3A_114 {strides = array<i32>} : memref<10000xf32, #tpu.memory_space<vmem>>, vector<16xf32>,
    %scan3A_117 = arith.constant 0 : i32
    %scan3A_118 = arith.constant 0 : i32
    %scan3A_119 = arith.constant 80 : i32
    %scan3A_120 = arith.addi %scan3A_118, %scan3A_119 : i32
    %scan3A_121 = arith.constant 1 : i32
    scf.for %scan3A_125 = %scan3A_118 to %scan3A_120 step %scan3A_121  : i32 {
      %get3A_126 = arith.index_cast %scan3A_125 : i32 to index
      %get3A_127 = arith.constant 0 : index
      %get3A_128 = tpu.vector_load %arg15[%get3A_126, %get3A_127] {strides = array<i32>} : memref<80x128xf32, #tpu.memory_space<vmem>>, vector<16xf32>,
      %get3A_129 = arith.index_cast %scan3A_125 : i32 to index
      %get3A_130 = arith.constant 0 : index
      %get3A_131 = tpu.vector_load %arg16[%get3A_129, %get3A_130] {strides = array<i32>} : memref<80x128xf32, #tpu.memory_space<vmem>>, vector<16xf32>,
      %add3A_132 = arith.addf %get3A_128, %get3A_131 : vector<16xf32>
      %swap3A_133 = arith.index_cast %scan3A_125 : i32 to index
      %swap3A_134 = arith.constant 0 : index
      %swap3A_135 = tpu.vector_load %arg15[%swap3A_133, %swap3A_134] {strides = array<i32>} : memref<80x128xf32, #tpu.memory_space<vmem>>, vector<16xf32>,
      tpu.vector_store %arg15[%swap3A_133, %swap3A_134], %add3A_132 {strides = array<i32>} : memref<80x128xf32, #tpu.memory_space<vmem>>, vector<16xf32>,
      %get3A_136 = arith.index_cast %scan3A_125 : i32 to index
      %get3A_137 = arith.constant 16 : index
      %get3A_138 = tpu.vector_load %arg15[%get3A_136, %get3A_137] {strides = array<i32>} : memref<80x128xf32, #tpu.memory_space<vmem>>, vector<16xf32>,
      %get3A_139 = arith.index_cast %scan3A_125 : i32 to index
      %get3A_140 = arith.constant 16 : index
      %get3A_141 = tpu.vector_load %arg16[%get3A_139, %get3A_140] {strides = array<i32>} : memref<80x128xf32, #tpu.memory_space<vmem>>, vector<16xf32>,
      %add3A_142 = arith.addf %get3A_138, %get3A_141 : vector<16xf32>
      %swap3A_143 = arith.index_cast %scan3A_125 : i32 to index
      %swap3A_144 = arith.constant 16 : index
      %swap3A_145 = tpu.vector_load %arg15[%swap3A_143, %swap3A_144] {strides = array<i32>} : memref<80x128xf32, #tpu.memory_space<vmem>>, vector<16xf32>,
      tpu.vector_store %arg15[%swap3A_143, %swap3A_144], %add3A_142 {strides = array<i32>} : memref<80x128xf32, #tpu.memory_space<vmem>>, vector<16xf32>,
      %get3A_146 = arith.index_cast %scan3A_125 : i32 to index
      %get3A_147 = arith.constant 32 : index
      %get3A_148 = tpu.vector_load %arg15[%get3A_146, %get3A_147] {strides = array<i32>} : memref<80x128xf32, #tpu.memory_space<vmem>>, vector<16xf32>,
      %get3A_149 = arith.index_cast %scan3A_125 : i32 to index
      %get3A_150 = arith.constant 32 : index
      %get3A_151 = tpu.vector_load %arg16[%get3A_149, %get3A_150] {strides = array<i32>} : memref<80x128xf32, #tpu.memory_space<vmem>>, vector<16xf32>,
      %add3A_152 = arith.addf %get3A_148, %get3A_151 : vector<16xf32>
      %swap3A_153 = arith.index_cast %scan3A_125 : i32 to index
      %swap3A_154 = arith.constant 32 : index
      %swap3A_155 = tpu.vector_load %arg15[%swap3A_153, %swap3A_154] {strides = array<i32>} : memref<80x128xf32, #tpu.memory_space<vmem>>, vector<16xf32>,
      tpu.vector_store %arg15[%swap3A_153, %swap3A_154], %add3A_152 {strides = array<i32>} : memref<80x128xf32, #tpu.memory_space<vmem>>, vector<16xf32>,
      %get3A_156 = arith.index_cast %scan3A_125 : i32 to index
      %get3A_157 = arith.constant 48 : index
      %get3A_158 = tpu.vector_load %arg15[%get3A_156, %get3A_157] {strides = array<i32>} : memref<80x128xf32, #tpu.memory_space<vmem>>, vector<16xf32>,
      %get3A_159 = arith.index_cast %scan3A_125 : i32 to index
      %get3A_160 = arith.constant 48 : index
      %get3A_161 = tpu.vector_load %arg16[%get3A_159, %get3A_160] {strides = array<i32>} : memref<80x128xf32, #tpu.memory_space<vmem>>, vector<16xf32>,
      %add3A_162 = arith.addf %get3A_158, %get3A_161 : vector<16xf32>
      %swap3A_163 = arith.index_cast %scan3A_125 : i32 to index
      %swap3A_164 = arith.constant 48 : index
      %swap3A_165 = tpu.vector_load %arg15[%swap3A_163, %swap3A_164] {strides = array<i32>} : memref<80x128xf32, #tpu.memory_space<vmem>>, vector<16xf32>,
      tpu.vector_store %arg15[%swap3A_163, %swap3A_164], %add3A_162 {strides = array<i32>} : memref<80x128xf32, #tpu.memory_space<vmem>>, vector<16xf32>,
      %get3A_166 = arith.index_cast %scan3A_125 : i32 to index
      %get3A_167 = arith.constant 64 : index
      %get3A_168 = tpu.vector_load %arg15[%get3A_166, %get3A_167] {strides = array<i32>} : memref<80x128xf32, #tpu.memory_space<vmem>>, vector<16xf32>,
      %get3A_169 = arith.index_cast %scan3A_125 : i32 to index
      %get3A_170 = arith.constant 64 : index
      %get3A_171 = tpu.vector_load %arg16[%get3A_169, %get3A_170] {strides = array<i32>} : memref<80x128xf32, #tpu.memory_space<vmem>>, vector<16xf32>,
      %add3A_172 = arith.addf %get3A_168, %get3A_171 : vector<16xf32>
      %swap3A_173 = arith.index_cast %scan3A_125 : i32 to index
      %swap3A_174 = arith.constant 64 : index
      %swap3A_175 = tpu.vector_load %arg15[%swap3A_173, %swap3A_174] {strides = array<i32>} : memref<80x128xf32, #tpu.memory_space<vmem>>, vector<16xf32>,
      tpu.vector_store %arg15[%swap3A_173, %swap3A_174], %add3A_172 {strides = array<i32>} : memref<80x128xf32, #tpu.memory_space<vmem>>, vector<16xf32>,
      %get3A_176 = arith.index_cast %scan3A_125 : i32 to index
      %get3A_177 = arith.constant 80 : index
      %get3A_178 = tpu.vector_load %arg15[%get3A_176, %get3A_177] {strides = array<i32>} : memref<80x128xf32, #tpu.memory_space<vmem>>, vector<16xf32>,
      %get3A_179 = arith.index_cast %scan3A_125 : i32 to index
      %get3A_180 = arith.constant 80 : index
      %get3A_181 = tpu.vector_load %arg16[%get3A_179, %get3A_180] {strides = array<i32>} : memref<80x128xf32, #tpu.memory_space<vmem>>, vector<16xf32>,
      %add3A_182 = arith.addf %get3A_178, %get3A_181 : vector<16xf32>
      %swap3A_183 = arith.index_cast %scan3A_125 : i32 to index
      %swap3A_184 = arith.constant 80 : index
      %swap3A_185 = tpu.vector_load %arg15[%swap3A_183, %swap3A_184] {strides = array<i32>} : memref<80x128xf32, #tpu.memory_space<vmem>>, vector<16xf32>,
      tpu.vector_store %arg15[%swap3A_183, %swap3A_184], %add3A_182 {strides = array<i32>} : memref<80x128xf32, #tpu.memory_space<vmem>>, vector<16xf32>,
      %get3A_186 = arith.index_cast %scan3A_125 : i32 to index
      %get3A_187 = arith.constant 96 : index
      %get3A_188 = tpu.vector_load %arg15[%get3A_186, %get3A_187] {strides = array<i32>} : memref<80x128xf32, #tpu.memory_space<vmem>>, vector<16xf32>,
      %get3A_189 = arith.index_cast %scan3A_125 : i32 to index
      %get3A_190 = arith.constant 96 : index
      %get3A_191 = tpu.vector_load %arg16[%get3A_189, %get3A_190] {strides = array<i32>} : memref<80x128xf32, #tpu.memory_space<vmem>>, vector<16xf32>,
      %add3A_192 = arith.addf %get3A_188, %get3A_191 : vector<16xf32>
      %swap3A_193 = arith.index_cast %scan3A_125 : i32 to index
      %swap3A_194 = arith.constant 96 : index
      %swap3A_195 = tpu.vector_load %arg15[%swap3A_193, %swap3A_194] {strides = array<i32>} : memref<80x128xf32, #tpu.memory_space<vmem>>, vector<16xf32>,
      tpu.vector_store %arg15[%swap3A_193, %swap3A_194], %add3A_192 {strides = array<i32>} : memref<80x128xf32, #tpu.memory_space<vmem>>, vector<16xf32>,
      %get3A_196 = arith.index_cast %scan3A_125 : i32 to index
      %get3A_197 = arith.constant 112 : index
      %get3A_198 = tpu.vector_load %arg15[%get3A_196, %get3A_197] {strides = array<i32>} : memref<80x128xf32, #tpu.memory_space<vmem>>, vector<16xf32>,
      %get3A_199 = arith.index_cast %scan3A_125 : i32 to index
      %get3A_200 = arith.constant 112 : index
      %get3A_201 = tpu.vector_load %arg16[%get3A_199, %get3A_200] {strides = array<i32>} : memref<80x128xf32, #tpu.memory_space<vmem>>, vector<16xf32>,
      %add3A_202 = arith.addf %get3A_198, %get3A_201 : vector<16xf32>
      %swap3A_203 = arith.index_cast %scan3A_125 : i32 to index
      %swap3A_204 = arith.constant 112 : index
      %swap3A_205 = tpu.vector_load %arg15[%swap3A_203, %swap3A_204] {strides = array<i32>} : memref<80x128xf32, #tpu.memory_space<vmem>>, vector<16xf32>,
      tpu.vector_store %arg15[%swap3A_203, %swap3A_204], %add3A_202 {strides = array<i32>} : memref<80x128xf32, #tpu.memory_space<vmem>>, vector<16xf32>,
    }
    %scan3A_122 = arith.constant 80 : i32
    %add3A_123 = arith.constant 9920 : i32
    %add3A_124 = arith.addi %mul3A_2, %add3A_123 : i32
    "tpu.region"() ({
      %run_scoped3A = tpu.sem_alloc : memref<!tpu.dma_semaphore, #tpu.memory_space<semaphore_mem>>
      %dma_start3A_125 = arith.constant 0 : i32
      %dma_start3A_126 = tpu.memref_slice %arg9[%add3A_124, %dma_start3A_125] : memref<320000x128xf32, #tpu.memory_space<hbm>> -> memref<80x128xf32, #tpu.memory_space<hbm>>
      %dma_start3A_127 = arith.constant 0 : i32
      %dma_start3A_128 = tpu.memref_slice %arg9[%add3A_124, %dma_start3A_127] : memref<320000x128xf32, #tpu.memory_space<hbm>> -> memref<80x128xf32, #tpu.memory_space<hbm>>
      tpu.enqueue_dma source(%arg15 : memref<80x128xf32, #tpu.memory_space<vmem>>) target(%dma_start3A_128 : memref<80x128xf32, #tpu.memory_space<hbm>>) target_semaphore(%run_scoped3A : memref<!tpu.dma_semaphore, #tpu.memory_space<semaphore_mem>>)
      %dma_wait3A_129 = arith.constant 0 : i32
      %dma_wait3A_130 = tpu.memref_slice %arg9[%add3A_124, %dma_wait3A_129] : memref<320000x128xf32, #tpu.memory_space<hbm>> -> memref<80x128xf32, #tpu.memory_space<hbm>>
      %dma_wait3A_131 = arith.constant 0 : i32
      %dma_wait3A_132 = tpu.memref_slice %arg9[%add3A_124, %dma_wait3A_131] : memref<320000x128xf32, #tpu.memory_space<hbm>> -> memref<80x128xf32, #tpu.memory_space<hbm>>
      tpu.wait_dma2 semaphore(%run_scoped3A : memref<!tpu.dma_semaphore, #tpu.memory_space<semaphore_mem>>) src(%arg15 : memref<80x128xf32, #tpu.memory_space<vmem>>) dst(%dma_wait3A_132 : memref<80x128xf32, #tpu.memory_space<hbm>>)
      tpu.yield
    }) : () -> ()
    "tpu.region"() ({
      %run_scoped3A = tpu.sem_alloc : memref<!tpu.dma_semaphore, #tpu.memory_space<semaphore_mem>>
      %dma_start3A_125 = tpu.memref_slice %arg10[%mul3A_2] : memref<320000xf32, #tpu.memory_space<hbm>> -> memref<10000xf32, #tpu.memory_space<hbm>>
      %dma_start3A_126 = tpu.memref_slice %arg10[%mul3A_2] : memref<320000xf32, #tpu.memory_space<hbm>> -> memref<10000xf32, #tpu.memory_space<hbm>>
      tpu.enqueue_dma source(%arg22 : memref<10000xf32, #tpu.memory_space<vmem>>) target(%dma_start3A_126 : memref<10000xf32, #tpu.memory_space<hbm>>) target_semaphore(%run_scoped3A : memref<!tpu.dma_semaphore, #tpu.memory_space<semaphore_mem>>)
      %dma_wait3A_127 = tpu.memref_slice %arg10[%mul3A_2] : memref<320000xf32, #tpu.memory_space<hbm>> -> memref<10000xf32, #tpu.memory_space<hbm>>
      %dma_wait3A_128 = tpu.memref_slice %arg10[%mul3A_2] : memref<320000xf32, #tpu.memory_space<hbm>> -> memref<10000xf32, #tpu.memory_space<hbm>>
      tpu.wait_dma2 semaphore(%run_scoped3A : memref<!tpu.dma_semaphore, #tpu.memory_space<semaphore_mem>>) src(%arg22 : memref<10000xf32, #tpu.memory_space<vmem>>) dst(%dma_wait3A_128 : memref<10000xf32, #tpu.memory_space<hbm>>)
      tpu.yield
    }) : () -> ()
    "tpu.region"() ({
      %run_scoped3A = tpu.sem_alloc : memref<!tpu.dma_semaphore, #tpu.memory_space<semaphore_mem>>
      %dma_start3A_125 = tpu.memref_slice %arg11[%mul3A_2] : memref<320000xf32, #tpu.memory_space<hbm>> -> memref<10000xf32, #tpu.memory_space<hbm>>
      %dma_start3A_126 = tpu.memref_slice %arg11[%mul3A_2] : memref<320000xf32, #tpu.memory_space<hbm>> -> memref<10000xf32, #tpu.memory_space<hbm>>
      tpu.enqueue_dma source(%arg23 : memref<10000xf32, #tpu.memory_space<vmem>>) target(%dma_start3A_126 : memref<10000xf32, #tpu.memory_space<hbm>>) target_semaphore(%run_scoped3A : memref<!tpu.dma_semaphore, #tpu.memory_space<semaphore_mem>>)
      %dma_wait3A_127 = tpu.memref_slice %arg11[%mul3A_2] : memref<320000xf32, #tpu.memory_space<hbm>> -> memref<10000xf32, #tpu.memory_space<hbm>>
      %dma_wait3A_128 = tpu.memref_slice %arg11[%mul3A_2] : memref<320000xf32, #tpu.memory_space<hbm>> -> memref<10000xf32, #tpu.memory_space<hbm>>
      tpu.wait_dma2 semaphore(%run_scoped3A : memref<!tpu.dma_semaphore, #tpu.memory_space<semaphore_mem>>) src(%arg23 : memref<10000xf32, #tpu.memory_space<vmem>>) dst(%dma_wait3A_128 : memref<10000xf32, #tpu.memory_space<hbm>>)
      tpu.yield
    }) : () -> ()
    "tpu.region"() ({
      %run_scoped3A = tpu.sem_alloc : memref<!tpu.dma_semaphore, #tpu.memory_space<semaphore_mem>>
      %dma_start3A_125 = tpu.memref_slice %arg12[%mul3A_2] : memref<320000xf32, #tpu.memory_space<hbm>> -> memref<10000xf32, #tpu.memory_space<hbm>>
      %dma_start3A_126 = tpu.memref_slice %arg12[%mul3A_2] : memref<320000xf32, #tpu.memory_space<hbm>> -> memref<10000xf32, #tpu.memory_space<hbm>>
      tpu.enqueue_dma source(%arg24 : memref<10000xf32, #tpu.memory_space<vmem>>) target(%dma_start3A_126 : memref<10000xf32, #tpu.memory_space<hbm>>) target_semaphore(%run_scoped3A : memref<!tpu.dma_semaphore, #tpu.memory_space<semaphore_mem>>)
      %dma_wait3A_127 = tpu.memref_slice %arg12[%mul3A_2] : memref<320000xf32, #tpu.memory_space<hbm>> -> memref<10000xf32, #tpu.memory_space<hbm>>
      %dma_wait3A_128 = tpu.memref_slice %arg12[%mul3A_2] : memref<320000xf32, #tpu.memory_space<hbm>> -> memref<10000xf32, #tpu.memory_space<hbm>>
      tpu.wait_dma2 semaphore(%run_scoped3A : memref<!tpu.dma_semaphore, #tpu.memory_space<semaphore_mem>>) src(%arg24 : memref<10000xf32, #tpu.memory_space<vmem>>) dst(%dma_wait3A_128 : memref<10000xf32, #tpu.memory_space<hbm>>)
      tpu.yield
    }) : () -> ()
    return
  }
}

#map = affine_map<(d0, d1) -> (0)>
#map1 = affine_map<(d0, d1) -> (0, 0)>
module attributes {stable_mosaic.version = 14 : i64} {
  func.func @_scat_aux_body(%arg0: i32, %arg1: i32, %arg2: memref<320000xi32, #tpu.memory_space<hbm>>, %arg3: memref<320000xf32, #tpu.memory_space<hbm>>, %arg4: memref<320000xf32, #tpu.memory_space<hbm>>, %arg5: memref<320000xf32, #tpu.memory_space<hbm>>, %arg6: memref<40960xf32, #tpu.memory_space<hbm>>, %arg7: memref<32x40960xf32, #tpu.memory_space<hbm>>, %arg8: memref<40960xf32, #tpu.memory_space<vmem>>, %arg9: memref<400xi32, #tpu.memory_space<vmem>>, %arg10: memref<400xf32, #tpu.memory_space<vmem>>, %arg11: memref<400xf32, #tpu.memory_space<vmem>>, %arg12: memref<400xf32, #tpu.memory_space<vmem>>) attributes {dimension_semantics = [#tpu.dimension_semantics<core_parallel>, #tpu.dimension_semantics<subcore_parallel>], iteration_bounds = array<i64: 2, 16>, scalar_prefetch = 0 : i64, scratch_operands = 5 : i64, tpu.core_type = #tpu.core_type<sc_vector_subcore>, window_params = [{transform_indices = #map}, {transform_indices = #map}, {transform_indices = #map}, {transform_indices = #map}, {transform_indices = #map}, {transform_indices = #map1}]} {
    %mul3A = arith.constant 2 : i32
    %mul3A_0 = arith.muli %arg1, %mul3A : i32
    %add3A = arith.addi %mul3A_0, %arg0 : i32
    %mul3A_1 = arith.constant 10000 : i32
    %mul3A_2 = arith.muli %add3A, %mul3A_1 : i32
    "tpu.region"() ({
      %run_scoped3A = tpu.sem_alloc : memref<!tpu.dma_semaphore, #tpu.memory_space<semaphore_mem>>
      tpu.enqueue_dma source(%arg6 : memref<40960xf32, #tpu.memory_space<hbm>>) target(%arg8 : memref<40960xf32, #tpu.memory_space<vmem>>) target_semaphore(%run_scoped3A : memref<!tpu.dma_semaphore, #tpu.memory_space<semaphore_mem>>)
      tpu.wait_dma2 semaphore(%run_scoped3A : memref<!tpu.dma_semaphore, #tpu.memory_space<semaphore_mem>>) src(%arg6 : memref<40960xf32, #tpu.memory_space<hbm>>) dst(%arg8 : memref<40960xf32, #tpu.memory_space<vmem>>)
      tpu.yield
    }) : () -> ()
    %broadcast_in_dim3A = arith.constant 1.000000e+00 : f32
    %broadcast_in_dim3A_3 = vector.broadcast %broadcast_in_dim3A : f32 to vector<16xf32>
    %scan3A = arith.constant 0 : i32
    %scan3A_4 = arith.constant 0 : i32
    %scan3A_5 = arith.constant 25 : i32
    %scan3A_6 = arith.addi %scan3A_4, %scan3A_5 : i32
    %scan3A_7 = arith.constant 1 : i32
    scf.for %scan3A_9 = %scan3A_4 to %scan3A_6 step %scan3A_7  : i32 {
      %mul3A_10 = arith.constant 400 : i32
      %mul3A_11 = arith.muli %scan3A_9, %mul3A_10 : i32
      %add3A_12 = arith.addi %mul3A_2, %mul3A_11 : i32
      "tpu.region"() ({
        %run_scoped3A = tpu.sem_alloc : memref<!tpu.dma_semaphore, #tpu.memory_space<semaphore_mem>>
        %dma_start3A = tpu.memref_slice %arg2[%add3A_12] : memref<320000xi32, #tpu.memory_space<hbm>> -> memref<400xi32, #tpu.memory_space<hbm>>
        %dma_start3A_437 = tpu.memref_slice %arg2[%add3A_12] : memref<320000xi32, #tpu.memory_space<hbm>> -> memref<400xi32, #tpu.memory_space<hbm>>
        tpu.enqueue_dma source(%dma_start3A_437 : memref<400xi32, #tpu.memory_space<hbm>>) target(%arg9 : memref<400xi32, #tpu.memory_space<vmem>>) target_semaphore(%run_scoped3A : memref<!tpu.dma_semaphore, #tpu.memory_space<semaphore_mem>>)
        %dma_wait3A = tpu.memref_slice %arg2[%add3A_12] : memref<320000xi32, #tpu.memory_space<hbm>> -> memref<400xi32, #tpu.memory_space<hbm>>
        %dma_wait3A_438 = tpu.memref_slice %arg2[%add3A_12] : memref<320000xi32, #tpu.memory_space<hbm>> -> memref<400xi32, #tpu.memory_space<hbm>>
        tpu.wait_dma2 semaphore(%run_scoped3A : memref<!tpu.dma_semaphore, #tpu.memory_space<semaphore_mem>>) src(%dma_wait3A_438 : memref<400xi32, #tpu.memory_space<hbm>>) dst(%arg9 : memref<400xi32, #tpu.memory_space<vmem>>)
        tpu.yield
      }) : () -> ()
      "tpu.region"() ({
        %run_scoped3A = tpu.sem_alloc : memref<!tpu.dma_semaphore, #tpu.memory_space<semaphore_mem>>
        %dma_start3A = tpu.memref_slice %arg3[%add3A_12] : memref<320000xf32, #tpu.memory_space<hbm>> -> memref<400xf32, #tpu.memory_space<hbm>>
        %dma_start3A_437 = tpu.memref_slice %arg3[%add3A_12] : memref<320000xf32, #tpu.memory_space<hbm>> -> memref<400xf32, #tpu.memory_space<hbm>>
        tpu.enqueue_dma source(%dma_start3A_437 : memref<400xf32, #tpu.memory_space<hbm>>) target(%arg10 : memref<400xf32, #tpu.memory_space<vmem>>) target_semaphore(%run_scoped3A : memref<!tpu.dma_semaphore, #tpu.memory_space<semaphore_mem>>)
        %dma_wait3A = tpu.memref_slice %arg3[%add3A_12] : memref<320000xf32, #tpu.memory_space<hbm>> -> memref<400xf32, #tpu.memory_space<hbm>>
        %dma_wait3A_438 = tpu.memref_slice %arg3[%add3A_12] : memref<320000xf32, #tpu.memory_space<hbm>> -> memref<400xf32, #tpu.memory_space<hbm>>
        tpu.wait_dma2 semaphore(%run_scoped3A : memref<!tpu.dma_semaphore, #tpu.memory_space<semaphore_mem>>) src(%dma_wait3A_438 : memref<400xf32, #tpu.memory_space<hbm>>) dst(%arg10 : memref<400xf32, #tpu.memory_space<vmem>>)
        tpu.yield
      }) : () -> ()
      "tpu.region"() ({
        %run_scoped3A = tpu.sem_alloc : memref<!tpu.dma_semaphore, #tpu.memory_space<semaphore_mem>>
        %dma_start3A = tpu.memref_slice %arg4[%add3A_12] : memref<320000xf32, #tpu.memory_space<hbm>> -> memref<400xf32, #tpu.memory_space<hbm>>
        %dma_start3A_437 = tpu.memref_slice %arg4[%add3A_12] : memref<320000xf32, #tpu.memory_space<hbm>> -> memref<400xf32, #tpu.memory_space<hbm>>
        tpu.enqueue_dma source(%dma_start3A_437 : memref<400xf32, #tpu.memory_space<hbm>>) target(%arg11 : memref<400xf32, #tpu.memory_space<vmem>>) target_semaphore(%run_scoped3A : memref<!tpu.dma_semaphore, #tpu.memory_space<semaphore_mem>>)
        %dma_wait3A = tpu.memref_slice %arg4[%add3A_12] : memref<320000xf32, #tpu.memory_space<hbm>> -> memref<400xf32, #tpu.memory_space<hbm>>
        %dma_wait3A_438 = tpu.memref_slice %arg4[%add3A_12] : memref<320000xf32, #tpu.memory_space<hbm>> -> memref<400xf32, #tpu.memory_space<hbm>>
        tpu.wait_dma2 semaphore(%run_scoped3A : memref<!tpu.dma_semaphore, #tpu.memory_space<semaphore_mem>>) src(%dma_wait3A_438 : memref<400xf32, #tpu.memory_space<hbm>>) dst(%arg11 : memref<400xf32, #tpu.memory_space<vmem>>)
        tpu.yield
      }) : () -> ()
      "tpu.region"() ({
        %run_scoped3A = tpu.sem_alloc : memref<!tpu.dma_semaphore, #tpu.memory_space<semaphore_mem>>
        %dma_start3A = tpu.memref_slice %arg5[%add3A_12] : memref<320000xf32, #tpu.memory_space<hbm>> -> memref<400xf32, #tpu.memory_space<hbm>>
        %dma_start3A_437 = tpu.memref_slice %arg5[%add3A_12] : memref<320000xf32, #tpu.memory_space<hbm>> -> memref<400xf32, #tpu.memory_space<hbm>>
        tpu.enqueue_dma source(%dma_start3A_437 : memref<400xf32, #tpu.memory_space<hbm>>) target(%arg12 : memref<400xf32, #tpu.memory_space<vmem>>) target_semaphore(%run_scoped3A : memref<!tpu.dma_semaphore, #tpu.memory_space<semaphore_mem>>)
        %dma_wait3A = tpu.memref_slice %arg5[%add3A_12] : memref<320000xf32, #tpu.memory_space<hbm>> -> memref<400xf32, #tpu.memory_space<hbm>>
        %dma_wait3A_438 = tpu.memref_slice %arg5[%add3A_12] : memref<320000xf32, #tpu.memory_space<hbm>> -> memref<400xf32, #tpu.memory_space<hbm>>
        tpu.wait_dma2 semaphore(%run_scoped3A : memref<!tpu.dma_semaphore, #tpu.memory_space<semaphore_mem>>) src(%dma_wait3A_438 : memref<400xf32, #tpu.memory_space<hbm>>) dst(%arg12 : memref<400xf32, #tpu.memory_space<vmem>>)
        tpu.yield
      }) : () -> ()
      %get3A = arith.constant 0 : index
      %get3A_13 = tpu.vector_load %arg9[%get3A] {strides = array<i32>} : memref<400xi32, #tpu.memory_space<vmem>>, vector<16xi32>,
      %get3A_14 = arith.constant 0 : index
      %get3A_15 = tpu.vector_load %arg10[%get3A_14] {strides = array<i32>} : memref<400xf32, #tpu.memory_space<vmem>>, vector<16xf32>,
      tpu.vector_store_idx %arg8[%get3A_13], %get3A_15 {add = true} : memref<40960xf32, #tpu.memory_space<vmem>>[vector<16xi32>], vector<16xf32>,
      %add3A_16 = arith.constant 10240 : i32
      %add3A_17 = vector.broadcast %add3A_16 : i32 to vector<16xi32>
      %add3A_18 = arith.addi %get3A_13, %add3A_17 : vector<16xi32>
      %get3A_19 = arith.constant 0 : index
      %get3A_20 = tpu.vector_load %arg11[%get3A_19] {strides = array<i32>} : memref<400xf32, #tpu.memory_space<vmem>>, vector<16xf32>,
      tpu.vector_store_idx %arg8[%add3A_18], %get3A_20 {add = true} : memref<40960xf32, #tpu.memory_space<vmem>>[vector<16xi32>], vector<16xf32>,
      %add3A_21 = arith.constant 20480 : i32
      %add3A_22 = vector.broadcast %add3A_21 : i32 to vector<16xi32>
      %add3A_23 = arith.addi %get3A_13, %add3A_22 : vector<16xi32>
      %get3A_24 = arith.constant 0 : index
      %get3A_25 = tpu.vector_load %arg12[%get3A_24] {strides = array<i32>} : memref<400xf32, #tpu.memory_space<vmem>>, vector<16xf32>,
      tpu.vector_store_idx %arg8[%add3A_23], %get3A_25 {add = true} : memref<40960xf32, #tpu.memory_space<vmem>>[vector<16xi32>], vector<16xf32>,
      %add3A_26 = arith.constant 30720 : i32
      %add3A_27 = vector.broadcast %add3A_26 : i32 to vector<16xi32>
      %add3A_28 = arith.addi %get3A_13, %add3A_27 : vector<16xi32>
      tpu.vector_store_idx %arg8[%add3A_28], %broadcast_in_dim3A_3 {add = true} : memref<40960xf32, #tpu.memory_space<vmem>>[vector<16xi32>], vector<16xf32>,
      %get3A_29 = arith.constant 16 : index
      %get3A_30 = tpu.vector_load %arg9[%get3A_29] {strides = array<i32>} : memref<400xi32, #tpu.memory_space<vmem>>, vector<16xi32>,
      %get3A_31 = arith.constant 16 : index
      %get3A_32 = tpu.vector_load %arg10[%get3A_31] {strides = array<i32>} : memref<400xf32, #tpu.memory_space<vmem>>, vector<16xf32>,
      tpu.vector_store_idx %arg8[%get3A_30], %get3A_32 {add = true} : memref<40960xf32, #tpu.memory_space<vmem>>[vector<16xi32>], vector<16xf32>,
      %add3A_33 = arith.constant 10240 : i32
      %add3A_34 = vector.broadcast %add3A_33 : i32 to vector<16xi32>
      %add3A_35 = arith.addi %get3A_30, %add3A_34 : vector<16xi32>
      %get3A_36 = arith.constant 16 : index
      %get3A_37 = tpu.vector_load %arg11[%get3A_36] {strides = array<i32>} : memref<400xf32, #tpu.memory_space<vmem>>, vector<16xf32>,
      tpu.vector_store_idx %arg8[%add3A_35], %get3A_37 {add = true} : memref<40960xf32, #tpu.memory_space<vmem>>[vector<16xi32>], vector<16xf32>,
      %add3A_38 = arith.constant 20480 : i32
      %add3A_39 = vector.broadcast %add3A_38 : i32 to vector<16xi32>
      %add3A_40 = arith.addi %get3A_30, %add3A_39 : vector<16xi32>
      %get3A_41 = arith.constant 16 : index
      %get3A_42 = tpu.vector_load %arg12[%get3A_41] {strides = array<i32>} : memref<400xf32, #tpu.memory_space<vmem>>, vector<16xf32>,
      tpu.vector_store_idx %arg8[%add3A_40], %get3A_42 {add = true} : memref<40960xf32, #tpu.memory_space<vmem>>[vector<16xi32>], vector<16xf32>,
      %add3A_43 = arith.constant 30720 : i32
      %add3A_44 = vector.broadcast %add3A_43 : i32 to vector<16xi32>
      %add3A_45 = arith.addi %get3A_30, %add3A_44 : vector<16xi32>
      tpu.vector_store_idx %arg8[%add3A_45], %broadcast_in_dim3A_3 {add = true} : memref<40960xf32, #tpu.memory_space<vmem>>[vector<16xi32>], vector<16xf32>,
      %get3A_46 = arith.constant 32 : index
      %get3A_47 = tpu.vector_load %arg9[%get3A_46] {strides = array<i32>} : memref<400xi32, #tpu.memory_space<vmem>>, vector<16xi32>,
      %get3A_48 = arith.constant 32 : index
      %get3A_49 = tpu.vector_load %arg10[%get3A_48] {strides = array<i32>} : memref<400xf32, #tpu.memory_space<vmem>>, vector<16xf32>,
      tpu.vector_store_idx %arg8[%get3A_47], %get3A_49 {add = true} : memref<40960xf32, #tpu.memory_space<vmem>>[vector<16xi32>], vector<16xf32>,
      %add3A_50 = arith.constant 10240 : i32
      %add3A_51 = vector.broadcast %add3A_50 : i32 to vector<16xi32>
      %add3A_52 = arith.addi %get3A_47, %add3A_51 : vector<16xi32>
      %get3A_53 = arith.constant 32 : index
      %get3A_54 = tpu.vector_load %arg11[%get3A_53] {strides = array<i32>} : memref<400xf32, #tpu.memory_space<vmem>>, vector<16xf32>,
      tpu.vector_store_idx %arg8[%add3A_52], %get3A_54 {add = true} : memref<40960xf32, #tpu.memory_space<vmem>>[vector<16xi32>], vector<16xf32>,
      %add3A_55 = arith.constant 20480 : i32
      %add3A_56 = vector.broadcast %add3A_55 : i32 to vector<16xi32>
      %add3A_57 = arith.addi %get3A_47, %add3A_56 : vector<16xi32>
      %get3A_58 = arith.constant 32 : index
      %get3A_59 = tpu.vector_load %arg12[%get3A_58] {strides = array<i32>} : memref<400xf32, #tpu.memory_space<vmem>>, vector<16xf32>,
      tpu.vector_store_idx %arg8[%add3A_57], %get3A_59 {add = true} : memref<40960xf32, #tpu.memory_space<vmem>>[vector<16xi32>], vector<16xf32>,
      %add3A_60 = arith.constant 30720 : i32
      %add3A_61 = vector.broadcast %add3A_60 : i32 to vector<16xi32>
      %add3A_62 = arith.addi %get3A_47, %add3A_61 : vector<16xi32>
      tpu.vector_store_idx %arg8[%add3A_62], %broadcast_in_dim3A_3 {add = true} : memref<40960xf32, #tpu.memory_space<vmem>>[vector<16xi32>], vector<16xf32>,
      %get3A_63 = arith.constant 48 : index
      %get3A_64 = tpu.vector_load %arg9[%get3A_63] {strides = array<i32>} : memref<400xi32, #tpu.memory_space<vmem>>, vector<16xi32>,
      %get3A_65 = arith.constant 48 : index
      %get3A_66 = tpu.vector_load %arg10[%get3A_65] {strides = array<i32>} : memref<400xf32, #tpu.memory_space<vmem>>, vector<16xf32>,
      tpu.vector_store_idx %arg8[%get3A_64], %get3A_66 {add = true} : memref<40960xf32, #tpu.memory_space<vmem>>[vector<16xi32>], vector<16xf32>,
      %add3A_67 = arith.constant 10240 : i32
      %add3A_68 = vector.broadcast %add3A_67 : i32 to vector<16xi32>
      %add3A_69 = arith.addi %get3A_64, %add3A_68 : vector<16xi32>
      %get3A_70 = arith.constant 48 : index
      %get3A_71 = tpu.vector_load %arg11[%get3A_70] {strides = array<i32>} : memref<400xf32, #tpu.memory_space<vmem>>, vector<16xf32>,
      tpu.vector_store_idx %arg8[%add3A_69], %get3A_71 {add = true} : memref<40960xf32, #tpu.memory_space<vmem>>[vector<16xi32>], vector<16xf32>,
      %add3A_72 = arith.constant 20480 : i32
      %add3A_73 = vector.broadcast %add3A_72 : i32 to vector<16xi32>
      %add3A_74 = arith.addi %get3A_64, %add3A_73 : vector<16xi32>
      %get3A_75 = arith.constant 48 : index
      %get3A_76 = tpu.vector_load %arg12[%get3A_75] {strides = array<i32>} : memref<400xf32, #tpu.memory_space<vmem>>, vector<16xf32>,
      tpu.vector_store_idx %arg8[%add3A_74], %get3A_76 {add = true} : memref<40960xf32, #tpu.memory_space<vmem>>[vector<16xi32>], vector<16xf32>,
      %add3A_77 = arith.constant 30720 : i32
      %add3A_78 = vector.broadcast %add3A_77 : i32 to vector<16xi32>
      %add3A_79 = arith.addi %get3A_64, %add3A_78 : vector<16xi32>
      tpu.vector_store_idx %arg8[%add3A_79], %broadcast_in_dim3A_3 {add = true} : memref<40960xf32, #tpu.memory_space<vmem>>[vector<16xi32>], vector<16xf32>,
      %get3A_80 = arith.constant 64 : index
      %get3A_81 = tpu.vector_load %arg9[%get3A_80] {strides = array<i32>} : memref<400xi32, #tpu.memory_space<vmem>>, vector<16xi32>,
      %get3A_82 = arith.constant 64 : index
      %get3A_83 = tpu.vector_load %arg10[%get3A_82] {strides = array<i32>} : memref<400xf32, #tpu.memory_space<vmem>>, vector<16xf32>,
      tpu.vector_store_idx %arg8[%get3A_81], %get3A_83 {add = true} : memref<40960xf32, #tpu.memory_space<vmem>>[vector<16xi32>], vector<16xf32>,
      %add3A_84 = arith.constant 10240 : i32
      %add3A_85 = vector.broadcast %add3A_84 : i32 to vector<16xi32>
      %add3A_86 = arith.addi %get3A_81, %add3A_85 : vector<16xi32>
      %get3A_87 = arith.constant 64 : index
      %get3A_88 = tpu.vector_load %arg11[%get3A_87] {strides = array<i32>} : memref<400xf32, #tpu.memory_space<vmem>>, vector<16xf32>,
      tpu.vector_store_idx %arg8[%add3A_86], %get3A_88 {add = true} : memref<40960xf32, #tpu.memory_space<vmem>>[vector<16xi32>], vector<16xf32>,
      %add3A_89 = arith.constant 20480 : i32
      %add3A_90 = vector.broadcast %add3A_89 : i32 to vector<16xi32>
      %add3A_91 = arith.addi %get3A_81, %add3A_90 : vector<16xi32>
      %get3A_92 = arith.constant 64 : index
      %get3A_93 = tpu.vector_load %arg12[%get3A_92] {strides = array<i32>} : memref<400xf32, #tpu.memory_space<vmem>>, vector<16xf32>,
      tpu.vector_store_idx %arg8[%add3A_91], %get3A_93 {add = true} : memref<40960xf32, #tpu.memory_space<vmem>>[vector<16xi32>], vector<16xf32>,
      %add3A_94 = arith.constant 30720 : i32
      %add3A_95 = vector.broadcast %add3A_94 : i32 to vector<16xi32>
      %add3A_96 = arith.addi %get3A_81, %add3A_95 : vector<16xi32>
      tpu.vector_store_idx %arg8[%add3A_96], %broadcast_in_dim3A_3 {add = true} : memref<40960xf32, #tpu.memory_space<vmem>>[vector<16xi32>], vector<16xf32>,
      %get3A_97 = arith.constant 80 : index
      %get3A_98 = tpu.vector_load %arg9[%get3A_97] {strides = array<i32>} : memref<400xi32, #tpu.memory_space<vmem>>, vector<16xi32>,
      %get3A_99 = arith.constant 80 : index
      %get3A_100 = tpu.vector_load %arg10[%get3A_99] {strides = array<i32>} : memref<400xf32, #tpu.memory_space<vmem>>, vector<16xf32>,
      tpu.vector_store_idx %arg8[%get3A_98], %get3A_100 {add = true} : memref<40960xf32, #tpu.memory_space<vmem>>[vector<16xi32>], vector<16xf32>,
      %add3A_101 = arith.constant 10240 : i32
      %add3A_102 = vector.broadcast %add3A_101 : i32 to vector<16xi32>
      %add3A_103 = arith.addi %get3A_98, %add3A_102 : vector<16xi32>
      %get3A_104 = arith.constant 80 : index
      %get3A_105 = tpu.vector_load %arg11[%get3A_104] {strides = array<i32>} : memref<400xf32, #tpu.memory_space<vmem>>, vector<16xf32>,
      tpu.vector_store_idx %arg8[%add3A_103], %get3A_105 {add = true} : memref<40960xf32, #tpu.memory_space<vmem>>[vector<16xi32>], vector<16xf32>,
      %add3A_106 = arith.constant 20480 : i32
      %add3A_107 = vector.broadcast %add3A_106 : i32 to vector<16xi32>
      %add3A_108 = arith.addi %get3A_98, %add3A_107 : vector<16xi32>
      %get3A_109 = arith.constant 80 : index
      %get3A_110 = tpu.vector_load %arg12[%get3A_109] {strides = array<i32>} : memref<400xf32, #tpu.memory_space<vmem>>, vector<16xf32>,
      tpu.vector_store_idx %arg8[%add3A_108], %get3A_110 {add = true} : memref<40960xf32, #tpu.memory_space<vmem>>[vector<16xi32>], vector<16xf32>,
      %add3A_111 = arith.constant 30720 : i32
      %add3A_112 = vector.broadcast %add3A_111 : i32 to vector<16xi32>
      %add3A_113 = arith.addi %get3A_98, %add3A_112 : vector<16xi32>
      tpu.vector_store_idx %arg8[%add3A_113], %broadcast_in_dim3A_3 {add = true} : memref<40960xf32, #tpu.memory_space<vmem>>[vector<16xi32>], vector<16xf32>,
      %get3A_114 = arith.constant 96 : index
      %get3A_115 = tpu.vector_load %arg9[%get3A_114] {strides = array<i32>} : memref<400xi32, #tpu.memory_space<vmem>>, vector<16xi32>,
      %get3A_116 = arith.constant 96 : index
      %get3A_117 = tpu.vector_load %arg10[%get3A_116] {strides = array<i32>} : memref<400xf32, #tpu.memory_space<vmem>>, vector<16xf32>,
      tpu.vector_store_idx %arg8[%get3A_115], %get3A_117 {add = true} : memref<40960xf32, #tpu.memory_space<vmem>>[vector<16xi32>], vector<16xf32>,
      %add3A_118 = arith.constant 10240 : i32
      %add3A_119 = vector.broadcast %add3A_118 : i32 to vector<16xi32>
      %add3A_120 = arith.addi %get3A_115, %add3A_119 : vector<16xi32>
      %get3A_121 = arith.constant 96 : index
      %get3A_122 = tpu.vector_load %arg11[%get3A_121] {strides = array<i32>} : memref<400xf32, #tpu.memory_space<vmem>>, vector<16xf32>,
      tpu.vector_store_idx %arg8[%add3A_120], %get3A_122 {add = true} : memref<40960xf32, #tpu.memory_space<vmem>>[vector<16xi32>], vector<16xf32>,
      %add3A_123 = arith.constant 20480 : i32
      %add3A_124 = vector.broadcast %add3A_123 : i32 to vector<16xi32>
      %add3A_125 = arith.addi %get3A_115, %add3A_124 : vector<16xi32>
      %get3A_126 = arith.constant 96 : index
      %get3A_127 = tpu.vector_load %arg12[%get3A_126] {strides = array<i32>} : memref<400xf32, #tpu.memory_space<vmem>>, vector<16xf32>,
      tpu.vector_store_idx %arg8[%add3A_125], %get3A_127 {add = true} : memref<40960xf32, #tpu.memory_space<vmem>>[vector<16xi32>], vector<16xf32>,
      %add3A_128 = arith.constant 30720 : i32
      %add3A_129 = vector.broadcast %add3A_128 : i32 to vector<16xi32>
      %add3A_130 = arith.addi %get3A_115, %add3A_129 : vector<16xi32>
      tpu.vector_store_idx %arg8[%add3A_130], %broadcast_in_dim3A_3 {add = true} : memref<40960xf32, #tpu.memory_space<vmem>>[vector<16xi32>], vector<16xf32>,
      %get3A_131 = arith.constant 112 : index
      %get3A_132 = tpu.vector_load %arg9[%get3A_131] {strides = array<i32>} : memref<400xi32, #tpu.memory_space<vmem>>, vector<16xi32>,
      %get3A_133 = arith.constant 112 : index
      %get3A_134 = tpu.vector_load %arg10[%get3A_133] {strides = array<i32>} : memref<400xf32, #tpu.memory_space<vmem>>, vector<16xf32>,
      tpu.vector_store_idx %arg8[%get3A_132], %get3A_134 {add = true} : memref<40960xf32, #tpu.memory_space<vmem>>[vector<16xi32>], vector<16xf32>,
      %add3A_135 = arith.constant 10240 : i32
      %add3A_136 = vector.broadcast %add3A_135 : i32 to vector<16xi32>
      %add3A_137 = arith.addi %get3A_132, %add3A_136 : vector<16xi32>
      %get3A_138 = arith.constant 112 : index
      %get3A_139 = tpu.vector_load %arg11[%get3A_138] {strides = array<i32>} : memref<400xf32, #tpu.memory_space<vmem>>, vector<16xf32>,
      tpu.vector_store_idx %arg8[%add3A_137], %get3A_139 {add = true} : memref<40960xf32, #tpu.memory_space<vmem>>[vector<16xi32>], vector<16xf32>,
      %add3A_140 = arith.constant 20480 : i32
      %add3A_141 = vector.broadcast %add3A_140 : i32 to vector<16xi32>
      %add3A_142 = arith.addi %get3A_132, %add3A_141 : vector<16xi32>
      %get3A_143 = arith.constant 112 : index
      %get3A_144 = tpu.vector_load %arg12[%get3A_143] {strides = array<i32>} : memref<400xf32, #tpu.memory_space<vmem>>, vector<16xf32>,
      tpu.vector_store_idx %arg8[%add3A_142], %get3A_144 {add = true} : memref<40960xf32, #tpu.memory_space<vmem>>[vector<16xi32>], vector<16xf32>,
      %add3A_145 = arith.constant 30720 : i32
      %add3A_146 = vector.broadcast %add3A_145 : i32 to vector<16xi32>
      %add3A_147 = arith.addi %get3A_132, %add3A_146 : vector<16xi32>
      tpu.vector_store_idx %arg8[%add3A_147], %broadcast_in_dim3A_3 {add = true} : memref<40960xf32, #tpu.memory_space<vmem>>[vector<16xi32>], vector<16xf32>,
      %get3A_148 = arith.constant 128 : index
      %get3A_149 = tpu.vector_load %arg9[%get3A_148] {strides = array<i32>} : memref<400xi32, #tpu.memory_space<vmem>>, vector<16xi32>,
      %get3A_150 = arith.constant 128 : index
      %get3A_151 = tpu.vector_load %arg10[%get3A_150] {strides = array<i32>} : memref<400xf32, #tpu.memory_space<vmem>>, vector<16xf32>,
      tpu.vector_store_idx %arg8[%get3A_149], %get3A_151 {add = true} : memref<40960xf32, #tpu.memory_space<vmem>>[vector<16xi32>], vector<16xf32>,
      %add3A_152 = arith.constant 10240 : i32
      %add3A_153 = vector.broadcast %add3A_152 : i32 to vector<16xi32>
      %add3A_154 = arith.addi %get3A_149, %add3A_153 : vector<16xi32>
      %get3A_155 = arith.constant 128 : index
      %get3A_156 = tpu.vector_load %arg11[%get3A_155] {strides = array<i32>} : memref<400xf32, #tpu.memory_space<vmem>>, vector<16xf32>,
      tpu.vector_store_idx %arg8[%add3A_154], %get3A_156 {add = true} : memref<40960xf32, #tpu.memory_space<vmem>>[vector<16xi32>], vector<16xf32>,
      %add3A_157 = arith.constant 20480 : i32
      %add3A_158 = vector.broadcast %add3A_157 : i32 to vector<16xi32>
      %add3A_159 = arith.addi %get3A_149, %add3A_158 : vector<16xi32>
      %get3A_160 = arith.constant 128 : index
      %get3A_161 = tpu.vector_load %arg12[%get3A_160] {strides = array<i32>} : memref<400xf32, #tpu.memory_space<vmem>>, vector<16xf32>,
      tpu.vector_store_idx %arg8[%add3A_159], %get3A_161 {add = true} : memref<40960xf32, #tpu.memory_space<vmem>>[vector<16xi32>], vector<16xf32>,
      %add3A_162 = arith.constant 30720 : i32
      %add3A_163 = vector.broadcast %add3A_162 : i32 to vector<16xi32>
      %add3A_164 = arith.addi %get3A_149, %add3A_163 : vector<16xi32>
      tpu.vector_store_idx %arg8[%add3A_164], %broadcast_in_dim3A_3 {add = true} : memref<40960xf32, #tpu.memory_space<vmem>>[vector<16xi32>], vector<16xf32>,
      %get3A_165 = arith.constant 144 : index
      %get3A_166 = tpu.vector_load %arg9[%get3A_165] {strides = array<i32>} : memref<400xi32, #tpu.memory_space<vmem>>, vector<16xi32>,
      %get3A_167 = arith.constant 144 : index
      %get3A_168 = tpu.vector_load %arg10[%get3A_167] {strides = array<i32>} : memref<400xf32, #tpu.memory_space<vmem>>, vector<16xf32>,
      tpu.vector_store_idx %arg8[%get3A_166], %get3A_168 {add = true} : memref<40960xf32, #tpu.memory_space<vmem>>[vector<16xi32>], vector<16xf32>,
      %add3A_169 = arith.constant 10240 : i32
      %add3A_170 = vector.broadcast %add3A_169 : i32 to vector<16xi32>
      %add3A_171 = arith.addi %get3A_166, %add3A_170 : vector<16xi32>
      %get3A_172 = arith.constant 144 : index
      %get3A_173 = tpu.vector_load %arg11[%get3A_172] {strides = array<i32>} : memref<400xf32, #tpu.memory_space<vmem>>, vector<16xf32>,
      tpu.vector_store_idx %arg8[%add3A_171], %get3A_173 {add = true} : memref<40960xf32, #tpu.memory_space<vmem>>[vector<16xi32>], vector<16xf32>,
      %add3A_174 = arith.constant 20480 : i32
      %add3A_175 = vector.broadcast %add3A_174 : i32 to vector<16xi32>
      %add3A_176 = arith.addi %get3A_166, %add3A_175 : vector<16xi32>
      %get3A_177 = arith.constant 144 : index
      %get3A_178 = tpu.vector_load %arg12[%get3A_177] {strides = array<i32>} : memref<400xf32, #tpu.memory_space<vmem>>, vector<16xf32>,
      tpu.vector_store_idx %arg8[%add3A_176], %get3A_178 {add = true} : memref<40960xf32, #tpu.memory_space<vmem>>[vector<16xi32>], vector<16xf32>,
      %add3A_179 = arith.constant 30720 : i32
      %add3A_180 = vector.broadcast %add3A_179 : i32 to vector<16xi32>
      %add3A_181 = arith.addi %get3A_166, %add3A_180 : vector<16xi32>
      tpu.vector_store_idx %arg8[%add3A_181], %broadcast_in_dim3A_3 {add = true} : memref<40960xf32, #tpu.memory_space<vmem>>[vector<16xi32>], vector<16xf32>,
      %get3A_182 = arith.constant 160 : index
      %get3A_183 = tpu.vector_load %arg9[%get3A_182] {strides = array<i32>} : memref<400xi32, #tpu.memory_space<vmem>>, vector<16xi32>,
      %get3A_184 = arith.constant 160 : index
      %get3A_185 = tpu.vector_load %arg10[%get3A_184] {strides = array<i32>} : memref<400xf32, #tpu.memory_space<vmem>>, vector<16xf32>,
      tpu.vector_store_idx %arg8[%get3A_183], %get3A_185 {add = true} : memref<40960xf32, #tpu.memory_space<vmem>>[vector<16xi32>], vector<16xf32>,
      %add3A_186 = arith.constant 10240 : i32
      %add3A_187 = vector.broadcast %add3A_186 : i32 to vector<16xi32>
      %add3A_188 = arith.addi %get3A_183, %add3A_187 : vector<16xi32>
      %get3A_189 = arith.constant 160 : index
      %get3A_190 = tpu.vector_load %arg11[%get3A_189] {strides = array<i32>} : memref<400xf32, #tpu.memory_space<vmem>>, vector<16xf32>,
      tpu.vector_store_idx %arg8[%add3A_188], %get3A_190 {add = true} : memref<40960xf32, #tpu.memory_space<vmem>>[vector<16xi32>], vector<16xf32>,
      %add3A_191 = arith.constant 20480 : i32
      %add3A_192 = vector.broadcast %add3A_191 : i32 to vector<16xi32>
      %add3A_193 = arith.addi %get3A_183, %add3A_192 : vector<16xi32>
      %get3A_194 = arith.constant 160 : index
      %get3A_195 = tpu.vector_load %arg12[%get3A_194] {strides = array<i32>} : memref<400xf32, #tpu.memory_space<vmem>>, vector<16xf32>,
      tpu.vector_store_idx %arg8[%add3A_193], %get3A_195 {add = true} : memref<40960xf32, #tpu.memory_space<vmem>>[vector<16xi32>], vector<16xf32>,
      %add3A_196 = arith.constant 30720 : i32
      %add3A_197 = vector.broadcast %add3A_196 : i32 to vector<16xi32>
      %add3A_198 = arith.addi %get3A_183, %add3A_197 : vector<16xi32>
      tpu.vector_store_idx %arg8[%add3A_198], %broadcast_in_dim3A_3 {add = true} : memref<40960xf32, #tpu.memory_space<vmem>>[vector<16xi32>], vector<16xf32>,
      %get3A_199 = arith.constant 176 : index
      %get3A_200 = tpu.vector_load %arg9[%get3A_199] {strides = array<i32>} : memref<400xi32, #tpu.memory_space<vmem>>, vector<16xi32>,
      %get3A_201 = arith.constant 176 : index
      %get3A_202 = tpu.vector_load %arg10[%get3A_201] {strides = array<i32>} : memref<400xf32, #tpu.memory_space<vmem>>, vector<16xf32>,
      tpu.vector_store_idx %arg8[%get3A_200], %get3A_202 {add = true} : memref<40960xf32, #tpu.memory_space<vmem>>[vector<16xi32>], vector<16xf32>,
      %add3A_203 = arith.constant 10240 : i32
      %add3A_204 = vector.broadcast %add3A_203 : i32 to vector<16xi32>
      %add3A_205 = arith.addi %get3A_200, %add3A_204 : vector<16xi32>
      %get3A_206 = arith.constant 176 : index
      %get3A_207 = tpu.vector_load %arg11[%get3A_206] {strides = array<i32>} : memref<400xf32, #tpu.memory_space<vmem>>, vector<16xf32>,
      tpu.vector_store_idx %arg8[%add3A_205], %get3A_207 {add = true} : memref<40960xf32, #tpu.memory_space<vmem>>[vector<16xi32>], vector<16xf32>,
      %add3A_208 = arith.constant 20480 : i32
      %add3A_209 = vector.broadcast %add3A_208 : i32 to vector<16xi32>
      %add3A_210 = arith.addi %get3A_200, %add3A_209 : vector<16xi32>
      %get3A_211 = arith.constant 176 : index
      %get3A_212 = tpu.vector_load %arg12[%get3A_211] {strides = array<i32>} : memref<400xf32, #tpu.memory_space<vmem>>, vector<16xf32>,
      tpu.vector_store_idx %arg8[%add3A_210], %get3A_212 {add = true} : memref<40960xf32, #tpu.memory_space<vmem>>[vector<16xi32>], vector<16xf32>,
      %add3A_213 = arith.constant 30720 : i32
      %add3A_214 = vector.broadcast %add3A_213 : i32 to vector<16xi32>
      %add3A_215 = arith.addi %get3A_200, %add3A_214 : vector<16xi32>
      tpu.vector_store_idx %arg8[%add3A_215], %broadcast_in_dim3A_3 {add = true} : memref<40960xf32, #tpu.memory_space<vmem>>[vector<16xi32>], vector<16xf32>,
      %get3A_216 = arith.constant 192 : index
      %get3A_217 = tpu.vector_load %arg9[%get3A_216] {strides = array<i32>} : memref<400xi32, #tpu.memory_space<vmem>>, vector<16xi32>,
      %get3A_218 = arith.constant 192 : index
      %get3A_219 = tpu.vector_load %arg10[%get3A_218] {strides = array<i32>} : memref<400xf32, #tpu.memory_space<vmem>>, vector<16xf32>,
      tpu.vector_store_idx %arg8[%get3A_217], %get3A_219 {add = true} : memref<40960xf32, #tpu.memory_space<vmem>>[vector<16xi32>], vector<16xf32>,
      %add3A_220 = arith.constant 10240 : i32
      %add3A_221 = vector.broadcast %add3A_220 : i32 to vector<16xi32>
      %add3A_222 = arith.addi %get3A_217, %add3A_221 : vector<16xi32>
      %get3A_223 = arith.constant 192 : index
      %get3A_224 = tpu.vector_load %arg11[%get3A_223] {strides = array<i32>} : memref<400xf32, #tpu.memory_space<vmem>>, vector<16xf32>,
      tpu.vector_store_idx %arg8[%add3A_222], %get3A_224 {add = true} : memref<40960xf32, #tpu.memory_space<vmem>>[vector<16xi32>], vector<16xf32>,
      %add3A_225 = arith.constant 20480 : i32
      %add3A_226 = vector.broadcast %add3A_225 : i32 to vector<16xi32>
      %add3A_227 = arith.addi %get3A_217, %add3A_226 : vector<16xi32>
      %get3A_228 = arith.constant 192 : index
      %get3A_229 = tpu.vector_load %arg12[%get3A_228] {strides = array<i32>} : memref<400xf32, #tpu.memory_space<vmem>>, vector<16xf32>,
      tpu.vector_store_idx %arg8[%add3A_227], %get3A_229 {add = true} : memref<40960xf32, #tpu.memory_space<vmem>>[vector<16xi32>], vector<16xf32>,
      %add3A_230 = arith.constant 30720 : i32
      %add3A_231 = vector.broadcast %add3A_230 : i32 to vector<16xi32>
      %add3A_232 = arith.addi %get3A_217, %add3A_231 : vector<16xi32>
      tpu.vector_store_idx %arg8[%add3A_232], %broadcast_in_dim3A_3 {add = true} : memref<40960xf32, #tpu.memory_space<vmem>>[vector<16xi32>], vector<16xf32>,
      %get3A_233 = arith.constant 208 : index
      %get3A_234 = tpu.vector_load %arg9[%get3A_233] {strides = array<i32>} : memref<400xi32, #tpu.memory_space<vmem>>, vector<16xi32>,
      %get3A_235 = arith.constant 208 : index
      %get3A_236 = tpu.vector_load %arg10[%get3A_235] {strides = array<i32>} : memref<400xf32, #tpu.memory_space<vmem>>, vector<16xf32>,
      tpu.vector_store_idx %arg8[%get3A_234], %get3A_236 {add = true} : memref<40960xf32, #tpu.memory_space<vmem>>[vector<16xi32>], vector<16xf32>,
      %add3A_237 = arith.constant 10240 : i32
      %add3A_238 = vector.broadcast %add3A_237 : i32 to vector<16xi32>
      %add3A_239 = arith.addi %get3A_234, %add3A_238 : vector<16xi32>
      %get3A_240 = arith.constant 208 : index
      %get3A_241 = tpu.vector_load %arg11[%get3A_240] {strides = array<i32>} : memref<400xf32, #tpu.memory_space<vmem>>, vector<16xf32>,
      tpu.vector_store_idx %arg8[%add3A_239], %get3A_241 {add = true} : memref<40960xf32, #tpu.memory_space<vmem>>[vector<16xi32>], vector<16xf32>,
      %add3A_242 = arith.constant 20480 : i32
      %add3A_243 = vector.broadcast %add3A_242 : i32 to vector<16xi32>
      %add3A_244 = arith.addi %get3A_234, %add3A_243 : vector<16xi32>
      %get3A_245 = arith.constant 208 : index
      %get3A_246 = tpu.vector_load %arg12[%get3A_245] {strides = array<i32>} : memref<400xf32, #tpu.memory_space<vmem>>, vector<16xf32>,
      tpu.vector_store_idx %arg8[%add3A_244], %get3A_246 {add = true} : memref<40960xf32, #tpu.memory_space<vmem>>[vector<16xi32>], vector<16xf32>,
      %add3A_247 = arith.constant 30720 : i32
      %add3A_248 = vector.broadcast %add3A_247 : i32 to vector<16xi32>
      %add3A_249 = arith.addi %get3A_234, %add3A_248 : vector<16xi32>
      tpu.vector_store_idx %arg8[%add3A_249], %broadcast_in_dim3A_3 {add = true} : memref<40960xf32, #tpu.memory_space<vmem>>[vector<16xi32>], vector<16xf32>,
      %get3A_250 = arith.constant 224 : index
      %get3A_251 = tpu.vector_load %arg9[%get3A_250] {strides = array<i32>} : memref<400xi32, #tpu.memory_space<vmem>>, vector<16xi32>,
      %get3A_252 = arith.constant 224 : index
      %get3A_253 = tpu.vector_load %arg10[%get3A_252] {strides = array<i32>} : memref<400xf32, #tpu.memory_space<vmem>>, vector<16xf32>,
      tpu.vector_store_idx %arg8[%get3A_251], %get3A_253 {add = true} : memref<40960xf32, #tpu.memory_space<vmem>>[vector<16xi32>], vector<16xf32>,
      %add3A_254 = arith.constant 10240 : i32
      %add3A_255 = vector.broadcast %add3A_254 : i32 to vector<16xi32>
      %add3A_256 = arith.addi %get3A_251, %add3A_255 : vector<16xi32>
      %get3A_257 = arith.constant 224 : index
      %get3A_258 = tpu.vector_load %arg11[%get3A_257] {strides = array<i32>} : memref<400xf32, #tpu.memory_space<vmem>>, vector<16xf32>,
      tpu.vector_store_idx %arg8[%add3A_256], %get3A_258 {add = true} : memref<40960xf32, #tpu.memory_space<vmem>>[vector<16xi32>], vector<16xf32>,
      %add3A_259 = arith.constant 20480 : i32
      %add3A_260 = vector.broadcast %add3A_259 : i32 to vector<16xi32>
      %add3A_261 = arith.addi %get3A_251, %add3A_260 : vector<16xi32>
      %get3A_262 = arith.constant 224 : index
      %get3A_263 = tpu.vector_load %arg12[%get3A_262] {strides = array<i32>} : memref<400xf32, #tpu.memory_space<vmem>>, vector<16xf32>,
      tpu.vector_store_idx %arg8[%add3A_261], %get3A_263 {add = true} : memref<40960xf32, #tpu.memory_space<vmem>>[vector<16xi32>], vector<16xf32>,
      %add3A_264 = arith.constant 30720 : i32
      %add3A_265 = vector.broadcast %add3A_264 : i32 to vector<16xi32>
      %add3A_266 = arith.addi %get3A_251, %add3A_265 : vector<16xi32>
      tpu.vector_store_idx %arg8[%add3A_266], %broadcast_in_dim3A_3 {add = true} : memref<40960xf32, #tpu.memory_space<vmem>>[vector<16xi32>], vector<16xf32>,
      %get3A_267 = arith.constant 240 : index
      %get3A_268 = tpu.vector_load %arg9[%get3A_267] {strides = array<i32>} : memref<400xi32, #tpu.memory_space<vmem>>, vector<16xi32>,
      %get3A_269 = arith.constant 240 : index
      %get3A_270 = tpu.vector_load %arg10[%get3A_269] {strides = array<i32>} : memref<400xf32, #tpu.memory_space<vmem>>, vector<16xf32>,
      tpu.vector_store_idx %arg8[%get3A_268], %get3A_270 {add = true} : memref<40960xf32, #tpu.memory_space<vmem>>[vector<16xi32>], vector<16xf32>,
      %add3A_271 = arith.constant 10240 : i32
      %add3A_272 = vector.broadcast %add3A_271 : i32 to vector<16xi32>
      %add3A_273 = arith.addi %get3A_268, %add3A_272 : vector<16xi32>
      %get3A_274 = arith.constant 240 : index
      %get3A_275 = tpu.vector_load %arg11[%get3A_274] {strides = array<i32>} : memref<400xf32, #tpu.memory_space<vmem>>, vector<16xf32>,
      tpu.vector_store_idx %arg8[%add3A_273], %get3A_275 {add = true} : memref<40960xf32, #tpu.memory_space<vmem>>[vector<16xi32>], vector<16xf32>,
      %add3A_276 = arith.constant 20480 : i32
      %add3A_277 = vector.broadcast %add3A_276 : i32 to vector<16xi32>
      %add3A_278 = arith.addi %get3A_268, %add3A_277 : vector<16xi32>
      %get3A_279 = arith.constant 240 : index
      %get3A_280 = tpu.vector_load %arg12[%get3A_279] {strides = array<i32>} : memref<400xf32, #tpu.memory_space<vmem>>, vector<16xf32>,
      tpu.vector_store_idx %arg8[%add3A_278], %get3A_280 {add = true} : memref<40960xf32, #tpu.memory_space<vmem>>[vector<16xi32>], vector<16xf32>,
      %add3A_281 = arith.constant 30720 : i32
      %add3A_282 = vector.broadcast %add3A_281 : i32 to vector<16xi32>
      %add3A_283 = arith.addi %get3A_268, %add3A_282 : vector<16xi32>
      tpu.vector_store_idx %arg8[%add3A_283], %broadcast_in_dim3A_3 {add = true} : memref<40960xf32, #tpu.memory_space<vmem>>[vector<16xi32>], vector<16xf32>,
      %get3A_284 = arith.constant 256 : index
      %get3A_285 = tpu.vector_load %arg9[%get3A_284] {strides = array<i32>} : memref<400xi32, #tpu.memory_space<vmem>>, vector<16xi32>,
      %get3A_286 = arith.constant 256 : index
      %get3A_287 = tpu.vector_load %arg10[%get3A_286] {strides = array<i32>} : memref<400xf32, #tpu.memory_space<vmem>>, vector<16xf32>,
      tpu.vector_store_idx %arg8[%get3A_285], %get3A_287 {add = true} : memref<40960xf32, #tpu.memory_space<vmem>>[vector<16xi32>], vector<16xf32>,
      %add3A_288 = arith.constant 10240 : i32
      %add3A_289 = vector.broadcast %add3A_288 : i32 to vector<16xi32>
      %add3A_290 = arith.addi %get3A_285, %add3A_289 : vector<16xi32>
      %get3A_291 = arith.constant 256 : index
      %get3A_292 = tpu.vector_load %arg11[%get3A_291] {strides = array<i32>} : memref<400xf32, #tpu.memory_space<vmem>>, vector<16xf32>,
      tpu.vector_store_idx %arg8[%add3A_290], %get3A_292 {add = true} : memref<40960xf32, #tpu.memory_space<vmem>>[vector<16xi32>], vector<16xf32>,
      %add3A_293 = arith.constant 20480 : i32
      %add3A_294 = vector.broadcast %add3A_293 : i32 to vector<16xi32>
      %add3A_295 = arith.addi %get3A_285, %add3A_294 : vector<16xi32>
      %get3A_296 = arith.constant 256 : index
      %get3A_297 = tpu.vector_load %arg12[%get3A_296] {strides = array<i32>} : memref<400xf32, #tpu.memory_space<vmem>>, vector<16xf32>,
      tpu.vector_store_idx %arg8[%add3A_295], %get3A_297 {add = true} : memref<40960xf32, #tpu.memory_space<vmem>>[vector<16xi32>], vector<16xf32>,
      %add3A_298 = arith.constant 30720 : i32
      %add3A_299 = vector.broadcast %add3A_298 : i32 to vector<16xi32>
      %add3A_300 = arith.addi %get3A_285, %add3A_299 : vector<16xi32>
      tpu.vector_store_idx %arg8[%add3A_300], %broadcast_in_dim3A_3 {add = true} : memref<40960xf32, #tpu.memory_space<vmem>>[vector<16xi32>], vector<16xf32>,
      %get3A_301 = arith.constant 272 : index
      %get3A_302 = tpu.vector_load %arg9[%get3A_301] {strides = array<i32>} : memref<400xi32, #tpu.memory_space<vmem>>, vector<16xi32>,
      %get3A_303 = arith.constant 272 : index
      %get3A_304 = tpu.vector_load %arg10[%get3A_303] {strides = array<i32>} : memref<400xf32, #tpu.memory_space<vmem>>, vector<16xf32>,
      tpu.vector_store_idx %arg8[%get3A_302], %get3A_304 {add = true} : memref<40960xf32, #tpu.memory_space<vmem>>[vector<16xi32>], vector<16xf32>,
      %add3A_305 = arith.constant 10240 : i32
      %add3A_306 = vector.broadcast %add3A_305 : i32 to vector<16xi32>
      %add3A_307 = arith.addi %get3A_302, %add3A_306 : vector<16xi32>
      %get3A_308 = arith.constant 272 : index
      %get3A_309 = tpu.vector_load %arg11[%get3A_308] {strides = array<i32>} : memref<400xf32, #tpu.memory_space<vmem>>, vector<16xf32>,
      tpu.vector_store_idx %arg8[%add3A_307], %get3A_309 {add = true} : memref<40960xf32, #tpu.memory_space<vmem>>[vector<16xi32>], vector<16xf32>,
      %add3A_310 = arith.constant 20480 : i32
      %add3A_311 = vector.broadcast %add3A_310 : i32 to vector<16xi32>
      %add3A_312 = arith.addi %get3A_302, %add3A_311 : vector<16xi32>
      %get3A_313 = arith.constant 272 : index
      %get3A_314 = tpu.vector_load %arg12[%get3A_313] {strides = array<i32>} : memref<400xf32, #tpu.memory_space<vmem>>, vector<16xf32>,
      tpu.vector_store_idx %arg8[%add3A_312], %get3A_314 {add = true} : memref<40960xf32, #tpu.memory_space<vmem>>[vector<16xi32>], vector<16xf32>,
      %add3A_315 = arith.constant 30720 : i32
      %add3A_316 = vector.broadcast %add3A_315 : i32 to vector<16xi32>
      %add3A_317 = arith.addi %get3A_302, %add3A_316 : vector<16xi32>
      tpu.vector_store_idx %arg8[%add3A_317], %broadcast_in_dim3A_3 {add = true} : memref<40960xf32, #tpu.memory_space<vmem>>[vector<16xi32>], vector<16xf32>,
      %get3A_318 = arith.constant 288 : index
      %get3A_319 = tpu.vector_load %arg9[%get3A_318] {strides = array<i32>} : memref<400xi32, #tpu.memory_space<vmem>>, vector<16xi32>,
      %get3A_320 = arith.constant 288 : index
      %get3A_321 = tpu.vector_load %arg10[%get3A_320] {strides = array<i32>} : memref<400xf32, #tpu.memory_space<vmem>>, vector<16xf32>,
      tpu.vector_store_idx %arg8[%get3A_319], %get3A_321 {add = true} : memref<40960xf32, #tpu.memory_space<vmem>>[vector<16xi32>], vector<16xf32>,
      %add3A_322 = arith.constant 10240 : i32
      %add3A_323 = vector.broadcast %add3A_322 : i32 to vector<16xi32>
      %add3A_324 = arith.addi %get3A_319, %add3A_323 : vector<16xi32>
      %get3A_325 = arith.constant 288 : index
      %get3A_326 = tpu.vector_load %arg11[%get3A_325] {strides = array<i32>} : memref<400xf32, #tpu.memory_space<vmem>>, vector<16xf32>,
      tpu.vector_store_idx %arg8[%add3A_324], %get3A_326 {add = true} : memref<40960xf32, #tpu.memory_space<vmem>>[vector<16xi32>], vector<16xf32>,
      %add3A_327 = arith.constant 20480 : i32
      %add3A_328 = vector.broadcast %add3A_327 : i32 to vector<16xi32>
      %add3A_329 = arith.addi %get3A_319, %add3A_328 : vector<16xi32>
      %get3A_330 = arith.constant 288 : index
      %get3A_331 = tpu.vector_load %arg12[%get3A_330] {strides = array<i32>} : memref<400xf32, #tpu.memory_space<vmem>>, vector<16xf32>,
      tpu.vector_store_idx %arg8[%add3A_329], %get3A_331 {add = true} : memref<40960xf32, #tpu.memory_space<vmem>>[vector<16xi32>], vector<16xf32>,
      %add3A_332 = arith.constant 30720 : i32
      %add3A_333 = vector.broadcast %add3A_332 : i32 to vector<16xi32>
      %add3A_334 = arith.addi %get3A_319, %add3A_333 : vector<16xi32>
      tpu.vector_store_idx %arg8[%add3A_334], %broadcast_in_dim3A_3 {add = true} : memref<40960xf32, #tpu.memory_space<vmem>>[vector<16xi32>], vector<16xf32>,
      %get3A_335 = arith.constant 304 : index
      %get3A_336 = tpu.vector_load %arg9[%get3A_335] {strides = array<i32>} : memref<400xi32, #tpu.memory_space<vmem>>, vector<16xi32>,
      %get3A_337 = arith.constant 304 : index
      %get3A_338 = tpu.vector_load %arg10[%get3A_337] {strides = array<i32>} : memref<400xf32, #tpu.memory_space<vmem>>, vector<16xf32>,
      tpu.vector_store_idx %arg8[%get3A_336], %get3A_338 {add = true} : memref<40960xf32, #tpu.memory_space<vmem>>[vector<16xi32>], vector<16xf32>,
      %add3A_339 = arith.constant 10240 : i32
      %add3A_340 = vector.broadcast %add3A_339 : i32 to vector<16xi32>
      %add3A_341 = arith.addi %get3A_336, %add3A_340 : vector<16xi32>
      %get3A_342 = arith.constant 304 : index
      %get3A_343 = tpu.vector_load %arg11[%get3A_342] {strides = array<i32>} : memref<400xf32, #tpu.memory_space<vmem>>, vector<16xf32>,
      tpu.vector_store_idx %arg8[%add3A_341], %get3A_343 {add = true} : memref<40960xf32, #tpu.memory_space<vmem>>[vector<16xi32>], vector<16xf32>,
      %add3A_344 = arith.constant 20480 : i32
      %add3A_345 = vector.broadcast %add3A_344 : i32 to vector<16xi32>
      %add3A_346 = arith.addi %get3A_336, %add3A_345 : vector<16xi32>
      %get3A_347 = arith.constant 304 : index
      %get3A_348 = tpu.vector_load %arg12[%get3A_347] {strides = array<i32>} : memref<400xf32, #tpu.memory_space<vmem>>, vector<16xf32>,
      tpu.vector_store_idx %arg8[%add3A_346], %get3A_348 {add = true} : memref<40960xf32, #tpu.memory_space<vmem>>[vector<16xi32>], vector<16xf32>,
      %add3A_349 = arith.constant 30720 : i32
      %add3A_350 = vector.broadcast %add3A_349 : i32 to vector<16xi32>
      %add3A_351 = arith.addi %get3A_336, %add3A_350 : vector<16xi32>
      tpu.vector_store_idx %arg8[%add3A_351], %broadcast_in_dim3A_3 {add = true} : memref<40960xf32, #tpu.memory_space<vmem>>[vector<16xi32>], vector<16xf32>,
      %get3A_352 = arith.constant 320 : index
      %get3A_353 = tpu.vector_load %arg9[%get3A_352] {strides = array<i32>} : memref<400xi32, #tpu.memory_space<vmem>>, vector<16xi32>,
      %get3A_354 = arith.constant 320 : index
      %get3A_355 = tpu.vector_load %arg10[%get3A_354] {strides = array<i32>} : memref<400xf32, #tpu.memory_space<vmem>>, vector<16xf32>,
      tpu.vector_store_idx %arg8[%get3A_353], %get3A_355 {add = true} : memref<40960xf32, #tpu.memory_space<vmem>>[vector<16xi32>], vector<16xf32>,
      %add3A_356 = arith.constant 10240 : i32
      %add3A_357 = vector.broadcast %add3A_356 : i32 to vector<16xi32>
      %add3A_358 = arith.addi %get3A_353, %add3A_357 : vector<16xi32>
      %get3A_359 = arith.constant 320 : index
      %get3A_360 = tpu.vector_load %arg11[%get3A_359] {strides = array<i32>} : memref<400xf32, #tpu.memory_space<vmem>>, vector<16xf32>,
      tpu.vector_store_idx %arg8[%add3A_358], %get3A_360 {add = true} : memref<40960xf32, #tpu.memory_space<vmem>>[vector<16xi32>], vector<16xf32>,
      %add3A_361 = arith.constant 20480 : i32
      %add3A_362 = vector.broadcast %add3A_361 : i32 to vector<16xi32>
      %add3A_363 = arith.addi %get3A_353, %add3A_362 : vector<16xi32>
      %get3A_364 = arith.constant 320 : index
      %get3A_365 = tpu.vector_load %arg12[%get3A_364] {strides = array<i32>} : memref<400xf32, #tpu.memory_space<vmem>>, vector<16xf32>,
      tpu.vector_store_idx %arg8[%add3A_363], %get3A_365 {add = true} : memref<40960xf32, #tpu.memory_space<vmem>>[vector<16xi32>], vector<16xf32>,
      %add3A_366 = arith.constant 30720 : i32
      %add3A_367 = vector.broadcast %add3A_366 : i32 to vector<16xi32>
      %add3A_368 = arith.addi %get3A_353, %add3A_367 : vector<16xi32>
      tpu.vector_store_idx %arg8[%add3A_368], %broadcast_in_dim3A_3 {add = true} : memref<40960xf32, #tpu.memory_space<vmem>>[vector<16xi32>], vector<16xf32>,
      %get3A_369 = arith.constant 336 : index
      %get3A_370 = tpu.vector_load %arg9[%get3A_369] {strides = array<i32>} : memref<400xi32, #tpu.memory_space<vmem>>, vector<16xi32>,
      %get3A_371 = arith.constant 336 : index
      %get3A_372 = tpu.vector_load %arg10[%get3A_371] {strides = array<i32>} : memref<400xf32, #tpu.memory_space<vmem>>, vector<16xf32>,
      tpu.vector_store_idx %arg8[%get3A_370], %get3A_372 {add = true} : memref<40960xf32, #tpu.memory_space<vmem>>[vector<16xi32>], vector<16xf32>,
      %add3A_373 = arith.constant 10240 : i32
      %add3A_374 = vector.broadcast %add3A_373 : i32 to vector<16xi32>
      %add3A_375 = arith.addi %get3A_370, %add3A_374 : vector<16xi32>
      %get3A_376 = arith.constant 336 : index
      %get3A_377 = tpu.vector_load %arg11[%get3A_376] {strides = array<i32>} : memref<400xf32, #tpu.memory_space<vmem>>, vector<16xf32>,
      tpu.vector_store_idx %arg8[%add3A_375], %get3A_377 {add = true} : memref<40960xf32, #tpu.memory_space<vmem>>[vector<16xi32>], vector<16xf32>,
      %add3A_378 = arith.constant 20480 : i32
      %add3A_379 = vector.broadcast %add3A_378 : i32 to vector<16xi32>
      %add3A_380 = arith.addi %get3A_370, %add3A_379 : vector<16xi32>
      %get3A_381 = arith.constant 336 : index
      %get3A_382 = tpu.vector_load %arg12[%get3A_381] {strides = array<i32>} : memref<400xf32, #tpu.memory_space<vmem>>, vector<16xf32>,
      tpu.vector_store_idx %arg8[%add3A_380], %get3A_382 {add = true} : memref<40960xf32, #tpu.memory_space<vmem>>[vector<16xi32>], vector<16xf32>,
      %add3A_383 = arith.constant 30720 : i32
      %add3A_384 = vector.broadcast %add3A_383 : i32 to vector<16xi32>
      %add3A_385 = arith.addi %get3A_370, %add3A_384 : vector<16xi32>
      tpu.vector_store_idx %arg8[%add3A_385], %broadcast_in_dim3A_3 {add = true} : memref<40960xf32, #tpu.memory_space<vmem>>[vector<16xi32>], vector<16xf32>,
      %get3A_386 = arith.constant 352 : index
      %get3A_387 = tpu.vector_load %arg9[%get3A_386] {strides = array<i32>} : memref<400xi32, #tpu.memory_space<vmem>>, vector<16xi32>,
      %get3A_388 = arith.constant 352 : index
      %get3A_389 = tpu.vector_load %arg10[%get3A_388] {strides = array<i32>} : memref<400xf32, #tpu.memory_space<vmem>>, vector<16xf32>,
      tpu.vector_store_idx %arg8[%get3A_387], %get3A_389 {add = true} : memref<40960xf32, #tpu.memory_space<vmem>>[vector<16xi32>], vector<16xf32>,
      %add3A_390 = arith.constant 10240 : i32
      %add3A_391 = vector.broadcast %add3A_390 : i32 to vector<16xi32>
      %add3A_392 = arith.addi %get3A_387, %add3A_391 : vector<16xi32>
      %get3A_393 = arith.constant 352 : index
      %get3A_394 = tpu.vector_load %arg11[%get3A_393] {strides = array<i32>} : memref<400xf32, #tpu.memory_space<vmem>>, vector<16xf32>,
      tpu.vector_store_idx %arg8[%add3A_392], %get3A_394 {add = true} : memref<40960xf32, #tpu.memory_space<vmem>>[vector<16xi32>], vector<16xf32>,
      %add3A_395 = arith.constant 20480 : i32
      %add3A_396 = vector.broadcast %add3A_395 : i32 to vector<16xi32>
      %add3A_397 = arith.addi %get3A_387, %add3A_396 : vector<16xi32>
      %get3A_398 = arith.constant 352 : index
      %get3A_399 = tpu.vector_load %arg12[%get3A_398] {strides = array<i32>} : memref<400xf32, #tpu.memory_space<vmem>>, vector<16xf32>,
      tpu.vector_store_idx %arg8[%add3A_397], %get3A_399 {add = true} : memref<40960xf32, #tpu.memory_space<vmem>>[vector<16xi32>], vector<16xf32>,
      %add3A_400 = arith.constant 30720 : i32
      %add3A_401 = vector.broadcast %add3A_400 : i32 to vector<16xi32>
      %add3A_402 = arith.addi %get3A_387, %add3A_401 : vector<16xi32>
      tpu.vector_store_idx %arg8[%add3A_402], %broadcast_in_dim3A_3 {add = true} : memref<40960xf32, #tpu.memory_space<vmem>>[vector<16xi32>], vector<16xf32>,
      %get3A_403 = arith.constant 368 : index
      %get3A_404 = tpu.vector_load %arg9[%get3A_403] {strides = array<i32>} : memref<400xi32, #tpu.memory_space<vmem>>, vector<16xi32>,
      %get3A_405 = arith.constant 368 : index
      %get3A_406 = tpu.vector_load %arg10[%get3A_405] {strides = array<i32>} : memref<400xf32, #tpu.memory_space<vmem>>, vector<16xf32>,
      tpu.vector_store_idx %arg8[%get3A_404], %get3A_406 {add = true} : memref<40960xf32, #tpu.memory_space<vmem>>[vector<16xi32>], vector<16xf32>,
      %add3A_407 = arith.constant 10240 : i32
      %add3A_408 = vector.broadcast %add3A_407 : i32 to vector<16xi32>
      %add3A_409 = arith.addi %get3A_404, %add3A_408 : vector<16xi32>
      %get3A_410 = arith.constant 368 : index
      %get3A_411 = tpu.vector_load %arg11[%get3A_410] {strides = array<i32>} : memref<400xf32, #tpu.memory_space<vmem>>, vector<16xf32>,
      tpu.vector_store_idx %arg8[%add3A_409], %get3A_411 {add = true} : memref<40960xf32, #tpu.memory_space<vmem>>[vector<16xi32>], vector<16xf32>,
      %add3A_412 = arith.constant 20480 : i32
      %add3A_413 = vector.broadcast %add3A_412 : i32 to vector<16xi32>
      %add3A_414 = arith.addi %get3A_404, %add3A_413 : vector<16xi32>
      %get3A_415 = arith.constant 368 : index
      %get3A_416 = tpu.vector_load %arg12[%get3A_415] {strides = array<i32>} : memref<400xf32, #tpu.memory_space<vmem>>, vector<16xf32>,
      tpu.vector_store_idx %arg8[%add3A_414], %get3A_416 {add = true} : memref<40960xf32, #tpu.memory_space<vmem>>[vector<16xi32>], vector<16xf32>,
      %add3A_417 = arith.constant 30720 : i32
      %add3A_418 = vector.broadcast %add3A_417 : i32 to vector<16xi32>
      %add3A_419 = arith.addi %get3A_404, %add3A_418 : vector<16xi32>
      tpu.vector_store_idx %arg8[%add3A_419], %broadcast_in_dim3A_3 {add = true} : memref<40960xf32, #tpu.memory_space<vmem>>[vector<16xi32>], vector<16xf32>,
      %get3A_420 = arith.constant 384 : index
      %get3A_421 = tpu.vector_load %arg9[%get3A_420] {strides = array<i32>} : memref<400xi32, #tpu.memory_space<vmem>>, vector<16xi32>,
      %get3A_422 = arith.constant 384 : index
      %get3A_423 = tpu.vector_load %arg10[%get3A_422] {strides = array<i32>} : memref<400xf32, #tpu.memory_space<vmem>>, vector<16xf32>,
      tpu.vector_store_idx %arg8[%get3A_421], %get3A_423 {add = true} : memref<40960xf32, #tpu.memory_space<vmem>>[vector<16xi32>], vector<16xf32>,
      %add3A_424 = arith.constant 10240 : i32
      %add3A_425 = vector.broadcast %add3A_424 : i32 to vector<16xi32>
      %add3A_426 = arith.addi %get3A_421, %add3A_425 : vector<16xi32>
      %get3A_427 = arith.constant 384 : index
      %get3A_428 = tpu.vector_load %arg11[%get3A_427] {strides = array<i32>} : memref<400xf32, #tpu.memory_space<vmem>>, vector<16xf32>,
      tpu.vector_store_idx %arg8[%add3A_426], %get3A_428 {add = true} : memref<40960xf32, #tpu.memory_space<vmem>>[vector<16xi32>], vector<16xf32>,
      %add3A_429 = arith.constant 20480 : i32
      %add3A_430 = vector.broadcast %add3A_429 : i32 to vector<16xi32>
      %add3A_431 = arith.addi %get3A_421, %add3A_430 : vector<16xi32>
      %get3A_432 = arith.constant 384 : index
      %get3A_433 = tpu.vector_load %arg12[%get3A_432] {strides = array<i32>} : memref<400xf32, #tpu.memory_space<vmem>>, vector<16xf32>,
      tpu.vector_store_idx %arg8[%add3A_431], %get3A_433 {add = true} : memref<40960xf32, #tpu.memory_space<vmem>>[vector<16xi32>], vector<16xf32>,
      %add3A_434 = arith.constant 30720 : i32
      %add3A_435 = vector.broadcast %add3A_434 : i32 to vector<16xi32>
      %add3A_436 = arith.addi %get3A_421, %add3A_435 : vector<16xi32>
      tpu.vector_store_idx %arg8[%add3A_436], %broadcast_in_dim3A_3 {add = true} : memref<40960xf32, #tpu.memory_space<vmem>>[vector<16xi32>], vector<16xf32>,
    }
    %scan3A_8 = arith.constant 25 : i32
    "tpu.region"() ({
      %run_scoped3A = tpu.sem_alloc : memref<!tpu.dma_semaphore, #tpu.memory_space<semaphore_mem>>
      %dma_start3A = arith.constant 0 : i32
      %dma_start3A_9 = tpu.memref_slice %arg7[%add3A, %dma_start3A] : memref<32x40960xf32, #tpu.memory_space<hbm>> -> memref<1x40960xf32, #tpu.memory_space<hbm>>
      %dma_start3A_10 = tpu.memref_squeeze %dma_start3A_9 : memref<1x40960xf32, #tpu.memory_space<hbm>> -> memref<40960xf32, #tpu.memory_space<hbm>>
      %dma_start3A_11 = arith.constant 0 : i32
      %dma_start3A_12 = tpu.memref_slice %arg7[%add3A, %dma_start3A_11] : memref<32x40960xf32, #tpu.memory_space<hbm>> -> memref<1x40960xf32, #tpu.memory_space<hbm>>
      %dma_start3A_13 = tpu.memref_squeeze %dma_start3A_12 : memref<1x40960xf32, #tpu.memory_space<hbm>> -> memref<40960xf32, #tpu.memory_space<hbm>>
      tpu.enqueue_dma source(%arg8 : memref<40960xf32, #tpu.memory_space<vmem>>) target(%dma_start3A_13 : memref<40960xf32, #tpu.memory_space<hbm>>) target_semaphore(%run_scoped3A : memref<!tpu.dma_semaphore, #tpu.memory_space<semaphore_mem>>)
      %dma_wait3A = arith.constant 0 : i32
      %dma_wait3A_14 = tpu.memref_slice %arg7[%add3A, %dma_wait3A] : memref<32x40960xf32, #tpu.memory_space<hbm>> -> memref<1x40960xf32, #tpu.memory_space<hbm>>
      %dma_wait3A_15 = tpu.memref_squeeze %dma_wait3A_14 : memref<1x40960xf32, #tpu.memory_space<hbm>> -> memref<40960xf32, #tpu.memory_space<hbm>>
      %dma_wait3A_16 = arith.constant 0 : i32
      %dma_wait3A_17 = tpu.memref_slice %arg7[%add3A, %dma_wait3A_16] : memref<32x40960xf32, #tpu.memory_space<hbm>> -> memref<1x40960xf32, #tpu.memory_space<hbm>>
      %dma_wait3A_18 = tpu.memref_squeeze %dma_wait3A_17 : memref<1x40960xf32, #tpu.memory_space<hbm>> -> memref<40960xf32, #tpu.memory_space<hbm>>
      tpu.wait_dma2 semaphore(%run_scoped3A : memref<!tpu.dma_semaphore, #tpu.memory_space<semaphore_mem>>) src(%arg8 : memref<40960xf32, #tpu.memory_space<vmem>>) dst(%dma_wait3A_18 : memref<40960xf32, #tpu.memory_space<hbm>>)
      tpu.yield
    }) : () -> ()
    return
  }
}

module attributes {stable_mosaic.version = 14 : i64} {
  func.func @_pre_body(%arg0: memref<10240x128xf32, #tpu.memory_space<vmem>>, %arg1: memref<128x128xf32, #tpu.memory_space<vmem>>, %arg2: memref<128x128xf32, #tpu.memory_space<vmem>>, %arg3: memref<1x128xf32, #tpu.memory_space<vmem>>, %arg4: memref<10240x128xf32, #tpu.memory_space<vmem>>, %arg5: memref<10240x128xf32, #tpu.memory_space<vmem>>) attributes {dimension_semantics = [], scalar_prefetch = 0 : i64, scratch_operands = 0 : i64, tpu.core_type = #tpu.core_type<tc>} {
    %get3A = arith.constant 0 : index
    %get3A_0 = arith.constant 0 : index
    %get3A_1 = vector.load %arg0[%get3A, %get3A_0] : memref<10240x128xf32, #tpu.memory_space<vmem>>, vector<10240x128xf32>
    %get3A_2 = arith.constant 0 : index
    %get3A_3 = arith.constant 0 : index
    %get3A_4 = vector.load %arg1[%get3A_2, %get3A_3] : memref<128x128xf32, #tpu.memory_space<vmem>>, vector<128x128xf32>
    %dot_general3A = arith.constant dense<0.000000e+00> : vector<10240x128xf32>
    %dot_general3A_5 = tpu.matmul %get3A_1, %get3A_4, %dot_general3A {dimension_numbers = #tpu.dot_dimension_numbers<[1], [0], [0], [1], [0, 0, 1, 1], [], []>, transpose_lhs_hint = false} : vector<10240x128xf32>, vector<128x128xf32>, vector<10240x128xf32> -> vector<10240x128xf32>
    %get3A_6 = arith.constant 0 : index
    %get3A_7 = arith.constant 0 : index
    %get3A_8 = vector.load %arg3[%get3A_6, %get3A_7] : memref<1x128xf32, #tpu.memory_space<vmem>>, vector<1x128xf32>
    %add3A = vector.broadcast %get3A_8 : vector<1x128xf32> to vector<10240x128xf32>
    %add3A_9 = arith.addf %dot_general3A_5, %add3A : vector<10240x128xf32>
    %swap3A = arith.constant 0 : index
    %swap3A_10 = arith.constant 0 : index
    %swap3A_11 = vector.load %arg4[%swap3A, %swap3A_10] : memref<10240x128xf32, #tpu.memory_space<vmem>>, vector<10240x128xf32>
    tpu.vector_store %arg4[%swap3A, %swap3A_10], %add3A_9 {strides = array<i32>} : memref<10240x128xf32, #tpu.memory_space<vmem>>, vector<10240x128xf32>,
    %get3A_12 = arith.constant 0 : index
    %get3A_13 = arith.constant 0 : index
    %get3A_14 = vector.load %arg2[%get3A_12, %get3A_13] : memref<128x128xf32, #tpu.memory_space<vmem>>, vector<128x128xf32>
    %dot_general3A_15 = arith.constant dense<0.000000e+00> : vector<10240x128xf32>
    %dot_general3A_16 = tpu.matmul %get3A_1, %get3A_14, %dot_general3A_15 {dimension_numbers = #tpu.dot_dimension_numbers<[1], [0], [0], [1], [0, 0, 1, 1], [], []>, transpose_lhs_hint = false} : vector<10240x128xf32>, vector<128x128xf32>, vector<10240x128xf32> -> vector<10240x128xf32>
    %swap3A_17 = arith.constant 0 : index
    %swap3A_18 = arith.constant 0 : index
    %swap3A_19 = vector.load %arg5[%swap3A_17, %swap3A_18] : memref<10240x128xf32, #tpu.memory_space<vmem>>, vector<10240x128xf32>
    tpu.vector_store %arg5[%swap3A_17, %swap3A_18], %dot_general3A_16 {strides = array<i32>} : memref<10240x128xf32, #tpu.memory_space<vmem>>, vector<10240x128xf32>,
    return
  }
}

module attributes {stable_mosaic.version = 14 : i64} {
  func.func @_edge_body(%arg0: i32, %arg1: memref<512x128xf32, #tpu.memory_space<vmem>>, %arg2: memref<512xf32, #tpu.memory_space<vmem>>, %arg3: memref<512xf32, #tpu.memory_space<vmem>>, %arg4: memref<512xf32, #tpu.memory_space<vmem>>, %arg5: memref<1x128xf32, #tpu.memory_space<vmem>>, %arg6: memref<128x128xf32, #tpu.memory_space<vmem>>, %arg7: memref<1x128xf32, #tpu.memory_space<vmem>>, %arg8: memref<128x128xf32, #tpu.memory_space<vmem>>, %arg9: memref<1x128xf32, #tpu.memory_space<vmem>>, %arg10: memref<1x128xf32, #tpu.memory_space<vmem>>, %arg11: memref<512x128xf32, #tpu.memory_space<vmem>>, %arg12: memref<512xf32, #tpu.memory_space<vmem>>, %arg13: memref<512xf32, #tpu.memory_space<vmem>>, %arg14: memref<512xf32, #tpu.memory_space<vmem>>) attributes {dimension_semantics = [#tpu.dimension_semantics<arbitrary>], iteration_bounds = array<i64: 625>, scalar_prefetch = 0 : i64, scratch_operands = 0 : i64, tpu.core_type = #tpu.core_type<tc>, window_params = [{transform_indices = @transform_0, window_bounds = array<i64: 512, 128>}, {transform_indices = @transform_1, window_bounds = array<i64: 512>}, {transform_indices = @transform_2, window_bounds = array<i64: 512>}, {transform_indices = @transform_3, window_bounds = array<i64: 512>}, {pipeline_mode = #tpu.pipeline_mode<synchronous>, transform_indices = @transform_4, window_bounds = array<i64: 1, 128>}, {pipeline_mode = #tpu.pipeline_mode<synchronous>, transform_indices = @transform_5, window_bounds = array<i64: 128, 128>}, {pipeline_mode = #tpu.pipeline_mode<synchronous>, transform_indices = @transform_6, window_bounds = array<i64: 1, 128>}, {pipeline_mode = #tpu.pipeline_mode<synchronous>, transform_indices = @transform_7, window_bounds = array<i64: 128, 128>}, {pipeline_mode = #tpu.pipeline_mode<synchronous>, transform_indices = @transform_8, window_bounds = array<i64: 1, 128>}, {pipeline_mode = #tpu.pipeline_mode<synchronous>, transform_indices = @transform_9, window_bounds = array<i64: 1, 128>}, {transform_indices = @transform_10, window_bounds = array<i64: 512, 128>}, {transform_indices = @transform_11, window_bounds = array<i64: 512>}, {transform_indices = @transform_12, window_bounds = array<i64: 512>}, {transform_indices = @transform_13, window_bounds = array<i64: 512>}]} {
    %get3A = arith.constant 0 : index
    %get3A_0 = vector.load %arg2[%get3A] : memref<512xf32, #tpu.memory_space<vmem>>, vector<512xf32>
    %get3A_1 = arith.constant 0 : index
    %get3A_2 = vector.load %arg3[%get3A_1] : memref<512xf32, #tpu.memory_space<vmem>>, vector<512xf32>
    %get3A_3 = arith.constant 0 : index
    %get3A_4 = vector.load %arg4[%get3A_3] : memref<512xf32, #tpu.memory_space<vmem>>, vector<512xf32>
    %mul3A = arith.mulf %get3A_0, %get3A_0 : vector<512xf32>
    %mul3A_5 = arith.mulf %get3A_2, %get3A_2 : vector<512xf32>
    %add3A = arith.addf %mul3A, %mul3A_5 : vector<512xf32>
    %mul3A_6 = arith.mulf %get3A_4, %get3A_4 : vector<512xf32>
    %add3A_7 = arith.addf %add3A, %mul3A_6 : vector<512xf32>
    %reshape3A = vector.shape_cast %add3A_7 : vector<512xf32> to vector<512x1xf32>
    %get3A_8 = arith.constant 0 : index
    %get3A_9 = arith.constant 0 : index
    %get3A_10 = vector.load %arg1[%get3A_8, %get3A_9] : memref<512x128xf32, #tpu.memory_space<vmem>>, vector<512x128xf32>
    %get3A_11 = arith.constant 0 : index
    %get3A_12 = arith.constant 0 : index
    %get3A_13 = vector.load %arg5[%get3A_11, %get3A_12] : memref<1x128xf32, #tpu.memory_space<vmem>>, vector<1x128xf32>
    %mul3A_14 = vector.broadcast %reshape3A : vector<512x1xf32> to vector<512x128xf32>
    %mul3A_15 = vector.broadcast %get3A_13 : vector<1x128xf32> to vector<512x128xf32>
    %mul3A_16 = arith.mulf %mul3A_14, %mul3A_15 : vector<512x128xf32>
    %add3A_17 = arith.addf %get3A_10, %mul3A_16 : vector<512x128xf32>
    %max3A = arith.constant 0.000000e+00 : f32
    %max3A_18 = vector.broadcast %max3A : f32 to vector<512x128xf32>
    %max3A_19 = arith.maximumf %add3A_17, %max3A_18 : vector<512x128xf32>
    %get3A_20 = arith.constant 0 : index
    %get3A_21 = arith.constant 0 : index
    %get3A_22 = vector.load %arg6[%get3A_20, %get3A_21] : memref<128x128xf32, #tpu.memory_space<vmem>>, vector<128x128xf32>
    %dot_general3A = arith.constant dense<0.000000e+00> : vector<512x128xf32>
    %dot_general3A_23 = tpu.matmul %max3A_19, %get3A_22, %dot_general3A {dimension_numbers = #tpu.dot_dimension_numbers<[1], [0], [0], [1], [0, 0, 1, 1], [], []>, transpose_lhs_hint = false} : vector<512x128xf32>, vector<128x128xf32>, vector<512x128xf32> -> vector<512x128xf32>
    %get3A_24 = arith.constant 0 : index
    %get3A_25 = arith.constant 0 : index
    %get3A_26 = vector.load %arg7[%get3A_24, %get3A_25] : memref<1x128xf32, #tpu.memory_space<vmem>>, vector<1x128xf32>
    %add3A_27 = vector.broadcast %get3A_26 : vector<1x128xf32> to vector<512x128xf32>
    %add3A_28 = arith.addf %dot_general3A_23, %add3A_27 : vector<512x128xf32>
    %max3A_29 = arith.constant 0.000000e+00 : f32
    %max3A_30 = vector.broadcast %max3A_29 : f32 to vector<512x128xf32>
    %max3A_31 = arith.maximumf %add3A_28, %max3A_30 : vector<512x128xf32>
    %get3A_32 = arith.constant 0 : index
    %get3A_33 = arith.constant 0 : index
    %get3A_34 = vector.load %arg8[%get3A_32, %get3A_33] : memref<128x128xf32, #tpu.memory_space<vmem>>, vector<128x128xf32>
    %dot_general3A_35 = arith.constant dense<0.000000e+00> : vector<512x128xf32>
    %dot_general3A_36 = tpu.matmul %max3A_31, %get3A_34, %dot_general3A_35 {dimension_numbers = #tpu.dot_dimension_numbers<[1], [0], [0], [1], [0, 0, 1, 1], [], []>, transpose_lhs_hint = false} : vector<512x128xf32>, vector<128x128xf32>, vector<512x128xf32> -> vector<512x128xf32>
    %get3A_37 = arith.constant 0 : index
    %get3A_38 = arith.constant 0 : index
    %get3A_39 = vector.load %arg9[%get3A_37, %get3A_38] : memref<1x128xf32, #tpu.memory_space<vmem>>, vector<1x128xf32>
    %add3A_40 = vector.broadcast %get3A_39 : vector<1x128xf32> to vector<512x128xf32>
    %add3A_41 = arith.addf %dot_general3A_36, %add3A_40 : vector<512x128xf32>
    %max3A_42 = arith.constant 0.000000e+00 : f32
    %max3A_43 = vector.broadcast %max3A_42 : f32 to vector<512x128xf32>
    %max3A_44 = arith.maximumf %add3A_41, %max3A_43 : vector<512x128xf32>
    %get3A_45 = arith.constant 0 : index
    %get3A_46 = arith.constant 0 : index
    %get3A_47 = vector.load %arg10[%get3A_45, %get3A_46] : memref<1x128xf32, #tpu.memory_space<vmem>>, vector<1x128xf32>
    %mul3A_48 = vector.broadcast %get3A_47 : vector<1x128xf32> to vector<512x128xf32>
    %mul3A_49 = arith.mulf %max3A_44, %mul3A_48 : vector<512x128xf32>
    %reduce_sum3A = arith.constant dense<0.000000e+00> : vector<512xf32>
    %reduce_sum3A_50 = vector.multi_reduction <add>, %mul3A_49, %reduce_sum3A [1] : vector<512x128xf32> to vector<512xf32>
    %swap3A = arith.constant 0 : index
    %swap3A_51 = arith.constant 0 : index
    %swap3A_52 = vector.load %arg11[%swap3A, %swap3A_51] : memref<512x128xf32, #tpu.memory_space<vmem>>, vector<512x128xf32>
    tpu.vector_store %arg11[%swap3A, %swap3A_51], %max3A_31 {strides = array<i32>} : memref<512x128xf32, #tpu.memory_space<vmem>>, vector<512x128xf32>,
    %mul3A_53 = arith.mulf %get3A_0, %reduce_sum3A_50 : vector<512xf32>
    %swap3A_54 = arith.constant 0 : index
    %swap3A_55 = vector.load %arg12[%swap3A_54] : memref<512xf32, #tpu.memory_space<vmem>>, vector<512xf32>
    tpu.vector_store %arg12[%swap3A_54], %mul3A_53 {strides = array<i32>} : memref<512xf32, #tpu.memory_space<vmem>>, vector<512xf32>,
    %mul3A_56 = arith.mulf %get3A_2, %reduce_sum3A_50 : vector<512xf32>
    %swap3A_57 = arith.constant 0 : index
    %swap3A_58 = vector.load %arg13[%swap3A_57] : memref<512xf32, #tpu.memory_space<vmem>>, vector<512xf32>
    tpu.vector_store %arg13[%swap3A_57], %mul3A_56 {strides = array<i32>} : memref<512xf32, #tpu.memory_space<vmem>>, vector<512xf32>,
    %mul3A_59 = arith.mulf %get3A_4, %reduce_sum3A_50 : vector<512xf32>
    %swap3A_60 = arith.constant 0 : index
    %swap3A_61 = vector.load %arg14[%swap3A_60] : memref<512xf32, #tpu.memory_space<vmem>>, vector<512xf32>
    tpu.vector_store %arg14[%swap3A_60], %mul3A_59 {strides = array<i32>} : memref<512xf32, #tpu.memory_space<vmem>>, vector<512xf32>,
    return
  }
  func.func @transform_0(%arg0: i32) -> (i32, i32) {
    %c0_i32 = arith.constant 0 : i32
    %c0_i32_0 = arith.constant 0 : i32
    return %arg0, %c0_i32 : i32, i32
  }
  func.func @transform_1(%arg0: i32) -> i32 {
    %c0_i32 = arith.constant 0 : i32
    return %arg0 : i32
  }
  func.func @transform_2(%arg0: i32) -> i32 {
    %c0_i32 = arith.constant 0 : i32
    return %arg0 : i32
  }
  func.func @transform_3(%arg0: i32) -> i32 {
    %c0_i32 = arith.constant 0 : i32
    return %arg0 : i32
  }
  func.func @transform_4(%arg0: i32) -> (i32, i32) {
    %c0_i32 = arith.constant 0 : i32
    %c0_i32_0 = arith.constant 0 : i32
    %c0_i32_1 = arith.constant 0 : i32
    return %c0_i32, %c0_i32_0 : i32, i32
  }
  func.func @transform_5(%arg0: i32) -> (i32, i32) {
    %c0_i32 = arith.constant 0 : i32
    %c0_i32_0 = arith.constant 0 : i32
    %c0_i32_1 = arith.constant 0 : i32
    return %c0_i32, %c0_i32_0 : i32, i32
  }
  func.func @transform_6(%arg0: i32) -> (i32, i32) {
    %c0_i32 = arith.constant 0 : i32
    %c0_i32_0 = arith.constant 0 : i32
    %c0_i32_1 = arith.constant 0 : i32
    return %c0_i32, %c0_i32_0 : i32, i32
  }
  func.func @transform_7(%arg0: i32) -> (i32, i32) {
    %c0_i32 = arith.constant 0 : i32
    %c0_i32_0 = arith.constant 0 : i32
    %c0_i32_1 = arith.constant 0 : i32
    return %c0_i32, %c0_i32_0 : i32, i32
  }
  func.func @transform_8(%arg0: i32) -> (i32, i32) {
    %c0_i32 = arith.constant 0 : i32
    %c0_i32_0 = arith.constant 0 : i32
    %c0_i32_1 = arith.constant 0 : i32
    return %c0_i32, %c0_i32_0 : i32, i32
  }
  func.func @transform_9(%arg0: i32) -> (i32, i32) {
    %c0_i32 = arith.constant 0 : i32
    %c0_i32_0 = arith.constant 0 : i32
    %c0_i32_1 = arith.constant 0 : i32
    return %c0_i32, %c0_i32_0 : i32, i32
  }
  func.func @transform_10(%arg0: i32) -> (i32, i32) {
    %c0_i32 = arith.constant 0 : i32
    %c0_i32_0 = arith.constant 0 : i32
    return %arg0, %c0_i32 : i32, i32
  }
  func.func @transform_11(%arg0: i32) -> i32 {
    %c0_i32 = arith.constant 0 : i32
    return %arg0 : i32
  }
  func.func @transform_12(%arg0: i32) -> i32 {
    %c0_i32 = arith.constant 0 : i32
    return %arg0 : i32
  }
  func.func @transform_13(%arg0: i32) -> i32 {
    %c0_i32 = arith.constant 0 : i32
    return %arg0 : i32
  }
}

module attributes {stable_mosaic.version = 14 : i64} {
  func.func @_node_body(%arg0: memref<10240x128xf32, #tpu.memory_space<vmem>>, %arg1: memref<8x10240xf32, #tpu.memory_space<vmem>>, %arg2: memref<2x10240x128xf32, #tpu.memory_space<vmem>>, %arg3: memref<32x40960xf32, #tpu.memory_space<vmem>>, %arg4: memref<128x128xf32, #tpu.memory_space<vmem>>, %arg5: memref<128x128xf32, #tpu.memory_space<vmem>>, %arg6: memref<1x128xf32, #tpu.memory_space<vmem>>, %arg7: memref<128x128xf32, #tpu.memory_space<vmem>>, %arg8: memref<1x128xf32, #tpu.memory_space<vmem>>, %arg9: memref<10240x128xf32, #tpu.memory_space<vmem>>, %arg10: memref<8x10240xf32, #tpu.memory_space<vmem>>) attributes {dimension_semantics = [], scalar_prefetch = 0 : i64, scratch_operands = 0 : i64, tpu.core_type = #tpu.core_type<tc>} {
    %get3A = arith.constant 0 : index
    %get3A_0 = arith.constant 0 : index
    %get3A_1 = arith.constant 0 : index
    %get3A_2 = vector.load %arg2[%get3A, %get3A_0, %get3A_1] : memref<2x10240x128xf32, #tpu.memory_space<vmem>>, vector<1x10240x128xf32>
    %get3A_3 = vector.shape_cast %get3A_2 : vector<1x10240x128xf32> to vector<10240x128xf32>
    %get3A_4 = arith.constant 1 : index
    %get3A_5 = arith.constant 0 : index
    %get3A_6 = arith.constant 0 : index
    %get3A_7 = vector.load %arg2[%get3A_4, %get3A_5, %get3A_6] : memref<2x10240x128xf32, #tpu.memory_space<vmem>>, vector<1x10240x128xf32>
    %get3A_8 = vector.shape_cast %get3A_7 : vector<1x10240x128xf32> to vector<10240x128xf32>
    %add3A = arith.addf %get3A_3, %get3A_8 : vector<10240x128xf32>
    %get3A_9 = arith.constant 0 : index
    %get3A_10 = arith.constant 0 : index
    %get3A_11 = vector.load %arg3[%get3A_9, %get3A_10] : memref<32x40960xf32, #tpu.memory_space<vmem>>, vector<32x40960xf32>
    %slice3A = vector.extract_strided_slice %get3A_11 {offsets = [0, 0], sizes = [32, 10240], strides = [1, 1]} : vector<32x40960xf32> to vector<32x10240xf32>
    %reduce_sum3A = arith.constant dense<0.000000e+00> : vector<10240xf32>
    %reduce_sum3A_12 = vector.multi_reduction <add>, %slice3A, %reduce_sum3A [0] : vector<32x10240xf32> to vector<10240xf32>
    %broadcast_in_dim3A = vector.shape_cast %reduce_sum3A_12 : vector<10240xf32> to vector<1x10240xf32>
    %slice3A_13 = vector.extract_strided_slice %get3A_11 {offsets = [0, 10240], sizes = [32, 10240], strides = [1, 1]} : vector<32x40960xf32> to vector<32x10240xf32>
    %reduce_sum3A_14 = arith.constant dense<0.000000e+00> : vector<10240xf32>
    %reduce_sum3A_15 = vector.multi_reduction <add>, %slice3A_13, %reduce_sum3A_14 [0] : vector<32x10240xf32> to vector<10240xf32>
    %broadcast_in_dim3A_16 = vector.shape_cast %reduce_sum3A_15 : vector<10240xf32> to vector<1x10240xf32>
    %slice3A_17 = vector.extract_strided_slice %get3A_11 {offsets = [0, 20480], sizes = [32, 10240], strides = [1, 1]} : vector<32x40960xf32> to vector<32x10240xf32>
    %reduce_sum3A_18 = arith.constant dense<0.000000e+00> : vector<10240xf32>
    %reduce_sum3A_19 = vector.multi_reduction <add>, %slice3A_17, %reduce_sum3A_18 [0] : vector<32x10240xf32> to vector<10240xf32>
    %broadcast_in_dim3A_20 = vector.shape_cast %reduce_sum3A_19 : vector<10240xf32> to vector<1x10240xf32>
    %slice3A_21 = vector.extract_strided_slice %get3A_11 {offsets = [0, 30720], sizes = [32, 10240], strides = [1, 1]} : vector<32x40960xf32> to vector<32x10240xf32>
    %reduce_sum3A_22 = arith.constant dense<0.000000e+00> : vector<10240xf32>
    %reduce_sum3A_23 = vector.multi_reduction <add>, %slice3A_21, %reduce_sum3A_22 [0] : vector<32x10240xf32> to vector<10240xf32>
    %broadcast_in_dim3A_24 = vector.shape_cast %reduce_sum3A_23 : vector<10240xf32> to vector<1x10240xf32>
    %max3A = arith.constant 1.000000e+00 : f32
    %max3A_25 = vector.broadcast %max3A : f32 to vector<1x10240xf32>
    %max3A_26 = arith.maximumf %broadcast_in_dim3A_24, %max3A_25 : vector<1x10240xf32>
    %div3A = arith.constant 1.000000e+00 : f32
    %div3A_27 = vector.broadcast %div3A : f32 to vector<1x10240xf32>
    %div3A_28 = arith.divf %div3A_27, %max3A_26 : vector<1x10240xf32>
    %mul3A = arith.mulf %broadcast_in_dim3A, %div3A_28 : vector<1x10240xf32>
    %mul3A_29 = arith.mulf %broadcast_in_dim3A_16, %div3A_28 : vector<1x10240xf32>
    %mul3A_30 = arith.mulf %broadcast_in_dim3A_20, %div3A_28 : vector<1x10240xf32>
    %broadcast_in_dim3A_31 = arith.constant 0.000000e+00 : f32
    %broadcast_in_dim3A_32 = vector.broadcast %broadcast_in_dim3A_31 : f32 to vector<5x10240xf32>
    %concatenate3A = tpu.concatenate %mul3A, %mul3A_29, %mul3A_30, %broadcast_in_dim3A_32 in 0 : vector<1x10240xf32>, vector<1x10240xf32>, vector<1x10240xf32>, vector<5x10240xf32> -> vector<8x10240xf32>
    %get3A_33 = arith.constant 0 : index
    %get3A_34 = arith.constant 0 : index
    %get3A_35 = vector.load %arg1[%get3A_33, %get3A_34] : memref<8x10240xf32, #tpu.memory_space<vmem>>, vector<8x10240xf32>
    %add3A_36 = arith.addf %get3A_35, %concatenate3A : vector<8x10240xf32>
    %swap3A = arith.constant 0 : index
    %swap3A_37 = arith.constant 0 : index
    %swap3A_38 = vector.load %arg10[%swap3A, %swap3A_37] : memref<8x10240xf32, #tpu.memory_space<vmem>>, vector<8x10240xf32>
    tpu.vector_store %arg10[%swap3A, %swap3A_37], %add3A_36 {strides = array<i32>} : memref<8x10240xf32, #tpu.memory_space<vmem>>, vector<8x10240xf32>,
    %get3A_39 = arith.constant 0 : index
    %get3A_40 = arith.constant 0 : index
    %get3A_41 = vector.load %arg0[%get3A_39, %get3A_40] : memref<10240x128xf32, #tpu.memory_space<vmem>>, vector<10240x128xf32>
    %get3A_42 = arith.constant 0 : index
    %get3A_43 = arith.constant 0 : index
    %get3A_44 = vector.load %arg4[%get3A_42, %get3A_43] : memref<128x128xf32, #tpu.memory_space<vmem>>, vector<128x128xf32>
    %dot_general3A = arith.constant dense<0.000000e+00> : vector<10240x128xf32>
    %dot_general3A_45 = tpu.matmul %get3A_41, %get3A_44, %dot_general3A {dimension_numbers = #tpu.dot_dimension_numbers<[1], [0], [0], [1], [0, 0, 1, 1], [], []>, transpose_lhs_hint = false} : vector<10240x128xf32>, vector<128x128xf32>, vector<10240x128xf32> -> vector<10240x128xf32>
    %get3A_46 = arith.constant 0 : index
    %get3A_47 = arith.constant 0 : index
    %get3A_48 = vector.load %arg5[%get3A_46, %get3A_47] : memref<128x128xf32, #tpu.memory_space<vmem>>, vector<128x128xf32>
    %dot_general3A_49 = arith.constant dense<0.000000e+00> : vector<10240x128xf32>
    %dot_general3A_50 = tpu.matmul %add3A, %get3A_48, %dot_general3A_49 {dimension_numbers = #tpu.dot_dimension_numbers<[1], [0], [0], [1], [0, 0, 1, 1], [], []>, transpose_lhs_hint = false} : vector<10240x128xf32>, vector<128x128xf32>, vector<10240x128xf32> -> vector<10240x128xf32>
    %add3A_51 = arith.addf %dot_general3A_45, %dot_general3A_50 : vector<10240x128xf32>
    %get3A_52 = arith.constant 0 : index
    %get3A_53 = arith.constant 0 : index
    %get3A_54 = vector.load %arg6[%get3A_52, %get3A_53] : memref<1x128xf32, #tpu.memory_space<vmem>>, vector<1x128xf32>
    %add3A_55 = vector.broadcast %get3A_54 : vector<1x128xf32> to vector<10240x128xf32>
    %add3A_56 = arith.addf %add3A_51, %add3A_55 : vector<10240x128xf32>
    %max3A_57 = arith.constant 0.000000e+00 : f32
    %max3A_58 = vector.broadcast %max3A_57 : f32 to vector<10240x128xf32>
    %max3A_59 = arith.maximumf %add3A_56, %max3A_58 : vector<10240x128xf32>
    %get3A_60 = arith.constant 0 : index
    %get3A_61 = arith.constant 0 : index
    %get3A_62 = vector.load %arg7[%get3A_60, %get3A_61] : memref<128x128xf32, #tpu.memory_space<vmem>>, vector<128x128xf32>
    %dot_general3A_63 = arith.constant dense<0.000000e+00> : vector<10240x128xf32>
    %dot_general3A_64 = tpu.matmul %max3A_59, %get3A_62, %dot_general3A_63 {dimension_numbers = #tpu.dot_dimension_numbers<[1], [0], [0], [1], [0, 0, 1, 1], [], []>, transpose_lhs_hint = false} : vector<10240x128xf32>, vector<128x128xf32>, vector<10240x128xf32> -> vector<10240x128xf32>
    %add3A_65 = arith.addf %get3A_41, %dot_general3A_64 : vector<10240x128xf32>
    %get3A_66 = arith.constant 0 : index
    %get3A_67 = arith.constant 0 : index
    %get3A_68 = vector.load %arg8[%get3A_66, %get3A_67] : memref<1x128xf32, #tpu.memory_space<vmem>>, vector<1x128xf32>
    %add3A_69 = vector.broadcast %get3A_68 : vector<1x128xf32> to vector<10240x128xf32>
    %add3A_70 = arith.addf %add3A_65, %add3A_69 : vector<10240x128xf32>
    %swap3A_71 = arith.constant 0 : index
    %swap3A_72 = arith.constant 0 : index
    %swap3A_73 = vector.load %arg9[%swap3A_71, %swap3A_72] : memref<10240x128xf32, #tpu.memory_space<vmem>>, vector<10240x128xf32>
    tpu.vector_store %arg9[%swap3A_71, %swap3A_72], %add3A_70 {strides = array<i32>} : memref<10240x128xf32, #tpu.memory_space<vmem>>, vector<10240x128xf32>,
    return
  }
}

</mosaic_0001>

<sc_bundles>
// kernel: kernel.11.cloned.1.call-start
scs
__scs_entry_jumppad:
0x0: {  	(pc) =	sbr.rel $0x88, $3  }
0x1: {  	(tag) =	ssettag $0x0;
	lr =	simm.s32 $0x1  }
0x2: {  	[smem:$0x3F93] =	sst lr;
	_ =	strace $0xD0000000  }
0x3: {  	_ = 	snop  }
0x4: {  	_ = 	snop  }
0x5: {  	_ = 	snop  }
0x6: {  	_ = 	snop  }
0x7: {  	_ = 	snop  }
__scs_overlays_trampoline_lowered:
0x8: {  	[smem:$0x3FA2] =	sst s0  }
0x9: {  	[smem:$0x3FA3] =	sst s1  }
0xa: {  	[smem:$0x3FA4] =	sst s2  }
0xb: {  	[smem:$0x3FA5] =	sst s3  }
0xc: {  	[smem:$0x3FA6] =	sst s4  }
0xd: {  	[smem:$0x3FA7] =	sst s5  }
0xe: {  	[smem:$0x3FA8] =	sst s6  }
0xf: {  	[smem:$0x3FA9] =	sst s7  }
0x10: {  	[smem:$0x3FAA] =	sst s8  }
0x11: {  	[smem:$0x3FAB] =	sst s9;
	s0 =	simm.s32 @!p0 $0x0  }
0x12: {  	s1 =	sld [smem:$0x3F91];
	s0 =	simm.s32 @p0 $0x1  }
0x13: {  	[smem:$0x3FAC] =	sst s0;
	s0 =	simm.s32 @!p1 $0x0  }
0x14: {  	s2 =	sld [smem:$0x3F90];
	s0 =	simm.s32 @p1 $0x1  }
0x15: {  	[smem:$0x3FAD] =	sst s0;
	s0 =	simm.s32 @!p2 $0x0  }
0x16: {  	s3 =	sld [smem:$0x3FDB];
	s0 =	simm.s32 @p2 $0x1  }
0x17: {  	s4 =	simm.s32 $0x1BF5;
	[smem:$0x3FAF] =	sst s0  }
0x18: {  	s0 =	sld [smem:$0x3F92];
	_ =	swait.ge [sflag:s4], $0x0  }
0x19: {  	s7 =	sld [smem:$0x3F93]  }
0x1a: {  	s8 =	sadd.s32 $0xFFFFE003, lr  }
0x1b: {  	s9 =	sadd.s32 $0xFFFFFEF7, lr;
	s5 =	simm.s32 $0xFFFFFFFF;
	p2 =	slt.u32 s8, $0xFFFFF086  }
0x1c: {  	p1 =	slt.u32 s9, $0xF7A;
	s5 =	simm.s32 @!p2 $0x0  }
0x1d: {  	s5 =	simm.s32 @p1 $0x1;
	p0 =	seq.s32 s7, s2  }
0x1e: {  	s7 =	smul.u32 @!p0 $0xF7A, s2;
	p2 =	seq.s32 @!p0 s5, $0x0  }
0x1f: {  	s9 =	smul.u32 $0xF7A, s1;
	s8 =	simm.s32 @!p0 $0x1BF5;
	p2 =	por !p2, p0  }
0x20: {  	[sflag:s8] =	ssyncset.s32 @!p0 $0xFFFFF086;
	s6 =	sadd.s32 @!p0 s3, s7;
	s7 =	simm.s32 @!p0 $0x108  }
0x21: {  	s3 =	sadd.s32 s3, s9;
	s6 =	sadd.s32 @!p0 $0x88, s6;
	s7 =	simm.s32 @p2 $0x1082  }
0x22: {  	[simem:s7], [sflag:s8] =	dma.local @!p0 [hbm:s6], $0xF7A  }
0x23: {  	s9 =	sor.u32 $0xD0000000, s2;
	s6 =	simm.s32 $0x108;
	_ =	swait.ge @!p0 [sflag:s8], $0x0  }
0x24: {  	s3 =	sadd.s32 $0x88, s3;
	s6 =	simm.s32 @!p1 $0x1082;
	[sflag:s4] =	ssyncset.s32 $0xFFFFF086  }
0x25: {  	[simem:s6], [sflag:s4] =	dma.local [hbm:s3], $0xF7A  }
0x26: {  	[smem:$0x3F93] =	sst s1;
	(tag) =	ssettag s2;
	_ =	strace s9  }
0x27: {  	s1 =	sld [smem:$0x3FA3]  }
0x28: {  	s2 =	sld [smem:$0x3FA4]  }
0x29: {  	s4 =	sld [smem:$0x3FA6]  }
0x2a: {  	p0 =	seq.s32 s5, $0x0;
	s5 =	sld [smem:$0x3FA7]  }
0x2b: {  	s6 =	sld [smem:$0x3FA8]  }
0x2c: {  	s7 =	sld [smem:$0x3FA9]  }
0x2d: {  	s3 =	simm.s32 $0x108;
	s8 =	sld [smem:$0x3FAA]  }
0x2e: {  	s3 =	simm.s32 @!p0 $0x1082;
	s9 =	sld [smem:$0x3FAB]  }
0x2f: {  	lr =	sadd.s32 s0, s3;
	s0 =	sld [smem:$0x3FA2]  }
0x30: {  	s3 =	sld [smem:$0x3FA5]  }
0x31: {  	[smem:$0x3FAE] =	sst s10  }
0x32: {  	s10 =	sld [smem:$0x3FAC];
	_ =	sdelay $0x3  }
0x33: {  	p0 =	seq.s32 s10, $0x1;
	s10 =	sld [smem:$0x3FAE];
	_ =	sdelay $0x3  }
0x34: {  	[smem:$0x3FAE] =	sst s10  }
0x35: {  	s10 =	sld [smem:$0x3FAD];
	_ =	sdelay $0x3  }
0x36: {  	p1 =	seq.s32 s10, $0x1;
	s10 =	sld [smem:$0x3FAE];
	_ =	sdelay $0x3  }
0x37: {  	[smem:$0x3FAE] =	sst s10  }
0x38: {  	s10 =	sld [smem:$0x3FAF]  }
0x39: {  	_ = 	snop;
	(pc) =	sbr.ind lr, $3  }
0x3a: {  	_ = 	snop  }
0x3b: {  	_ = 	snop  }
0x3c: {  	p2 =	seq.s32 s10, $0x1;
	s10 =	sld [smem:$0x3FAE]  }
0x3d: {  	_ =	shalt  }
0x3e: {  	_ =	shalt  }
0x3f: {  	_ =	shalt  }
0x40: {  	_ =	shalt  }
0x41: {  	_ =	shalt  }
0x42: {  	_ =	shalt  }
0x43: {  	_ =	shalt  }
0x44: {  	_ =	shalt  }
0x45: {  	_ =	shalt  }
0x46: {  	_ =	shalt  }
0x47: {  	_ =	shalt  }
0x48: {  	_ =	shalt  }
0x49: {  	_ =	shalt  }
0x4a: {  	_ =	shalt  }
0x4b: {  	_ =	shalt  }
0x4c: {  	_ =	shalt  }
0x4d: {  	_ =	shalt  }
0x4e: {  	_ =	shalt  }
0x4f: {  	_ =	shalt  }
0x50: {  	_ =	shalt  }
0x51: {  	_ =	shalt  }
0x52: {  	_ =	shalt  }
0x53: {  	_ =	shalt  }
0x54: {  	_ =	shalt  }
0x55: {  	_ =	shalt  }
0x56: {  	_ =	shalt  }
0x57: {  	_ =	shalt  }
0x58: {  	_ =	shalt  }
0x59: {  	_ =	shalt  }
0x5a: {  	_ =	shalt  }
0x5b: {  	_ =	shalt  }
0x5c: {  	_ =	shalt  }
0x5d: {  	_ =	shalt  }
0x5e: {  	_ =	shalt  }
0x5f: {  	_ =	shalt  }
0x60: {  	_ =	shalt  }
0x61: {  	_ =	shalt  }
0x62: {  	_ =	shalt  }
0x63: {  	_ =	shalt  }
0x64: {  	_ =	shalt  }
0x65: {  	_ =	shalt  }
0x66: {  	_ =	shalt  }
0x67: {  	_ =	shalt  }
0x68: {  	_ =	shalt  }
0x69: {  	_ =	shalt  }
0x6a: {  	_ =	shalt  }
0x6b: {  	_ =	shalt  }
0x6c: {  	_ =	shalt  }
0x6d: {  	_ =	shalt  }
0x6e: {  	_ =	shalt  }
0x6f: {  	_ =	shalt  }
0x70: {  	_ =	shalt  }
0x71: {  	_ =	shalt  }
0x72: {  	_ =	shalt  }
0x73: {  	_ =	shalt  }
0x74: {  	_ =	shalt  }
0x75: {  	_ =	shalt  }
0x76: {  	_ =	shalt  }
0x77: {  	_ =	shalt  }
0x78: {  	_ =	shalt  }
0x79: {  	_ =	shalt  }
0x7a: {  	_ =	shalt  }
0x7b: {  	_ =	shalt  }
0x7c: {  	_ =	shalt  }
0x7d: {  	_ =	shalt  }
0x7e: {  	_ =	shalt  }
0x7f: {  	_ =	shalt  }
0x80: {  	_ =	shalt  }
0x81: {  	_ =	shalt  }
0x82: {  	_ =	shalt  }
0x83: {  	_ =	shalt  }
0x84: {  	_ =	shalt  }
0x85: {  	_ =	shalt  }
0x86: {  	_ =	shalt  }
0x87: {  	_ =	shalt  }
.Lfunc_end0:
.L_simem_size_0:
called_computation.1_lowered:
.L_overlay_start_0:
0x88: {  	s2 =	sld [smem:$0x3FD9]  }
0x89: {  	s3 =	sld [smem:$0x3FFE];
	_ =	sdelay $0x1  }
0x8a: {  	s1 =	srdreg.scid  }
0x8b: {  	s0 =	sand.u32 $0x1, s1  }
0x8c: {  	s15 =	sshll.u32 s0, $0xA;
	s2 =	sadd.s32 s3, s2  }
0x8d: {  	s2 =	sadd.s32 s2, s15  }
0x8e: {  	[smem:$0x3FBA] =	sst s2  }
0x8f: {  	_ = 	snop  }
0x90: {  	s2 =	sld [smem:$0x3FD0];
	_ =	sdelay $0x2  }
0x91: {  	s16 =	simm.s32 $0xB;
	s4 =	simm.s32 $0x10  }
0x92: {  	[smem:s4], [sflag:s16] =	dma.local [hbm:s2], $0x1  }
0x93: {  	_ =	swait.eq [sflag:s16], $0x1  }
0x94: {  	[sflag:s16] =	ssyncset.done $0x0  }
0x95: {  	[sflag:s16] =	ssyncadd.s32 $0xFFFFFFFF  }
0x96: {  	s17 =	sld [smem:$0x10];
	(tm) =	ssettm $0x1  }
0x97: {  	s18 =	sld [smem:$0x3FFB];
	_ =	sdelay $0x3  }
0x98: {  	_ =	strace s18  }
0x99: {  	s2 =	sld [smem:$0x3FFC];
	_ =	sdelay $0x3  }
0x9a: {  	_ =	strace s2  }
0x9b: {  	s2 =	sld [smem:$0x3FFD];
	_ =	sdelay $0x3  }
0x9c: {  	_ =	strace s2  }
0x9d: {  	_ =	strace $0x8FFFFFFF  }
0x9e: {  	s19 =	sld [smem:$0x3FDB];
	_ =	sdelay $0x1  }
0x9f: {  	s20 =	simm.s32 $_scs_section_size  }
0xa0: {  	s5 =	simm.s32 $_size__tile_overlayer_lowered;
	s6 =	simm.s32 $_tile_overlayer_lowered  }
0xa1: {  	s7 =	simm.s32 $0x1BFF;
	s21 =	sshll.u32 s6, $0x1;
	s4 =	sadd.s32 s20, s19  }
0xa2: {  	s22 =	simm.s32 $0x0;
	s5 =	sshll.u32 s5, $0x1;
	s6 =	sadd.s32 s21, s4  }
0xa3: {  	[timem:s22], [sflag:s7] =	dma.local [hbm:s6], s5  }
0xa4: {  	_ =	swait.ge [sflag:s7], s5  }
0xa5: {  	s5 =	ssub.s32 $0x0, s5;
	[sflag:s7] =	ssyncset.done $0x0  }
0xa6: {  	[sflag:s7] =	ssyncadd.s32 s5;
	_ =	sdelay $0x1  }
0xa7: {  	s23 =	simm.s32 $0x1B8B  }
0xa8: {  	_ =	swait.ge [sflag:s23], $0x1  }
0xa9: {  	[sflag:s23] =	ssyncset.done $0x0  }
0xaa: {  	[sflag:s23] =	ssyncadd.s32 $0xFFFFFFFF  }
0xab: {  	s5 =	sld [smem:$0x0]  }
0xac: {  	s6 =	sand.u32 $0xFFFFFFFE, s1  }
0xad: {  	p0 =	sne.s32 s1, s6  }
0xae: {  	s6 =	sshll.u32 @p0 s6, $0xE  }
0xaf: {  	s6 =	sadd.s32 @p0 $0x11B8D, s6;
	s7 =	sshll.u32 @p0 s5, $0x11  }
0xb0: {  	s6 =	sor.u32 @p0 s7, s6  }
0xb1: {  	[sflag:s6] =	ssyncadd.remote.s32 @p0 $0x1;
	_ =	sdelay $0x1  }
0xb2: {  	s6 =	simm.s32 @p0 $0x1B8D  }
0xb3: {  	_ =	swait.eq @p0 [sflag:s6], $0x1  }
0xb4: {  	[sflag:s6] =	ssyncadd.s32 @p0 $0xFFFFFFFF  }
0xb5: {  	s7 =	sshll.u32 @!p0 s1, $0xE  }
0xb6: {  	s7 =	sor.u32 @!p0 $0x4000, s7;
	s6 =	simm.s32 @!p0 $0x1B8D  }
0xb7: {  	s5 =	sshll.u32 @!p0 s5, $0x11;
	s7 =	sadd.s32 @!p0 $0x11B8D, s7;
	_ =	swait.eq @!p0 [sflag:s6], $0x1  }
0xb8: {  	s5 =	sor.u32 @!p0 s5, s7;
	[sflag:s6] =	ssyncadd.s32 @!p0 $0xFFFFFFFF  }
0xb9: {  	s25 =	simm.s32 $0x1B8E;
	s24 =	sld [smem:$0x3FFE];
	[sflag:s5] =	ssyncadd.remote.s32 @!p0 $0x1  }
0xba: {  	s26 =	simm.s32 $execute0_lowered;
	[smem:$0x3FD2] =	sst s25  }
0xbb: {  	s6 =	sshll.u32 s26, $0x1;
	_ =	strace $0x8000004C;
	[dreg:$0x1] =	wrdreg $0xFFFFFFFF  }
0xbc: {  	s28 =	simm.s32 $_size_execute0_lowered;
	s4 =	sadd.s32 s4, s6;
	[dreg:$0x0] =	wrdreg $0x0  }
0xbd: {  	s6 =	sshll.u32 s28, $0x1;
	[dreg:$0x2] =	wrdreg s4  }
0xbe: {  	[dreg:$0x3] =	wrdreg s6  }
0xbf: {  	[dreg:$0x4] =	wrdreg $0xC0  }
0xc0: {  	_ =	task [dreg:s22], $0x5FFFF  }
0xc1: {  	[dreg:$0x1] =	wrdreg $0xFFFFFFFF  }
0xc2: {  	[dreg:$0x0] =	wrdreg $0x60  }
0xc3: {  	[dreg:$0x2] =	wrdreg s24  }
0xc4: {  	[dreg:$0x3] =	wrdreg s17  }
0xc5: {  	[dreg:$0x4] =	wrdreg $0x0  }
0xc6: {  	[dreg:$0x5] =	wrdreg $0x9  }
0xc7: {  	_ =	task.clear_ibuf [dreg:s22], $0x6FFFF;
	_ =	strace $0x9000004C  }
0xc8: {  	s29 =	simm.s32 $0x9;
	_ =	strace $0x8000004E  }
0xc9: {  	_ =	swait.ge [sflag:s29], $0x1  }
0xca: {  	[sflag:s29] =	ssyncadd.s32 $0xFFFFFFFF  }
0xcb: {  	_ =	strace $0x9000004E  }
0xcc: {  	_ =	sfence  }
0xcd: {  	s30 =	sld [smem:$0x0];
	_ =	sdelay $0x2  }
0xce: {  	s31 =	sshll.u32 s1, $0xD;
	s1 =	sshrl.u32 s1, $0x2  }
0xcf: {  	s4 =	sand.u32 $0x4000, s31;
	s1 =	sadd.s32 s1, s30  }
0xd0: {  	s0 =	sor.u32 s4, s0;
	s1 =	sshll.u32 s1, $0x11  }
0xd1: {  	s0 =	sor.u32 s1, s0  }
0xd2: {  	s0 =	sadd.s32 $0x8F2B, s0  }
0xd3: {  	[sflag:s0] =	ssyncadd.remote.s32 $0x1  }
0xd4: {  	_ =	sfence.sel $0xFFFF  }
0xd5: {  	[dreg:$0x0] =	wrdreg $0xFFFFFFFF;
	(pc) =	sbr.abs _section_cstart, $3  }
0xd6: {  	[dreg:$0x1] =	wrdreg $0xFFFFFFFF  }
0xd7: {  	_ =	task.clear_ibuf [dreg:s22], $0x2FFFF;
	_ =	strace $0x9FFFFFFF  }
0xd8: {  	(tm) =	ssettm $0x7FFFFFFF  }
0xd9: {  	_ =	shalt  }
tec
execute0_lowered:
.L_overlay_start_1:
0x0: {  	(tag) =	ssettag $0x1  }
0x1: {  	s4 =	rddreg [dreg:$0x0]  }
0x2: {  	s6 =	rddreg [dreg:$0x1]  }
0x3: {  	s2 =	rddreg [dreg:$0x2]  }
0x4: {  	s0 =	rddreg [dreg:$0x3];
	s3 =	simm.s32 $0x0;
	s1 =	stileid.u32  }
0x5: {  	s5 =	srdreg.scid;
	s16 =	simm.s32 $0x50;
	s17 =	simm.s32 $0x2  }
0x6: {  	s18 =	simm.s32 $0x17E00;
	[smem:$0x7FF] =	sst s3;
	s19 =	smul.u32 $0x2800, s1  }
0x7: {  	s7 =	sand.u32 $0x1, s5;
	s8 =	sadd.s32 $0x585800, s4;
	s10 =	smul.u32 $0x50000, s1  }
0x8: {  	s25 =	sshll.u32 s1, $0x1;
	s30 =	sshll.u32 s1, $0x6;
	s31 =	smul.u32 $0x4E200, s1  }
0x9: {  	_ =	strace $0x8000004D;
	s5 =	smul.u32 $0x28000, s7;
	s24 =	ssub.s32 $0x2, s7  }
0xa: {  	s13 =	sor.u32 s7, s25;
	s15 =	smul.u32 $0x27100, s7;
	s9 =	sadd.s32 s19, s4  }
0xb: {  	s12 =	sshrl.u32 s24, $0x1;
	s26 =	sshrl.u32 s10, $0x2;
	s14 =	smul.u32 $0x27100, s13  }
0xc: {  	s13 =	sshll.u32 s13, $0xB;
	s11 =	sadd.s32 s5, s4;
	s28 =	ssub.s32 s24, s12  }
0xd: {  	s29 =	sadd.s32 s26, s2;
	s4 =	sadd.s32 $0x7CC00, s9;
	s5 =	sor.u32 $0x1C03, s30  }
0xe: {  	s6 =	sadd.s32 s6, s13;
	s9 =	sadd.s32 s31, s8;
	s12 =	simm.s32 $0x14000  }
0xf: {  	s13 =	simm.s32 $0x18000;
	s7 =	sadd.s32 s8, s14;
	s20 =	sadd.s32 $0xA4C00, s11  }
0x10: {  	s8 =	smax.u32 s28, $0x1;
	s9 =	sadd.s32 s15, s9;
	s10 =	sshrl.u32 s29, $0x3  }
0x11: {  	s11 =	simm.s32 $0x3;
	s14 =	simm.s32 $0x1A800;
	s15 =	simm.s32 $0x1  }
0x12: {  	s9 =	sadd.s32 $0xA00, s9;
	s19 =	sadd.s32 s19, s20;
	s20 =	simm.s32 $0x0  }
.LBB2_1:
0x13: {  	[spmem:s10], [sflag:s5] =	dma.local [hbm:s4], $0x2800  }
0x14: {  	_ =	swait.ge [sflag:s11], $0x2800  }
0x15: {  	[sflag:s11] =	ssyncset.done $0x0  }
0x16: {  	[sflag:s11] =	ssyncadd.s32 $0xFFFFD800  }
0x17: {  	[tilespmem:s12], [sflag:$0x3] =	stream.linear.gather [hbm4b:s6+s3], $0x3E80, $0x38;
	[tilespmem:$0x1D000] =	vst v63  }
0x18: {  	_ =	swait.ge [sflag:s11], $0x3E80  }
0x19: {  	[sflag:s11] =	ssyncset.done $0x0  }
0x1a: {  	[sflag:s11] =	ssyncadd.s32 $0xFFFFC180  }
0x1b: {  	[bflag:$0x0] =	sbarrier.arrive $0xFFFF  }
0x1c: {  	[tilespmem:s13], [sflag:$0x1] =	stream.linear.gather [hbm4b:s7+s3], $0x2800, $0x38;
	[tilespmem:$0x1D000] =	vst v63  }
0x1d: {  	s21 =	sadd.s32 $0xFFFFFB00, s9  }
0x1e: {  	[tilespmem:s14], [sflag:$0x2] =	stream.linear.gather [hbm4b:s21+s3], $0x2800, $0x38;
	[tilespmem:$0x1D000] =	vst v63  }
0x1f: {  	_ =	swait.ge [sflag:s15], $0x2800  }
0x20: {  	[sflag:s15] =	ssyncset.done $0x0  }
0x21: {  	s30 =	simm.s32 $0x14000;
	[sflag:s15] =	ssyncadd.s32 $0xFFFFD800  }
0x22: {  	[spmem:s2] =	stream.indirect.scatter.add.f32 [tilespmem:s13], [sflag:$0x3], $0x80, s30, s16, $0xb8;
	[tilespmem:$0x1D000] =	vst v63  }
0x23: {  	_ =	swait.ge [sflag:s11], $0x2800  }
0x24: {  	[sflag:s11] =	ssyncset.done $0x0  }
0x25: {  	[sflag:s11] =	ssyncadd.s32 $0xFFFFD800  }
0x26: {  	[tilespmem:s13], [sflag:$0x1] =	stream.linear.gather [hbm4b:s9+s3], $0x2800, $0x38;
	[tilespmem:$0x1D000] =	vst v63  }
0x27: {  	_ =	swait.ge [sflag:s17], $0x2800  }
0x28: {  	[sflag:s17] =	ssyncset.done $0x0  }
0x29: {  	s31 =	simm.s32 $0x14080;
	[sflag:s17] =	ssyncadd.s32 $0xFFFFD800  }
0x2a: {  	[spmem:s2] =	stream.indirect.scatter.add.f32 [tilespmem:s14], [sflag:$0x3], $0x80, s31, s16, $0xb8;
	[tilespmem:$0x1D000] =	vst v63  }
0x2b: {  	s22 =	simm.s32 $0x400;
	_ =	swait.ge [sflag:s11], $0x2800  }
0x2c: {  	s23 =	simm.s32 $0x800;
	s21 =	sadd.s32 $0xA00, s9;
	[sflag:s11] =	ssyncset.done $0x0  }
.LBB2_2:
0x2d: {  	p0 =	sne.s32 s23, $0xF400;
	s24 =	sadd.s32 $0xFFFFFB00, s21;
	[sflag:s11] =	ssyncadd.s32 $0xFFFFD800  }
0x2e: {  	[tilespmem:s14], [sflag:$0x2] =	stream.linear.gather [hbm4b:s24+s3], $0x2800, $0x38;
	[tilespmem:$0x1D000] =	vst v63  }
0x2f: {  	s24 =	smov.u32 s23;
	s23 =	sadd.s32 $0x400, s23;
	_ =	swait.ge [sflag:s15], $0x2800  }
0x30: {  	s25 =	sshra.s32 s22, $0x2;
	s22 =	smov.u32 s24;
	[sflag:s15] =	ssyncset.done $0x0  }
0x31: {  	s24 =	sadd.s32 $0x14000, s25;
	[sflag:s15] =	ssyncadd.s32 $0xFFFFD800  }
0x32: {  	[spmem:s2] =	stream.indirect.scatter.add.f32 [tilespmem:s13], [sflag:$0x3], $0x80, s24, s16, $0xb8;
	[tilespmem:$0x1D000] =	vst v63  }
0x33: {  	_ =	swait.ge [sflag:s11], $0x2800  }
0x34: {  	[sflag:s11] =	ssyncset.done $0x0  }
0x35: {  	[sflag:s11] =	ssyncadd.s32 $0xFFFFD800  }
0x36: {  	[tilespmem:s13], [sflag:$0x1] =	stream.linear.gather [hbm4b:s21+s3], $0x2800, $0x38;
	[tilespmem:$0x1D000] =	vst v63  }
0x37: {  	_ =	swait.ge [sflag:s17], $0x2800  }
.Ltmp0:
0x38: {  	[sflag:s17] =	ssyncset.done $0x0;
	(pc) =	sbr.rel @p0 .LBB2_2-.Ltmp0, $4  }
0x39: {  	s24 =	sadd.s32 $0x14080, s25;
	[sflag:s17] =	ssyncadd.s32 $0xFFFFD800  }
0x3a: {  	[spmem:s2] =	stream.indirect.scatter.add.f32 [tilespmem:s14], [sflag:$0x3], $0x80, s24, s16, $0xb8;
	[tilespmem:$0x1D000] =	vst v63  }
0x3b: {  	_ =	swait.ge [sflag:s11], $0x2800  }
0x3c: {  	s21 =	sadd.s32 $0xA00, s21;
	[sflag:s11] =	ssyncset.done $0x0  }
0x3d: {  	s23 =	sadd.s32 $0xFFFFFB00, s21;
	[sflag:s11] =	ssyncadd.s32 $0xFFFFD800  }
0x3e: {  	[tilespmem:s14], [sflag:$0x2] =	stream.linear.gather [hbm4b:s23+s3], $0x2800, $0x38;
	[tilespmem:$0x1D000] =	vst v63  }
0x3f: {  	_ =	swait.ge [sflag:s15], $0x2800  }
0x40: {  	s22 =	sshra.s32 s22, $0x2;
	[sflag:s15] =	ssyncset.done $0x0  }
0x41: {  	s30 =	sadd.s32 $0x14000, s22;
	[sflag:s15] =	ssyncadd.s32 $0xFFFFD800  }
0x42: {  	[spmem:s2] =	stream.indirect.scatter.add.f32 [tilespmem:s13], [sflag:$0x3], $0x80, s30, s16, $0xb8;
	[tilespmem:$0x1D000] =	vst v63  }
0x43: {  	_ =	swait.ge [sflag:s11], $0x2800  }
0x44: {  	[sflag:s11] =	ssyncset.done $0x0  }
0x45: {  	[sflag:s11] =	ssyncadd.s32 $0xFFFFD800  }
0x46: {  	[tilespmem:s13], [sflag:$0x1] =	stream.linear.gather [hbm4b:s21+s3], $0x2800, $0x38;
	[tilespmem:$0x1D000] =	vst v63  }
0x47: {  	_ =	swait.ge [sflag:s17], $0x2800  }
0x48: {  	[sflag:s17] =	ssyncset.done $0x0  }
0x49: {  	s31 =	sadd.s32 $0x14080, s22;
	[sflag:s17] =	ssyncadd.s32 $0xFFFFD800  }
0x4a: {  	[spmem:s2] =	stream.indirect.scatter.add.f32 [tilespmem:s14], [sflag:$0x3], $0x80, s31, s16, $0xb8;
	[tilespmem:$0x1D000] =	vst v63  }
0x4b: {  	_ =	swait.ge [sflag:s11], $0x2800  }
0x4c: {  	[sflag:s11] =	ssyncset.done $0x0  }
0x4d: {  	[sflag:s11] =	ssyncadd.s32 $0xFFFFD800  }
0x4e: {  	_ =	swait.ge [sflag:s15], $0x2800  }
0x4f: {  	[sflag:s15] =	ssyncset.done $0x0  }
0x50: {  	[sflag:s15] =	ssyncadd.s32 $0xFFFFD800  }
0x51: {  	[spmem:s2] =	stream.indirect.scatter.add.f32 [tilespmem:s13], [sflag:$0x3], $0x80, s18, s16, $0xb8;
	[tilespmem:$0x1D000] =	vst v63  }
0x52: {  	_ =	swait.ge [sflag:s11], $0x2800  }
0x53: {  	s20 =	sadd.s32 $0x1, s20;
	[sflag:s11] =	ssyncset.done $0x0  }
0x54: {  	p0 =	sne.s32 s20, s8;
	[sflag:s11] =	ssyncadd.s32 $0xFFFFD800  }
.Ltmp1:
0x55: {  	[bflag:$0x0] =	sbarrier.arrive $0xFFFF;
	(pc) =	sbr.rel @p0 .LBB2_1-.Ltmp1, $4  }
0x56: {  	[hbm:s19], [sflag:s5] =	dma.local [spmem:s10], $0x2800  }
0x57: {  	_ =	swait.ge [sflag:s11], $0x2800  }
0x58: {  	[sflag:s11] =	ssyncset.done $0x0  }
0x59: {  	[sflag:s11] =	ssyncadd.s32 $0xFFFFD800  }
0x5a: {  	_ =	sfence.sel $0x180000  }
0x5b: {  	[bflag:$0x0] =	sbarrier.arrive $0xFFFF  }
0x5c: {  	p0 =	sne.s32 s1, $0x0;
	_ =	strace $0x9000004D  }
0x5d: {  	s0 =	sadd.s32 @!p0 $0x100000, s0;
	[bflag:$0x2] =	sbarrier.arrive $0xFFFF  }
0x5e: {  	[sflag:s0] =	ssyncadd.tile.s32 @!p0 $0x1;
	_ =	shalt  }
.Lfunc_end2:
_tile_overlayer_lowered:
.L_overlay_start_2:
0x5f: {  	(tag) =	ssettag $0x2  }
0x60: {  	s0 =	rddreg [dreg:$0x0];
	s2 =	stileid.u32  }
0x61: {  	s1 =	rddreg [dreg:$0x1];
	p0 =	sne.s32 s2, $0x0  }
0x62: {  	s3 =	rddreg [dreg:$0x2];
	[bflag:$0x3] =	sbarrier.arrive $0xFFFF;
	s2 =	simm.s32 @!p0 $0x1C03  }
0x63: {  	[timem:s3], [sflag:s2] =	dma.local @!p0 [hbm:s0], s1  }
0x64: {  	s0 =	simm.s32 @!p0 $0x3  }
0x65: {  	_ =	swait.ge @!p0 [sflag:s0], s1  }
0x66: {  	s1 =	ssub.s32 @!p0 $0x0, s1;
	[sflag:s0] =	ssyncset.done @!p0 $0x0  }
0x67: {  	[sflag:s0] =	ssyncadd.s32 @!p0 s1  }
0x68: {  	[bflag:$0x3] =	sbarrier.arrive $0xFFFF  }
0x69: {  	_ =	shalt  }

// kernel: kernel.14.cloned.1.call-start
scs
__scs_entry_jumppad:
0x0: {  	(pc) =	sbr.rel $0x88, $3  }
0x1: {  	(tag) =	ssettag $0x0;
	lr =	simm.s32 $0x1  }
0x2: {  	[smem:$0x3F93] =	sst lr;
	_ =	strace $0xD0000000  }
0x3: {  	_ = 	snop  }
0x4: {  	_ = 	snop  }
0x5: {  	_ = 	snop  }
0x6: {  	_ = 	snop  }
0x7: {  	_ = 	snop  }
__scs_overlays_trampoline_lowered:
0x8: {  	[smem:$0x3FA2] =	sst s0  }
0x9: {  	[smem:$0x3FA3] =	sst s1  }
0xa: {  	[smem:$0x3FA4] =	sst s2  }
0xb: {  	[smem:$0x3FA5] =	sst s3  }
0xc: {  	[smem:$0x3FA6] =	sst s4  }
0xd: {  	[smem:$0x3FA7] =	sst s5  }
0xe: {  	[smem:$0x3FA8] =	sst s6  }
0xf: {  	[smem:$0x3FA9] =	sst s7  }
0x10: {  	[smem:$0x3FAA] =	sst s8  }
0x11: {  	[smem:$0x3FAB] =	sst s9;
	s0 =	simm.s32 @!p0 $0x0  }
0x12: {  	s1 =	sld [smem:$0x3F91];
	s0 =	simm.s32 @p0 $0x1  }
0x13: {  	[smem:$0x3FAC] =	sst s0;
	s0 =	simm.s32 @!p1 $0x0  }
0x14: {  	s2 =	sld [smem:$0x3F90];
	s0 =	simm.s32 @p1 $0x1  }
0x15: {  	[smem:$0x3FAD] =	sst s0;
	s0 =	simm.s32 @!p2 $0x0  }
0x16: {  	s3 =	sld [smem:$0x3FDB];
	s0 =	simm.s32 @p2 $0x1  }
0x17: {  	s4 =	simm.s32 $0x1BF5;
	[smem:$0x3FAF] =	sst s0  }
0x18: {  	s0 =	sld [smem:$0x3F92];
	_ =	swait.ge [sflag:s4], $0x0  }
0x19: {  	s7 =	sld [smem:$0x3F93]  }
0x1a: {  	s8 =	sadd.s32 $0xFFFFE003, lr  }
0x1b: {  	s9 =	sadd.s32 $0xFFFFFEF7, lr;
	s5 =	simm.s32 $0xFFFFFFFF;
	p2 =	slt.u32 s8, $0xFFFFF086  }
0x1c: {  	p1 =	slt.u32 s9, $0xF7A;
	s5 =	simm.s32 @!p2 $0x0  }
0x1d: {  	s5 =	simm.s32 @p1 $0x1;
	p0 =	seq.s32 s7, s2  }
0x1e: {  	s7 =	smul.u32 @!p0 $0xF7A, s2;
	p2 =	seq.s32 @!p0 s5, $0x0  }
0x1f: {  	s9 =	smul.u32 $0xF7A, s1;
	s8 =	simm.s32 @!p0 $0x1BF5;
	p2 =	por !p2, p0  }
0x20: {  	[sflag:s8] =	ssyncset.s32 @!p0 $0xFFFFF086;
	s6 =	sadd.s32 @!p0 s3, s7;
	s7 =	simm.s32 @!p0 $0x108  }
0x21: {  	s3 =	sadd.s32 s3, s9;
	s6 =	sadd.s32 @!p0 $0x88, s6;
	s7 =	simm.s32 @p2 $0x1082  }
0x22: {  	[simem:s7], [sflag:s8] =	dma.local @!p0 [hbm:s6], $0xF7A  }
0x23: {  	s9 =	sor.u32 $0xD0000000, s2;
	s6 =	simm.s32 $0x108;
	_ =	swait.ge @!p0 [sflag:s8], $0x0  }
0x24: {  	s3 =	sadd.s32 $0x88, s3;
	s6 =	simm.s32 @!p1 $0x1082;
	[sflag:s4] =	ssyncset.s32 $0xFFFFF086  }
0x25: {  	[simem:s6], [sflag:s4] =	dma.local [hbm:s3], $0xF7A  }
0x26: {  	[smem:$0x3F93] =	sst s1;
	(tag) =	ssettag s2;
	_ =	strace s9  }
0x27: {  	s1 =	sld [smem:$0x3FA3]  }
0x28: {  	s2 =	sld [smem:$0x3FA4]  }
0x29: {  	s4 =	sld [smem:$0x3FA6]  }
0x2a: {  	p0 =	seq.s32 s5, $0x0;
	s5 =	sld [smem:$0x3FA7]  }
0x2b: {  	s6 =	sld [smem:$0x3FA8]  }
0x2c: {  	s7 =	sld [smem:$0x3FA9]  }
0x2d: {  	s3 =	simm.s32 $0x108;
	s8 =	sld [smem:$0x3FAA]  }
0x2e: {  	s3 =	simm.s32 @!p0 $0x1082;
	s9 =	sld [smem:$0x3FAB]  }
0x2f: {  	lr =	sadd.s32 s0, s3;
	s0 =	sld [smem:$0x3FA2]  }
0x30: {  	s3 =	sld [smem:$0x3FA5]  }
0x31: {  	[smem:$0x3FAE] =	sst s10  }
0x32: {  	s10 =	sld [smem:$0x3FAC];
	_ =	sdelay $0x3  }
0x33: {  	p0 =	seq.s32 s10, $0x1;
	s10 =	sld [smem:$0x3FAE];
	_ =	sdelay $0x3  }
0x34: {  	[smem:$0x3FAE] =	sst s10  }
0x35: {  	s10 =	sld [smem:$0x3FAD];
	_ =	sdelay $0x3  }
0x36: {  	p1 =	seq.s32 s10, $0x1;
	s10 =	sld [smem:$0x3FAE];
	_ =	sdelay $0x3  }
0x37: {  	[smem:$0x3FAE] =	sst s10  }
0x38: {  	s10 =	sld [smem:$0x3FAF]  }
0x39: {  	_ = 	snop;
	(pc) =	sbr.ind lr, $3  }
0x3a: {  	_ = 	snop  }
0x3b: {  	_ = 	snop  }
0x3c: {  	p2 =	seq.s32 s10, $0x1;
	s10 =	sld [smem:$0x3FAE]  }
0x3d: {  	_ =	shalt  }
0x3e: {  	_ =	shalt  }
0x3f: {  	_ =	shalt  }
0x40: {  	_ =	shalt  }
0x41: {  	_ =	shalt  }
0x42: {  	_ =	shalt  }
0x43: {  	_ =	shalt  }
0x44: {  	_ =	shalt  }
0x45: {  	_ =	shalt  }
0x46: {  	_ =	shalt  }
0x47: {  	_ =	shalt  }
0x48: {  	_ =	shalt  }
0x49: {  	_ =	shalt  }
0x4a: {  	_ =	shalt  }
0x4b: {  	_ =	shalt  }
0x4c: {  	_ =	shalt  }
0x4d: {  	_ =	shalt  }
0x4e: {  	_ =	shalt  }
0x4f: {  	_ =	shalt  }
0x50: {  	_ =	shalt  }
0x51: {  	_ =	shalt  }
0x52: {  	_ =	shalt  }
0x53: {  	_ =	shalt  }
0x54: {  	_ =	shalt  }
0x55: {  	_ =	shalt  }
0x56: {  	_ =	shalt  }
0x57: {  	_ =	shalt  }
0x58: {  	_ =	shalt  }
0x59: {  	_ =	shalt  }
0x5a: {  	_ =	shalt  }
0x5b: {  	_ =	shalt  }
0x5c: {  	_ =	shalt  }
0x5d: {  	_ =	shalt  }
0x5e: {  	_ =	shalt  }
0x5f: {  	_ =	shalt  }
0x60: {  	_ =	shalt  }
0x61: {  	_ =	shalt  }
0x62: {  	_ =	shalt  }
0x63: {  	_ =	shalt  }
0x64: {  	_ =	shalt  }
0x65: {  	_ =	shalt  }
0x66: {  	_ =	shalt  }
0x67: {  	_ =	shalt  }
0x68: {  	_ =	shalt  }
0x69: {  	_ =	shalt  }
0x6a: {  	_ =	shalt  }
0x6b: {  	_ =	shalt  }
0x6c: {  	_ =	shalt  }
0x6d: {  	_ =	shalt  }
0x6e: {  	_ =	shalt  }
0x6f: {  	_ =	shalt  }
0x70: {  	_ =	shalt  }
0x71: {  	_ =	shalt  }
0x72: {  	_ =	shalt  }
0x73: {  	_ =	shalt  }
0x74: {  	_ =	shalt  }
0x75: {  	_ =	shalt  }
0x76: {  	_ =	shalt  }
0x77: {  	_ =	shalt  }
0x78: {  	_ =	shalt  }
0x79: {  	_ =	shalt  }
0x7a: {  	_ =	shalt  }
0x7b: {  	_ =	shalt  }
0x7c: {  	_ =	shalt  }
0x7d: {  	_ =	shalt  }
0x7e: {  	_ =	shalt  }
0x7f: {  	_ =	shalt  }
0x80: {  	_ =	shalt  }
0x81: {  	_ =	shalt  }
0x82: {  	_ =	shalt  }
0x83: {  	_ =	shalt  }
0x84: {  	_ =	shalt  }
0x85: {  	_ =	shalt  }
0x86: {  	_ =	shalt  }
0x87: {  	_ =	shalt  }
.Lfunc_end0:
.L_simem_size_0:
called_computation.2_lowered:
.L_overlay_start_0:
0x88: {  	s2 =	sld [smem:$0x3FD9]  }
0x89: {  	s3 =	sld [smem:$0x3FFE];
	_ =	sdelay $0x1  }
0x8a: {  	s1 =	srdreg.scid  }
0x8b: {  	s0 =	sand.u32 $0x1, s1  }
0x8c: {  	s16 =	sshll.u32 s0, $0xA;
	s2 =	sadd.s32 s3, s2  }
0x8d: {  	s2 =	sadd.s32 s2, s16  }
0x8e: {  	[smem:$0x3FBA] =	sst s2  }
0x8f: {  	_ = 	snop  }
0x90: {  	(tm) =	ssettm $0x1  }
0x91: {  	s17 =	sld [smem:$0x3FFB];
	_ =	sdelay $0x3  }
0x92: {  	_ =	strace s17  }
0x93: {  	s2 =	sld [smem:$0x3FFC];
	_ =	sdelay $0x3  }
0x94: {  	_ =	strace s2  }
0x95: {  	s2 =	sld [smem:$0x3FFD];
	_ =	sdelay $0x3  }
0x96: {  	_ =	strace s2  }
0x97: {  	_ =	strace $0x8FFFFFFF  }
0x98: {  	s18 =	sld [smem:$0x3FDB];
	_ =	sdelay $0x1  }
0x99: {  	s19 =	simm.s32 $_scs_section_size  }
0x9a: {  	s4 =	simm.s32 $_size__tile_overlayer_lowered;
	s5 =	simm.s32 $_tile_overlayer_lowered  }
0x9b: {  	s22 =	simm.s32 $0x1BFF;
	s21 =	sshll.u32 s5, $0x1;
	s2 =	sadd.s32 s19, s18  }
0x9c: {  	s6 =	simm.s32 $0x0;
	s20 =	sshll.u32 s4, $0x1;
	s4 =	sadd.s32 s21, s2  }
0x9d: {  	[timem:s6], [sflag:s22] =	dma.local [hbm:s4], s20  }
0x9e: {  	_ =	swait.ge [sflag:s22], s20  }
0x9f: {  	s3 =	ssub.s32 $0x0, s20;
	[sflag:s22] =	ssyncset.done $0x0  }
0xa0: {  	[sflag:s22] =	ssyncadd.s32 s3;
	_ =	sdelay $0x1  }
0xa1: {  	s23 =	simm.s32 $0x1B8B  }
0xa2: {  	_ =	swait.ge [sflag:s23], $0x1  }
0xa3: {  	[sflag:s23] =	ssyncset.done $0x0  }
0xa4: {  	s25 =	simm.s32 $0x1B8E;
	s24 =	sld [smem:$0x3FFE];
	[sflag:s23] =	ssyncadd.s32 $0xFFFFFFFF  }
0xa5: {  	s26 =	simm.s32 $execute0_lowered;
	[smem:$0x3FD2] =	sst s25  }
0xa6: {  	s4 =	sshll.u32 s26, $0x1;
	_ =	strace $0x80000049;
	[dreg:$0x1] =	wrdreg $0xFFFFFFFF  }
0xa7: {  	s28 =	simm.s32 $_size_execute0_lowered;
	s2 =	sadd.s32 s2, s4;
	[dreg:$0x0] =	wrdreg $0x0  }
0xa8: {  	s4 =	sshll.u32 s28, $0x1;
	[dreg:$0x2] =	wrdreg s2  }
0xa9: {  	[dreg:$0x3] =	wrdreg s4  }
0xaa: {  	[dreg:$0x4] =	wrdreg $0xC0  }
0xab: {  	_ =	task [dreg:s6], $0x5FFFF  }
0xac: {  	[dreg:$0x1] =	wrdreg $0xFFFFFFFF  }
0xad: {  	[dreg:$0x0] =	wrdreg $0x60  }
0xae: {  	[dreg:$0x2] =	wrdreg s24  }
0xaf: {  	[dreg:$0x3] =	wrdreg $0xA  }
0xb0: {  	_ =	task.clear_ibuf [dreg:s6], $0x4FFFF;
	_ =	strace $0x90000049  }
0xb1: {  	s29 =	simm.s32 $0xA;
	_ =	strace $0x8000004B  }
0xb2: {  	_ =	swait.ge [sflag:s29], $0x1  }
0xb3: {  	[sflag:s29] =	ssyncadd.s32 $0xFFFFFFFF  }
0xb4: {  	_ =	strace $0x9000004B  }
0xb5: {  	_ =	sfence  }
0xb6: {  	s30 =	sld [smem:$0x0];
	_ =	sdelay $0x2  }
0xb7: {  	s31 =	sshll.u32 s1, $0xD;
	s1 =	sshrl.u32 s1, $0x2  }
0xb8: {  	s3 =	sand.u32 $0x4000, s31;
	s1 =	sadd.s32 s1, s30  }
0xb9: {  	s0 =	sor.u32 s3, s0;
	s1 =	sshll.u32 s1, $0x11  }
0xba: {  	s0 =	sor.u32 s1, s0  }
0xbb: {  	s0 =	sadd.s32 $0x8F2B, s0  }
0xbc: {  	[sflag:s0] =	ssyncadd.remote.s32 $0x1  }
0xbd: {  	_ =	sfence.sel $0xFFFF  }
0xbe: {  	[dreg:$0x0] =	wrdreg $0xFFFFFFFF;
	(pc) =	sbr.abs _section_cstart, $3  }
0xbf: {  	[dreg:$0x1] =	wrdreg $0xFFFFFFFF  }
0xc0: {  	_ =	task.clear_ibuf [dreg:s6], $0x2FFFF;
	_ =	strace $0x9FFFFFFF  }
0xc1: {  	(tm) =	ssettm $0x7FFFFFFF  }
tec
execute0_lowered:
.L_overlay_start_1:
0x0: {  	(tag) =	ssettag $0x1  }
0x1: {  	s1 =	srdreg.scid  }
0x2: {  	s0 =	stileid.u32;
	s3 =	rddreg [dreg:$0x0];
	s2 =	simm.s32 $0x0  }
0x3: {  	s10 =	simm.s32 $0x1;
	s11 =	simm.s32 $0xA000;
	s12 =	simm.s32 $0xA200  }
0x4: {  	s13 =	simm.s32 $0xA400;
	s14 =	simm.s32 $0xA600;
	s15 =	simm.s32 $0x80  }
0x5: {  	s16 =	simm.s32 $0x400;
	s17 =	simm.s32 $0x0;
	s4 =	sand.u32 $0x1, s1  }
0x6: {  	s5 =	smul.u32 $0x4E20, s0;
	s1 =	rddreg [dreg:$0x1];
	s7 =	sshrl.u32 s0, $0x2  }
0x7: {  	s8 =	sshll.u32 s0, $0x8;
	s6 =	smul.u32 $0x2710, s4;
	s9 =	sshll.u32 s4, $0x7  }
0x8: {  	[smem:$0x7FF] =	sst s2;
	s7 =	smul.u32 $0x50000, s7;
	s8 =	sor.u32 s9, s8  }
0x9: {  	_ =	strace $0x8000004A;
	s4 =	ssub.s32 $0x2, s4;
	s8 =	sand.u32 $0x380, s8  }
0xa: {  	s28 =	sshrl.u32 s4, $0x1;
	s5 =	sadd.s32 s6, s5;
	s26 =	sor.u32 s7, s8  }
0xb: {  	s31 =	ssub.s32 s4, s28;
	s5 =	sshrl.u32 s5, $0x3;
	s6 =	sshrl.u32 s26, $0x3  }
0xc: {  	s29 =	sadd.s32 s5, s3;
	s5 =	smax.u32 s31, $0x1;
	s30 =	sadd.s32 s6, s3  }
0xd: {  	s3 =	sadd.s32 $0x53800, s3;
	s6 =	sadd.s32 $0x49A00, s29;
	s7 =	sadd.s32 $0x3FC00, s29  }
0xe: {  	v0 =	vimm.f32 $1.000000000e+00;
	s8 =	sadd.s32 $0x35E00, s29;
	s9 =	sadd.s32 $0x3400, s29;
	s4 =	sadd.s32 $0x54C00, s30  }
.LBB2_1:
0xf: {  	[tilespmem:s2], [sflag:$0x1] =	stream.linear.gather [hbm4b:s3+s2], $0xA000, $0x38;
	[tilespmem:$0xA800] =	vst v63  }
0x10: {  	_ =	swait.ge [sflag:s10], $0xA000  }
0x11: {  	[sflag:s10] =	ssyncset.done $0x0  }
0x12: {  	s18 =	simm.s32 $0x0;
	[sflag:s10] =	ssyncadd.s32 $0xFFFF6000  }
.LBB2_2:
0x13: {  	s19 =	sadd.s32 s18, s9  }
0x14: {  	[tilespmem:s11], [sflag:$0x1] =	stream.linear.gather [hbm4b:s19+s2], $0x190, $0x38;
	[tilespmem:$0xA800] =	vst v63  }
0x15: {  	_ =	swait.ge [sflag:s10], $0x190  }
0x16: {  	[sflag:s10] =	ssyncset.done $0x0  }
0x17: {  	s29 =	sadd.s32 s18, s8;
	[sflag:s10] =	ssyncadd.s32 $0xFFFFFE70  }
0x18: {  	[tilespmem:s12], [sflag:$0x1] =	stream.linear.gather [hbm4b:s29+s2], $0x190, $0x38;
	[tilespmem:$0xA800] =	vst v63  }
0x19: {  	_ =	swait.ge [sflag:s10], $0x190  }
0x1a: {  	[sflag:s10] =	ssyncset.done $0x0  }
0x1b: {  	s30 =	sadd.s32 s18, s7;
	[sflag:s10] =	ssyncadd.s32 $0xFFFFFE70  }
0x1c: {  	[tilespmem:s13], [sflag:$0x1] =	stream.linear.gather [hbm4b:s30+s2], $0x190, $0x38;
	[tilespmem:$0xA800] =	vst v63  }
0x1d: {  	_ =	swait.ge [sflag:s10], $0x190  }
0x1e: {  	[sflag:s10] =	ssyncset.done $0x0  }
0x1f: {  	s31 =	sadd.s32 s18, s6;
	[sflag:s10] =	ssyncadd.s32 $0xFFFFFE70  }
0x20: {  	[tilespmem:s14], [sflag:$0x1] =	stream.linear.gather [hbm4b:s31+s2], $0x190, $0x38;
	[tilespmem:$0xA800] =	vst v63  }
0x21: {  	_ =	swait.ge [sflag:s10], $0x190  }
0x22: {  	[sflag:s10] =	ssyncset.done $0x0  }
0x23: {  	[sflag:s10] =	ssyncadd.s32 $0xFFFFFE70  }
0x24: {  	v1 =	vld [tilespmem:$0xA000];
	_ =	sdelay $0x2  }
0x25: {  	v2 =	vld [tilespmem:$0xA200];
	_ =	sdelay $0x4  }
0x26: {  	[tilespmem:v1+s2+$0x0] =	vst.idx.add.f32.msk $0xffff, v2  }
0x27: {  	v3 =	vadd.s32 $0x2800, v1;
	v2 =	vld [tilespmem:$0xA400];
	_ =	sdelay $0x4  }
0x28: {  	[tilespmem:v3+s2+$0x0] =	vst.idx.add.f32.msk $0xffff, v2  }
0x29: {  	v3 =	vadd.s32 $0x5000, v1;
	v2 =	vld [tilespmem:$0xA600]  }
0x2a: {  	v1 =	vadd.s32 $0x7800, v1;
	_ =	sdelay $0x3  }
0x2b: {  	[tilespmem:v3+s2+$0x0] =	vst.idx.add.f32.msk $0xffff, v2  }
0x2c: {  	[tilespmem:v1+s2+$0x0] =	vst.idx.add.f32.msk $0xffff, v0  }
0x2d: {  	v1 =	vld [tilespmem:$0xA010];
	_ =	sdelay $0x2  }
0x2e: {  	v2 =	vld [tilespmem:$0xA210];
	_ =	sdelay $0x4  }
0x2f: {  	[tilespmem:v1+s2+$0x0] =	vst.idx.add.f32.msk $0xffff, v2  }
0x30: {  	v3 =	vadd.s32 $0x2800, v1;
	v2 =	vld [tilespmem:$0xA410];
	_ =	sdelay $0x4  }
0x31: {  	[tilespmem:v3+s2+$0x0] =	vst.idx.add.f32.msk $0xffff, v2  }
0x32: {  	v3 =	vadd.s32 $0x5000, v1;
	v2 =	vld [tilespmem:$0xA610]  }
0x33: {  	v1 =	vadd.s32 $0x7800, v1;
	_ =	sdelay $0x3  }
0x34: {  	[tilespmem:v3+s2+$0x0] =	vst.idx.add.f32.msk $0xffff, v2  }
0x35: {  	[tilespmem:v1+s2+$0x0] =	vst.idx.add.f32.msk $0xffff, v0  }
0x36: {  	v1 =	vld [tilespmem:$0xA020];
	_ =	sdelay $0x2  }
0x37: {  	v2 =	vld [tilespmem:$0xA220];
	_ =	sdelay $0x4  }
0x38: {  	[tilespmem:v1+s2+$0x0] =	vst.idx.add.f32.msk $0xffff, v2  }
0x39: {  	v3 =	vadd.s32 $0x2800, v1;
	v2 =	vld [tilespmem:$0xA420];
	_ =	sdelay $0x4  }
0x3a: {  	[tilespmem:v3+s2+$0x0] =	vst.idx.add.f32.msk $0xffff, v2  }
0x3b: {  	v3 =	vadd.s32 $0x5000, v1;
	v2 =	vld [tilespmem:$0xA620]  }
0x3c: {  	v1 =	vadd.s32 $0x7800, v1;
	_ =	sdelay $0x3  }
0x3d: {  	[tilespmem:v3+s2+$0x0] =	vst.idx.add.f32.msk $0xffff, v2  }
0x3e: {  	[tilespmem:v1+s2+$0x0] =	vst.idx.add.f32.msk $0xffff, v0  }
0x3f: {  	v1 =	vld [tilespmem:$0xA030];
	_ =	sdelay $0x2  }
0x40: {  	v2 =	vld [tilespmem:$0xA230];
	_ =	sdelay $0x4  }
0x41: {  	[tilespmem:v1+s2+$0x0] =	vst.idx.add.f32.msk $0xffff, v2  }
0x42: {  	v3 =	vadd.s32 $0x2800, v1;
	v2 =	vld [tilespmem:$0xA430];
	_ =	sdelay $0x4  }
0x43: {  	[tilespmem:v3+s2+$0x0] =	vst.idx.add.f32.msk $0xffff, v2  }
0x44: {  	v3 =	vadd.s32 $0x5000, v1;
	v2 =	vld [tilespmem:$0xA630]  }
0x45: {  	v1 =	vadd.s32 $0x7800, v1;
	_ =	sdelay $0x3  }
0x46: {  	[tilespmem:v3+s2+$0x0] =	vst.idx.add.f32.msk $0xffff, v2  }
0x47: {  	[tilespmem:v1+s2+$0x0] =	vst.idx.add.f32.msk $0xffff, v0  }
0x48: {  	v1 =	vld [tilespmem:$0xA040];
	_ =	sdelay $0x2  }
0x49: {  	v2 =	vld [tilespmem:$0xA240];
	_ =	sdelay $0x4  }
0x4a: {  	[tilespmem:v1+s2+$0x0] =	vst.idx.add.f32.msk $0xffff, v2  }
0x4b: {  	v3 =	vadd.s32 $0x2800, v1;
	v2 =	vld [tilespmem:$0xA440];
	_ =	sdelay $0x4  }
0x4c: {  	[tilespmem:v3+s2+$0x0] =	vst.idx.add.f32.msk $0xffff, v2  }
0x4d: {  	v3 =	vadd.s32 $0x5000, v1;
	v2 =	vld [tilespmem:$0xA640]  }
0x4e: {  	v1 =	vadd.s32 $0x7800, v1;
	_ =	sdelay $0x3  }
0x4f: {  	[tilespmem:v3+s2+$0x0] =	vst.idx.add.f32.msk $0xffff, v2  }
0x50: {  	[tilespmem:v1+s2+$0x0] =	vst.idx.add.f32.msk $0xffff, v0  }
0x51: {  	v1 =	vld [tilespmem:$0xA050];
	_ =	sdelay $0x2  }
0x52: {  	v2 =	vld [tilespmem:$0xA250];
	_ =	sdelay $0x4  }
0x53: {  	[tilespmem:v1+s2+$0x0] =	vst.idx.add.f32.msk $0xffff, v2  }
0x54: {  	v3 =	vadd.s32 $0x2800, v1;
	v2 =	vld [tilespmem:$0xA450];
	_ =	sdelay $0x4  }
0x55: {  	[tilespmem:v3+s2+$0x0] =	vst.idx.add.f32.msk $0xffff, v2  }
0x56: {  	v3 =	vadd.s32 $0x5000, v1;
	v2 =	vld [tilespmem:$0xA650]  }
0x57: {  	v1 =	vadd.s32 $0x7800, v1;
	_ =	sdelay $0x3  }
0x58: {  	[tilespmem:v3+s2+$0x0] =	vst.idx.add.f32.msk $0xffff, v2  }
0x59: {  	[tilespmem:v1+s2+$0x0] =	vst.idx.add.f32.msk $0xffff, v0  }
0x5a: {  	v1 =	vld [tilespmem:$0xA060];
	_ =	sdelay $0x2  }
0x5b: {  	v2 =	vld [tilespmem:$0xA260];
	_ =	sdelay $0x4  }
0x5c: {  	[tilespmem:v1+s2+$0x0] =	vst.idx.add.f32.msk $0xffff, v2  }
0x5d: {  	v3 =	vadd.s32 $0x2800, v1;
	v2 =	vld [tilespmem:$0xA460];
	_ =	sdelay $0x4  }
0x5e: {  	[tilespmem:v3+s2+$0x0] =	vst.idx.add.f32.msk $0xffff, v2  }
0x5f: {  	v3 =	vadd.s32 $0x5000, v1;
	v2 =	vld [tilespmem:$0xA660]  }
0x60: {  	v1 =	vadd.s32 $0x7800, v1;
	_ =	sdelay $0x3  }
0x61: {  	[tilespmem:v3+s2+$0x0] =	vst.idx.add.f32.msk $0xffff, v2  }
0x62: {  	[tilespmem:v1+s2+$0x0] =	vst.idx.add.f32.msk $0xffff, v0  }
0x63: {  	v1 =	vld [tilespmem:$0xA070];
	_ =	sdelay $0x2  }
0x64: {  	v2 =	vld [tilespmem:$0xA270];
	_ =	sdelay $0x4  }
0x65: {  	[tilespmem:v1+s2+$0x0] =	vst.idx.add.f32.msk $0xffff, v2  }
0x66: {  	v3 =	vadd.s32 $0x2800, v1;
	v2 =	vld [tilespmem:$0xA470];
	_ =	sdelay $0x4  }
0x67: {  	[tilespmem:v3+s2+$0x0] =	vst.idx.add.f32.msk $0xffff, v2  }
0x68: {  	v3 =	vadd.s32 $0x5000, v1;
	v2 =	vld [tilespmem:$0xA670]  }
0x69: {  	v1 =	vadd.s32 $0x7800, v1;
	_ =	sdelay $0x3  }
0x6a: {  	[tilespmem:v3+s2+$0x0] =	vst.idx.add.f32.msk $0xffff, v2  }
0x6b: {  	[tilespmem:v1+s2+$0x0] =	vst.idx.add.f32.msk $0xffff, v0  }
0x6c: {  	v1 =	vld [tilespmem:$0xA080];
	_ =	sdelay $0x2  }
0x6d: {  	v2 =	vld [tilespmem:$0xA280];
	_ =	sdelay $0x4  }
0x6e: {  	[tilespmem:v1+s2+$0x0] =	vst.idx.add.f32.msk $0xffff, v2  }
0x6f: {  	v3 =	vadd.s32 $0x2800, v1;
	v2 =	vld [tilespmem:$0xA480];
	_ =	sdelay $0x4  }
0x70: {  	[tilespmem:v3+s2+$0x0] =	vst.idx.add.f32.msk $0xffff, v2  }
0x71: {  	v3 =	vadd.s32 $0x5000, v1;
	v2 =	vld [tilespmem:$0xA680]  }
0x72: {  	v1 =	vadd.s32 $0x7800, v1;
	_ =	sdelay $0x3  }
0x73: {  	[tilespmem:v3+s2+$0x0] =	vst.idx.add.f32.msk $0xffff, v2  }
0x74: {  	[tilespmem:v1+s2+$0x0] =	vst.idx.add.f32.msk $0xffff, v0  }
0x75: {  	v1 =	vld [tilespmem:$0xA090];
	_ =	sdelay $0x2  }
0x76: {  	v2 =	vld [tilespmem:$0xA290];
	_ =	sdelay $0x4  }
0x77: {  	[tilespmem:v1+s2+$0x0] =	vst.idx.add.f32.msk $0xffff, v2  }
0x78: {  	v3 =	vadd.s32 $0x2800, v1;
	v2 =	vld [tilespmem:$0xA490];
	_ =	sdelay $0x4  }
0x79: {  	[tilespmem:v3+s2+$0x0] =	vst.idx.add.f32.msk $0xffff, v2  }
0x7a: {  	v3 =	vadd.s32 $0x5000, v1;
	v2 =	vld [tilespmem:$0xA690]  }
0x7b: {  	v1 =	vadd.s32 $0x7800, v1;
	_ =	sdelay $0x3  }
0x7c: {  	[tilespmem:v3+s2+$0x0] =	vst.idx.add.f32.msk $0xffff, v2  }
0x7d: {  	[tilespmem:v1+s2+$0x0] =	vst.idx.add.f32.msk $0xffff, v0  }
0x7e: {  	v1 =	vld [tilespmem:$0xA0A0];
	_ =	sdelay $0x2  }
0x7f: {  	v2 =	vld [tilespmem:$0xA2A0];
	_ =	sdelay $0x4  }
0x80: {  	[tilespmem:v1+s2+$0x0] =	vst.idx.add.f32.msk $0xffff, v2  }
0x81: {  	v3 =	vadd.s32 $0x2800, v1;
	v2 =	vld [tilespmem:$0xA4A0];
	_ =	sdelay $0x4  }
0x82: {  	[tilespmem:v3+s2+$0x0] =	vst.idx.add.f32.msk $0xffff, v2  }
0x83: {  	v3 =	vadd.s32 $0x5000, v1;
	v2 =	vld [tilespmem:$0xA6A0]  }
0x84: {  	v1 =	vadd.s32 $0x7800, v1;
	_ =	sdelay $0x3  }
0x85: {  	[tilespmem:v3+s2+$0x0] =	vst.idx.add.f32.msk $0xffff, v2  }
0x86: {  	[tilespmem:v1+s2+$0x0] =	vst.idx.add.f32.msk $0xffff, v0  }
0x87: {  	v1 =	vld [tilespmem:$0xA0B0];
	_ =	sdelay $0x2  }
0x88: {  	v2 =	vld [tilespmem:$0xA2B0];
	_ =	sdelay $0x4  }
0x89: {  	[tilespmem:v1+s2+$0x0] =	vst.idx.add.f32.msk $0xffff, v2  }
0x8a: {  	v3 =	vadd.s32 $0x2800, v1;
	v2 =	vld [tilespmem:$0xA4B0];
	_ =	sdelay $0x4  }
0x8b: {  	[tilespmem:v3+s2+$0x0] =	vst.idx.add.f32.msk $0xffff, v2  }
0x8c: {  	v3 =	vadd.s32 $0x5000, v1;
	v2 =	vld [tilespmem:$0xA6B0]  }
0x8d: {  	v1 =	vadd.s32 $0x7800, v1;
	_ =	sdelay $0x3  }
0x8e: {  	[tilespmem:v3+s2+$0x0] =	vst.idx.add.f32.msk $0xffff, v2  }
0x8f: {  	[tilespmem:v1+s2+$0x0] =	vst.idx.add.f32.msk $0xffff, v0  }
0x90: {  	v1 =	vld [tilespmem:$0xA0C0];
	_ =	sdelay $0x2  }
0x91: {  	v2 =	vld [tilespmem:$0xA2C0];
	_ =	sdelay $0x4  }
0x92: {  	[tilespmem:v1+s2+$0x0] =	vst.idx.add.f32.msk $0xffff, v2  }
0x93: {  	v3 =	vadd.s32 $0x2800, v1;
	v2 =	vld [tilespmem:$0xA4C0];
	_ =	sdelay $0x4  }
0x94: {  	[tilespmem:v3+s2+$0x0] =	vst.idx.add.f32.msk $0xffff, v2  }
0x95: {  	v3 =	vadd.s32 $0x5000, v1;
	v2 =	vld [tilespmem:$0xA6C0]  }
0x96: {  	v1 =	vadd.s32 $0x7800, v1;
	_ =	sdelay $0x3  }
0x97: {  	[tilespmem:v3+s2+$0x0] =	vst.idx.add.f32.msk $0xffff, v2  }
0x98: {  	[tilespmem:v1+s2+$0x0] =	vst.idx.add.f32.msk $0xffff, v0  }
0x99: {  	v1 =	vld [tilespmem:$0xA0D0];
	_ =	sdelay $0x2  }
0x9a: {  	v2 =	vld [tilespmem:$0xA2D0];
	_ =	sdelay $0x4  }
0x9b: {  	[tilespmem:v1+s2+$0x0] =	vst.idx.add.f32.msk $0xffff, v2  }
0x9c: {  	v3 =	vadd.s32 $0x2800, v1;
	v2 =	vld [tilespmem:$0xA4D0];
	_ =	sdelay $0x4  }
0x9d: {  	[tilespmem:v3+s2+$0x0] =	vst.idx.add.f32.msk $0xffff, v2  }
0x9e: {  	v3 =	vadd.s32 $0x5000, v1;
	v2 =	vld [tilespmem:$0xA6D0]  }
0x9f: {  	v1 =	vadd.s32 $0x7800, v1;
	_ =	sdelay $0x3  }
0xa0: {  	[tilespmem:v3+s2+$0x0] =	vst.idx.add.f32.msk $0xffff, v2  }
0xa1: {  	[tilespmem:v1+s2+$0x0] =	vst.idx.add.f32.msk $0xffff, v0  }
0xa2: {  	v1 =	vld [tilespmem:$0xA0E0];
	_ =	sdelay $0x2  }
0xa3: {  	v2 =	vld [tilespmem:$0xA2E0];
	_ =	sdelay $0x4  }
0xa4: {  	[tilespmem:v1+s2+$0x0] =	vst.idx.add.f32.msk $0xffff, v2  }
0xa5: {  	v3 =	vadd.s32 $0x2800, v1;
	v2 =	vld [tilespmem:$0xA4E0];
	_ =	sdelay $0x4  }
0xa6: {  	[tilespmem:v3+s2+$0x0] =	vst.idx.add.f32.msk $0xffff, v2  }
0xa7: {  	v3 =	vadd.s32 $0x5000, v1;
	v2 =	vld [tilespmem:$0xA6E0]  }
0xa8: {  	v1 =	vadd.s32 $0x7800, v1;
	_ =	sdelay $0x3  }
0xa9: {  	[tilespmem:v3+s2+$0x0] =	vst.idx.add.f32.msk $0xffff, v2  }
0xaa: {  	[tilespmem:v1+s2+$0x0] =	vst.idx.add.f32.msk $0xffff, v0  }
0xab: {  	v1 =	vld [tilespmem:$0xA0F0];
	_ =	sdelay $0x2  }
0xac: {  	v2 =	vld [tilespmem:$0xA2F0];
	_ =	sdelay $0x4  }
0xad: {  	[tilespmem:v1+s2+$0x0] =	vst.idx.add.f32.msk $0xffff, v2  }
0xae: {  	v3 =	vadd.s32 $0x2800, v1;
	v2 =	vld [tilespmem:$0xA4F0];
	_ =	sdelay $0x4  }
0xaf: {  	[tilespmem:v3+s2+$0x0] =	vst.idx.add.f32.msk $0xffff, v2  }
0xb0: {  	v3 =	vadd.s32 $0x5000, v1;
	v2 =	vld [tilespmem:$0xA6F0]  }
0xb1: {  	v1 =	vadd.s32 $0x7800, v1;
	_ =	sdelay $0x3  }
0xb2: {  	[tilespmem:v3+s2+$0x0] =	vst.idx.add.f32.msk $0xffff, v2  }
0xb3: {  	[tilespmem:v1+s2+$0x0] =	vst.idx.add.f32.msk $0xffff, v0  }
0xb4: {  	v1 =	vld [tilespmem:$0xA100];
	_ =	sdelay $0x2  }
0xb5: {  	v2 =	vld [tilespmem:$0xA300];
	_ =	sdelay $0x4  }
0xb6: {  	[tilespmem:v1+s2+$0x0] =	vst.idx.add.f32.msk $0xffff, v2  }
0xb7: {  	v3 =	vadd.s32 $0x2800, v1;
	v2 =	vld [tilespmem:$0xA500];
	_ =	sdelay $0x4  }
0xb8: {  	[tilespmem:v3+s2+$0x0] =	vst.idx.add.f32.msk $0xffff, v2  }
0xb9: {  	v3 =	vadd.s32 $0x5000, v1;
	v2 =	vld [tilespmem:$0xA700]  }
0xba: {  	v1 =	vadd.s32 $0x7800, v1;
	_ =	sdelay $0x3  }
0xbb: {  	[tilespmem:v3+s2+$0x0] =	vst.idx.add.f32.msk $0xffff, v2  }
0xbc: {  	[tilespmem:v1+s2+$0x0] =	vst.idx.add.f32.msk $0xffff, v0  }
0xbd: {  	v1 =	vld [tilespmem:$0xA110];
	_ =	sdelay $0x2  }
0xbe: {  	v2 =	vld [tilespmem:$0xA310];
	_ =	sdelay $0x4  }
0xbf: {  	[tilespmem:v1+s2+$0x0] =	vst.idx.add.f32.msk $0xffff, v2  }
0xc0: {  	v3 =	vadd.s32 $0x2800, v1;
	v2 =	vld [tilespmem:$0xA510];
	_ =	sdelay $0x4  }
0xc1: {  	[tilespmem:v3+s2+$0x0] =	vst.idx.add.f32.msk $0xffff, v2  }
0xc2: {  	v3 =	vadd.s32 $0x5000, v1;
	v2 =	vld [tilespmem:$0xA710]  }
0xc3: {  	v1 =	vadd.s32 $0x7800, v1;
	_ =	sdelay $0x3  }
0xc4: {  	[tilespmem:v3+s2+$0x0] =	vst.idx.add.f32.msk $0xffff, v2  }
0xc5: {  	[tilespmem:v1+s2+$0x0] =	vst.idx.add.f32.msk $0xffff, v0  }
0xc6: {  	v1 =	vld [tilespmem:$0xA120];
	_ =	sdelay $0x2  }
0xc7: {  	v2 =	vld [tilespmem:$0xA320];
	_ =	sdelay $0x4  }
0xc8: {  	[tilespmem:v1+s2+$0x0] =	vst.idx.add.f32.msk $0xffff, v2  }
0xc9: {  	v3 =	vadd.s32 $0x2800, v1;
	v2 =	vld [tilespmem:$0xA520];
	_ =	sdelay $0x4  }
0xca: {  	[tilespmem:v3+s2+$0x0] =	vst.idx.add.f32.msk $0xffff, v2  }
0xcb: {  	v3 =	vadd.s32 $0x5000, v1;
	v2 =	vld [tilespmem:$0xA720]  }
0xcc: {  	v1 =	vadd.s32 $0x7800, v1;
	_ =	sdelay $0x3  }
0xcd: {  	[tilespmem:v3+s2+$0x0] =	vst.idx.add.f32.msk $0xffff, v2  }
0xce: {  	[tilespmem:v1+s2+$0x0] =	vst.idx.add.f32.msk $0xffff, v0  }
0xcf: {  	v1 =	vld [tilespmem:$0xA130];
	_ =	sdelay $0x2  }
0xd0: {  	v2 =	vld [tilespmem:$0xA330];
	_ =	sdelay $0x4  }
0xd1: {  	[tilespmem:v1+s2+$0x0] =	vst.idx.add.f32.msk $0xffff, v2  }
0xd2: {  	v3 =	vadd.s32 $0x2800, v1;
	v2 =	vld [tilespmem:$0xA530];
	_ =	sdelay $0x4  }
0xd3: {  	[tilespmem:v3+s2+$0x0] =	vst.idx.add.f32.msk $0xffff, v2  }
0xd4: {  	v3 =	vadd.s32 $0x5000, v1;
	v2 =	vld [tilespmem:$0xA730]  }
0xd5: {  	v1 =	vadd.s32 $0x7800, v1;
	_ =	sdelay $0x3  }
0xd6: {  	[tilespmem:v3+s2+$0x0] =	vst.idx.add.f32.msk $0xffff, v2  }
0xd7: {  	[tilespmem:v1+s2+$0x0] =	vst.idx.add.f32.msk $0xffff, v0  }
0xd8: {  	v1 =	vld [tilespmem:$0xA140];
	_ =	sdelay $0x2  }
0xd9: {  	v2 =	vld [tilespmem:$0xA340];
	_ =	sdelay $0x4  }
0xda: {  	[tilespmem:v1+s2+$0x0] =	vst.idx.add.f32.msk $0xffff, v2  }
0xdb: {  	v3 =	vadd.s32 $0x2800, v1;
	v2 =	vld [tilespmem:$0xA540];
	_ =	sdelay $0x4  }
0xdc: {  	[tilespmem:v3+s2+$0x0] =	vst.idx.add.f32.msk $0xffff, v2  }
0xdd: {  	v3 =	vadd.s32 $0x5000, v1;
	v2 =	vld [tilespmem:$0xA740]  }
0xde: {  	v1 =	vadd.s32 $0x7800, v1;
	_ =	sdelay $0x3  }
0xdf: {  	[tilespmem:v3+s2+$0x0] =	vst.idx.add.f32.msk $0xffff, v2  }
0xe0: {  	[tilespmem:v1+s2+$0x0] =	vst.idx.add.f32.msk $0xffff, v0  }
0xe1: {  	v1 =	vld [tilespmem:$0xA150];
	_ =	sdelay $0x2  }
0xe2: {  	v2 =	vld [tilespmem:$0xA350];
	_ =	sdelay $0x4  }
0xe3: {  	[tilespmem:v1+s2+$0x0] =	vst.idx.add.f32.msk $0xffff, v2  }
0xe4: {  	v3 =	vadd.s32 $0x2800, v1;
	v2 =	vld [tilespmem:$0xA550];
	_ =	sdelay $0x4  }
0xe5: {  	[tilespmem:v3+s2+$0x0] =	vst.idx.add.f32.msk $0xffff, v2  }
0xe6: {  	v3 =	vadd.s32 $0x5000, v1;
	v2 =	vld [tilespmem:$0xA750]  }
0xe7: {  	v1 =	vadd.s32 $0x7800, v1;
	_ =	sdelay $0x3  }
0xe8: {  	[tilespmem:v3+s2+$0x0] =	vst.idx.add.f32.msk $0xffff, v2  }
0xe9: {  	[tilespmem:v1+s2+$0x0] =	vst.idx.add.f32.msk $0xffff, v0  }
0xea: {  	v1 =	vld [tilespmem:$0xA160];
	_ =	sdelay $0x2  }
0xeb: {  	v2 =	vld [tilespmem:$0xA360];
	_ =	sdelay $0x4  }
0xec: {  	[tilespmem:v1+s2+$0x0] =	vst.idx.add.f32.msk $0xffff, v2  }
0xed: {  	v3 =	vadd.s32 $0x2800, v1;
	v2 =	vld [tilespmem:$0xA560];
	_ =	sdelay $0x4  }
0xee: {  	[tilespmem:v3+s2+$0x0] =	vst.idx.add.f32.msk $0xffff, v2  }
0xef: {  	v3 =	vadd.s32 $0x5000, v1;
	v2 =	vld [tilespmem:$0xA760]  }
0xf0: {  	v1 =	vadd.s32 $0x7800, v1;
	_ =	sdelay $0x3  }
0xf1: {  	[tilespmem:v3+s2+$0x0] =	vst.idx.add.f32.msk $0xffff, v2  }
0xf2: {  	[tilespmem:v1+s2+$0x0] =	vst.idx.add.f32.msk $0xffff, v0  }
0xf3: {  	v1 =	vld [tilespmem:$0xA170];
	_ =	sdelay $0x2  }
0xf4: {  	v2 =	vld [tilespmem:$0xA370];
	_ =	sdelay $0x4  }
0xf5: {  	[tilespmem:v1+s2+$0x0] =	vst.idx.add.f32.msk $0xffff, v2  }
0xf6: {  	v3 =	vadd.s32 $0x2800, v1;
	v2 =	vld [tilespmem:$0xA570];
	_ =	sdelay $0x4  }
0xf7: {  	[tilespmem:v3+s2+$0x0] =	vst.idx.add.f32.msk $0xffff, v2  }
0xf8: {  	v3 =	vadd.s32 $0x5000, v1;
	v2 =	vld [tilespmem:$0xA770]  }
0xf9: {  	v1 =	vadd.s32 $0x7800, v1;
	_ =	sdelay $0x3  }
0xfa: {  	[tilespmem:v3+s2+$0x0] =	vst.idx.add.f32.msk $0xffff, v2  }
0xfb: {  	[tilespmem:v1+s2+$0x0] =	vst.idx.add.f32.msk $0xffff, v0  }
0xfc: {  	v1 =	vld [tilespmem:$0xA180];
	_ =	sdelay $0x2  }
0xfd: {  	v2 =	vld [tilespmem:$0xA380];
	_ =	sdelay $0x4  }
0xfe: {  	[tilespmem:v1+s2+$0x0] =	vst.idx.add.f32.msk $0xffff, v2  }
0xff: {  	v3 =	vadd.s32 $0x2800, v1;
	v2 =	vld [tilespmem:$0xA580];
	_ =	sdelay $0x4  }
0x100: {  	[tilespmem:v3+s2+$0x0] =	vst.idx.add.f32.msk $0xffff, v2  }
0x101: {  	v3 =	vadd.s32 $0x5000, v1;
	v2 =	vld [tilespmem:$0xA780]  }
0x102: {  	p0 =	sne.s32 s18, $0x4B0;
	v1 =	vadd.s32 $0x7800, v1  }
.Ltmp0:
0x103: {  	_ = 	snop;
	(pc) =	sbr.rel @p0 .LBB2_2-.Ltmp0, $3  }
0x104: {  	_ =	sdelay $0x1  }
0x105: {  	[tilespmem:v3+s2+$0x0] =	vst.idx.add.f32.msk $0xffff, v2  }
0x106: {  	s18 =	sadd.s32 $0x32, s18;
	[tilespmem:v1+s2+$0x0] =	vst.idx.add.f32.msk $0xffff, v0  }
0x107: {  	s17 =	sadd.s32 $0x1, s17  }
0x108: {  	p0 =	sne.s32 s17, s5  }
.Ltmp1:
0x109: {  	_ = 	snop;
	(pc) =	sbr.rel @p0 .LBB2_1-.Ltmp1, $4  }
0x10a: {  	[hbm4b:s4+s15] =	stream.strided.scatter [tilespmem:s2], [sflag:$0x1], $0xA000, s16, s15, $0x38;
	[tilespmem:$0xA800] =	vst v63  }
0x10b: {  	_ =	swait.ge [sflag:s10], $0xA000  }
0x10c: {  	[sflag:s10] =	ssyncset.done $0x0  }
0x10d: {  	[sflag:s10] =	ssyncadd.s32 $0xFFFF6000  }
0x10e: {  	_ =	sfence.sel $0x180000  }
0x10f: {  	[bflag:$0x0] =	sbarrier.arrive $0xFFFF  }
0x110: {  	p0 =	sne.s32 s0, $0x0;
	_ =	strace $0x9000004A  }
0x111: {  	s0 =	sadd.s32 @!p0 $0x100000, s1;
	[bflag:$0x2] =	sbarrier.arrive $0xFFFF  }
0x112: {  	[sflag:s0] =	ssyncadd.tile.s32 @!p0 $0x1;
	_ =	shalt  }
.Lfunc_end2:
_tile_overlayer_lowered:
.L_overlay_start_2:
0x113: {  	(tag) =	ssettag $0x2  }
0x114: {  	s0 =	rddreg [dreg:$0x0];
	s2 =	stileid.u32  }
0x115: {  	s1 =	rddreg [dreg:$0x1];
	p0 =	sne.s32 s2, $0x0  }
0x116: {  	s3 =	rddreg [dreg:$0x2];
	[bflag:$0x3] =	sbarrier.arrive $0xFFFF;
	s2 =	simm.s32 @!p0 $0x1C01  }
0x117: {  	[timem:s3], [sflag:s2] =	dma.local @!p0 [hbm:s0], s1  }
0x118: {  	s0 =	simm.s32 @!p0 $0x1  }
0x119: {  	_ =	swait.ge @!p0 [sflag:s0], s1  }
0x11a: {  	s1 =	ssub.s32 @!p0 $0x0, s1;
	[sflag:s0] =	ssyncset.done @!p0 $0x0  }
0x11b: {  	[sflag:s0] =	ssyncadd.s32 @!p0 s1  }
0x11c: {  	[bflag:$0x3] =	sbarrier.arrive $0xFFFF  }
0x11d: {  	_ =	shalt  }

// kernel: kernel.8.cloned.1.call-start
scs
__scs_entry_jumppad:
0x0: {  	(pc) =	sbr.rel $0x88, $3  }
0x1: {  	(tag) =	ssettag $0x0;
	lr =	simm.s32 $0x1  }
0x2: {  	[smem:$0x3F93] =	sst lr;
	_ =	strace $0xD0000000  }
0x3: {  	_ = 	snop  }
0x4: {  	_ = 	snop  }
0x5: {  	_ = 	snop  }
0x6: {  	_ = 	snop  }
0x7: {  	_ = 	snop  }
__scs_overlays_trampoline_lowered:
0x8: {  	[smem:$0x3FA2] =	sst s0  }
0x9: {  	[smem:$0x3FA3] =	sst s1  }
0xa: {  	[smem:$0x3FA4] =	sst s2  }
0xb: {  	[smem:$0x3FA5] =	sst s3  }
0xc: {  	[smem:$0x3FA6] =	sst s4  }
0xd: {  	[smem:$0x3FA7] =	sst s5  }
0xe: {  	[smem:$0x3FA8] =	sst s6  }
0xf: {  	[smem:$0x3FA9] =	sst s7  }
0x10: {  	[smem:$0x3FAA] =	sst s8  }
0x11: {  	[smem:$0x3FAB] =	sst s9;
	s0 =	simm.s32 @!p0 $0x0  }
0x12: {  	s1 =	sld [smem:$0x3F91];
	s0 =	simm.s32 @p0 $0x1  }
0x13: {  	[smem:$0x3FAC] =	sst s0;
	s0 =	simm.s32 @!p1 $0x0  }
0x14: {  	s2 =	sld [smem:$0x3F90];
	s0 =	simm.s32 @p1 $0x1  }
0x15: {  	[smem:$0x3FAD] =	sst s0;
	s0 =	simm.s32 @!p2 $0x0  }
0x16: {  	s3 =	sld [smem:$0x3FDB];
	s0 =	simm.s32 @p2 $0x1  }
0x17: {  	s4 =	simm.s32 $0x1BF5;
	[smem:$0x3FAF] =	sst s0  }
0x18: {  	s0 =	sld [smem:$0x3F92];
	_ =	swait.ge [sflag:s4], $0x0  }
0x19: {  	s7 =	sld [smem:$0x3F93]  }
0x1a: {  	s8 =	sadd.s32 $0xFFFFE003, lr  }
0x1b: {  	s9 =	sadd.s32 $0xFFFFFEF7, lr;
	s5 =	simm.s32 $0xFFFFFFFF;
	p2 =	slt.u32 s8, $0xFFFFF086  }
0x1c: {  	p1 =	slt.u32 s9, $0xF7A;
	s5 =	simm.s32 @!p2 $0x0  }
0x1d: {  	s5 =	simm.s32 @p1 $0x1;
	p0 =	seq.s32 s7, s2  }
0x1e: {  	s7 =	smul.u32 @!p0 $0xF7A, s2;
	p2 =	seq.s32 @!p0 s5, $0x0  }
0x1f: {  	s9 =	smul.u32 $0xF7A, s1;
	s8 =	simm.s32 @!p0 $0x1BF5;
	p2 =	por !p2, p0  }
0x20: {  	[sflag:s8] =	ssyncset.s32 @!p0 $0xFFFFF086;
	s6 =	sadd.s32 @!p0 s3, s7;
	s7 =	simm.s32 @!p0 $0x108  }
0x21: {  	s3 =	sadd.s32 s3, s9;
	s6 =	sadd.s32 @!p0 $0x88, s6;
	s7 =	simm.s32 @p2 $0x1082  }
0x22: {  	[simem:s7], [sflag:s8] =	dma.local @!p0 [hbm:s6], $0xF7A  }
0x23: {  	s9 =	sor.u32 $0xD0000000, s2;
	s6 =	simm.s32 $0x108;
	_ =	swait.ge @!p0 [sflag:s8], $0x0  }
0x24: {  	s3 =	sadd.s32 $0x88, s3;
	s6 =	simm.s32 @!p1 $0x1082;
	[sflag:s4] =	ssyncset.s32 $0xFFFFF086  }
0x25: {  	[simem:s6], [sflag:s4] =	dma.local [hbm:s3], $0xF7A  }
0x26: {  	[smem:$0x3F93] =	sst s1;
	(tag) =	ssettag s2;
	_ =	strace s9  }
0x27: {  	s1 =	sld [smem:$0x3FA3]  }
0x28: {  	s2 =	sld [smem:$0x3FA4]  }
0x29: {  	s4 =	sld [smem:$0x3FA6]  }
0x2a: {  	p0 =	seq.s32 s5, $0x0;
	s5 =	sld [smem:$0x3FA7]  }
0x2b: {  	s6 =	sld [smem:$0x3FA8]  }
0x2c: {  	s7 =	sld [smem:$0x3FA9]  }
0x2d: {  	s3 =	simm.s32 $0x108;
	s8 =	sld [smem:$0x3FAA]  }
0x2e: {  	s3 =	simm.s32 @!p0 $0x1082;
	s9 =	sld [smem:$0x3FAB]  }
0x2f: {  	lr =	sadd.s32 s0, s3;
	s0 =	sld [smem:$0x3FA2]  }
0x30: {  	s3 =	sld [smem:$0x3FA5]  }
0x31: {  	[smem:$0x3FAE] =	sst s10  }
0x32: {  	s10 =	sld [smem:$0x3FAC];
	_ =	sdelay $0x3  }
0x33: {  	p0 =	seq.s32 s10, $0x1;
	s10 =	sld [smem:$0x3FAE];
	_ =	sdelay $0x3  }
0x34: {  	[smem:$0x3FAE] =	sst s10  }
0x35: {  	s10 =	sld [smem:$0x3FAD];
	_ =	sdelay $0x3  }
0x36: {  	p1 =	seq.s32 s10, $0x1;
	s10 =	sld [smem:$0x3FAE];
	_ =	sdelay $0x3  }
0x37: {  	[smem:$0x3FAE] =	sst s10  }
0x38: {  	s10 =	sld [smem:$0x3FAF]  }
0x39: {  	_ = 	snop;
	(pc) =	sbr.ind lr, $3  }
0x3a: {  	_ = 	snop  }
0x3b: {  	_ = 	snop  }
0x3c: {  	p2 =	seq.s32 s10, $0x1;
	s10 =	sld [smem:$0x3FAE]  }
0x3d: {  	_ =	shalt  }
0x3e: {  	_ =	shalt  }
0x3f: {  	_ =	shalt  }
0x40: {  	_ =	shalt  }
0x41: {  	_ =	shalt  }
0x42: {  	_ =	shalt  }
0x43: {  	_ =	shalt  }
0x44: {  	_ =	shalt  }
0x45: {  	_ =	shalt  }
0x46: {  	_ =	shalt  }
0x47: {  	_ =	shalt  }
0x48: {  	_ =	shalt  }
0x49: {  	_ =	shalt  }
0x4a: {  	_ =	shalt  }
0x4b: {  	_ =	shalt  }
0x4c: {  	_ =	shalt  }
0x4d: {  	_ =	shalt  }
0x4e: {  	_ =	shalt  }
0x4f: {  	_ =	shalt  }
0x50: {  	_ =	shalt  }
0x51: {  	_ =	shalt  }
0x52: {  	_ =	shalt  }
0x53: {  	_ =	shalt  }
0x54: {  	_ =	shalt  }
0x55: {  	_ =	shalt  }
0x56: {  	_ =	shalt  }
0x57: {  	_ =	shalt  }
0x58: {  	_ =	shalt  }
0x59: {  	_ =	shalt  }
0x5a: {  	_ =	shalt  }
0x5b: {  	_ =	shalt  }
0x5c: {  	_ =	shalt  }
0x5d: {  	_ =	shalt  }
0x5e: {  	_ =	shalt  }
0x5f: {  	_ =	shalt  }
0x60: {  	_ =	shalt  }
0x61: {  	_ =	shalt  }
0x62: {  	_ =	shalt  }
0x63: {  	_ =	shalt  }
0x64: {  	_ =	shalt  }
0x65: {  	_ =	shalt  }
0x66: {  	_ =	shalt  }
0x67: {  	_ =	shalt  }
0x68: {  	_ =	shalt  }
0x69: {  	_ =	shalt  }
0x6a: {  	_ =	shalt  }
0x6b: {  	_ =	shalt  }
0x6c: {  	_ =	shalt  }
0x6d: {  	_ =	shalt  }
0x6e: {  	_ =	shalt  }
0x6f: {  	_ =	shalt  }
0x70: {  	_ =	shalt  }
0x71: {  	_ =	shalt  }
0x72: {  	_ =	shalt  }
0x73: {  	_ =	shalt  }
0x74: {  	_ =	shalt  }
0x75: {  	_ =	shalt  }
0x76: {  	_ =	shalt  }
0x77: {  	_ =	shalt  }
0x78: {  	_ =	shalt  }
0x79: {  	_ =	shalt  }
0x7a: {  	_ =	shalt  }
0x7b: {  	_ =	shalt  }
0x7c: {  	_ =	shalt  }
0x7d: {  	_ =	shalt  }
0x7e: {  	_ =	shalt  }
0x7f: {  	_ =	shalt  }
0x80: {  	_ =	shalt  }
0x81: {  	_ =	shalt  }
0x82: {  	_ =	shalt  }
0x83: {  	_ =	shalt  }
0x84: {  	_ =	shalt  }
0x85: {  	_ =	shalt  }
0x86: {  	_ =	shalt  }
0x87: {  	_ =	shalt  }
.Lfunc_end0:
.L_simem_size_0:
called_computation_lowered:
.L_overlay_start_0:
0x88: {  	s2 =	sld [smem:$0x3FD9]  }
0x89: {  	s3 =	sld [smem:$0x3FFE];
	_ =	sdelay $0x1  }
0x8a: {  	s1 =	srdreg.scid  }
0x8b: {  	s0 =	sand.u32 $0x1, s1  }
0x8c: {  	s14 =	sshll.u32 s0, $0xA;
	s2 =	sadd.s32 s3, s2  }
0x8d: {  	s2 =	sadd.s32 s2, s14  }
0x8e: {  	[smem:$0x3FBA] =	sst s2  }
0x8f: {  	_ = 	snop  }
0x90: {  	s2 =	sld [smem:$0x3FD0];
	_ =	sdelay $0x2  }
0x91: {  	s15 =	simm.s32 $0xB;
	s4 =	simm.s32 $0x10  }
0x92: {  	[smem:s4], [sflag:s15] =	dma.local [hbm:s2], $0x1  }
0x93: {  	_ =	swait.eq [sflag:s15], $0x1  }
0x94: {  	[sflag:s15] =	ssyncset.done $0x0  }
0x95: {  	s16 =	sld [smem:$0x10];
	[sflag:s15] =	ssyncadd.s32 $0xFFFFFFFF  }
0x96: {  	s17 =	sld [smem:$0x11];
	(tm) =	ssettm $0x1  }
0x97: {  	s18 =	sld [smem:$0x3FFB];
	_ =	sdelay $0x3  }
0x98: {  	_ =	strace s18  }
0x99: {  	s4 =	sld [smem:$0x3FFC];
	_ =	sdelay $0x3  }
0x9a: {  	_ =	strace s4  }
0x9b: {  	s4 =	sld [smem:$0x3FFD];
	_ =	sdelay $0x3  }
0x9c: {  	_ =	strace s4  }
0x9d: {  	_ =	strace $0x8FFFFFFF  }
0x9e: {  	s19 =	sld [smem:$0x3FDB];
	_ =	sdelay $0x1  }
0x9f: {  	s5 =	simm.s32 $_scs_section_size  }
0xa0: {  	s6 =	simm.s32 $_size__tile_overlayer_lowered;
	s7 =	simm.s32 $_tile_overlayer_lowered  }
0xa1: {  	s22 =	simm.s32 $0x1BFF;
	s21 =	sshll.u32 s7, $0x1;
	s4 =	sadd.s32 s5, s19  }
0xa2: {  	s8 =	simm.s32 $0x0;
	s20 =	sshll.u32 s6, $0x1;
	s6 =	sadd.s32 s21, s4  }
0xa3: {  	[timem:s8], [sflag:s22] =	dma.local [hbm:s6], s20  }
0xa4: {  	_ =	swait.ge [sflag:s22], s20  }
0xa5: {  	s5 =	ssub.s32 $0x0, s20;
	[sflag:s22] =	ssyncset.done $0x0  }
0xa6: {  	[sflag:s22] =	ssyncadd.s32 s5;
	_ =	sdelay $0x1  }
0xa7: {  	s23 =	simm.s32 $0x1B8B  }
0xa8: {  	_ =	swait.ge [sflag:s23], $0x1  }
0xa9: {  	[sflag:s23] =	ssyncset.done $0x0  }
0xaa: {  	s25 =	simm.s32 $0x1B8E;
	s24 =	sld [smem:$0x3FFE];
	[sflag:s23] =	ssyncadd.s32 $0xFFFFFFFF  }
0xab: {  	s26 =	simm.s32 $execute0_lowered;
	[smem:$0x3FD2] =	sst s25  }
0xac: {  	s6 =	sshll.u32 s26, $0x1;
	_ =	strace $0x80000046;
	[dreg:$0x1] =	wrdreg $0xFFFFFFFF  }
0xad: {  	s28 =	simm.s32 $_size_execute0_lowered;
	s4 =	sadd.s32 s4, s6;
	[dreg:$0x0] =	wrdreg $0x0  }
0xae: {  	s6 =	sshll.u32 s28, $0x1;
	[dreg:$0x2] =	wrdreg s4  }
0xaf: {  	[dreg:$0x3] =	wrdreg s6  }
0xb0: {  	[dreg:$0x4] =	wrdreg $0xC0  }
0xb1: {  	_ =	task [dreg:s8], $0x5FFFF  }
0xb2: {  	[dreg:$0x1] =	wrdreg $0xFFFFFFFF  }
0xb3: {  	[dreg:$0x0] =	wrdreg $0x60  }
0xb4: {  	[dreg:$0x2] =	wrdreg s24  }
0xb5: {  	[dreg:$0x3] =	wrdreg s17  }
0xb6: {  	[dreg:$0x4] =	wrdreg s16  }
0xb7: {  	[dreg:$0x5] =	wrdreg $0x9  }
0xb8: {  	_ =	task.clear_ibuf [dreg:s8], $0x6FFFF;
	_ =	strace $0x90000046  }
0xb9: {  	s29 =	simm.s32 $0x9;
	_ =	strace $0x80000048  }
0xba: {  	_ =	swait.ge [sflag:s29], $0x1  }
0xbb: {  	[sflag:s29] =	ssyncadd.s32 $0xFFFFFFFF  }
0xbc: {  	_ =	strace $0x90000048  }
0xbd: {  	_ =	sfence  }
0xbe: {  	s30 =	sld [smem:$0x0];
	_ =	sdelay $0x2  }
0xbf: {  	s31 =	sshll.u32 s1, $0xD;
	s1 =	sshrl.u32 s1, $0x2  }
0xc0: {  	s3 =	sand.u32 $0x4000, s31;
	s1 =	sadd.s32 s1, s30  }
0xc1: {  	s0 =	sor.u32 s3, s0;
	s1 =	sshll.u32 s1, $0x11  }
0xc2: {  	s0 =	sor.u32 s1, s0  }
0xc3: {  	s0 =	sadd.s32 $0x8F2B, s0  }
0xc4: {  	[sflag:s0] =	ssyncadd.remote.s32 $0x1  }
0xc5: {  	_ =	sfence.sel $0xFFFF  }
0xc6: {  	[dreg:$0x0] =	wrdreg $0xFFFFFFFF;
	(pc) =	sbr.abs _section_cstart, $3  }
0xc7: {  	[dreg:$0x1] =	wrdreg $0xFFFFFFFF  }
0xc8: {  	_ =	task.clear_ibuf [dreg:s8], $0x2FFFF;
	_ =	strace $0x9FFFFFFF  }
0xc9: {  	(tm) =	ssettm $0x7FFFFFFF  }
tec
execute0_lowered:
.L_overlay_start_1:
0x0: {  	(tag) =	ssettag $0x1  }
0x1: {  	s0 =	rddreg [dreg:$0x0]  }
0x2: {  	s1 =	rddreg [dreg:$0x2]  }
0x3: {  	s3 =	simm.s32 $0x0;
	s2 =	srdreg.scid;
	s4 =	stileid.u32  }
0x4: {  	s17 =	simm.s32 $0xEF00;
	s18 =	simm.s32 $0x5;
	s19 =	simm.s32 $0x11680  }
0x5: {  	s20 =	simm.s32 $0x13E00;
	s21 =	simm.s32 $0x2780;
	s22 =	simm.s32 $0x50  }
0x6: {  	s28 =	simm.s32 $0x1;
	s29 =	simm.s32 $0x2;
	s30 =	simm.s32 $0x3  }
0x7: {  	s31 =	simm.s32 $0x4;
	[smem:$0x7FF] =	sst s3;
	s2 =	sand.u32 $0x1, s2  }
0x8: {  	s4 =	sshll.u32 s4, $0x1;
	s5 =	sadd.s32 $0x5DE00, s0;
	s8 =	sadd.s32 $0xD800, s0  }
0x9: {  	s23 =	sadd.s32 $0xD200, s0;
	s9 =	sadd.s32 $0xA3800, s0;
	s7 =	sor.u32 s2, s4  }
0xa: {  	_ =	strace $0x80000047;
	s4 =	sadd.s32 $0x35E00, s0;
	s6 =	smul.u32 $0x2710, s7  }
0xb: {  	[dreg:$0x4] =	wrdreg s8;
	s2 =	ssub.s32 $0x2, s2;
	s7 =	smul.u32 $0x138800, s7  }
0xc: {  	[dreg:$0x5] =	wrdreg s23;
	s23 =	simm.s32 $0x4F00;
	s10 =	sshrl.u32 s2, $0x1  }
0xd: {  	s2 =	ssub.s32 s2, s10;
	s24 =	sshrl.u32 s6, $0x3;
	s7 =	sshrl.u32 s7, $0x3  }
0xe: {  	s16 =	smax.u32 s2, $0x1;
	s0 =	sadd.s32 s24, s0;
	s1 =	sadd.s32 s1, s24  }
0xf: {  	s25 =	sadd.s32 s9, s7;
	s24 =	simm.s32 $0x7700;
	[dreg:$0x6] =	wrdreg s1  }
0x10: {  	s26 =	sadd.s32 $0x3400, s0;
	s12 =	sadd.s32 $0x26C00, s25;
	s13 =	sadd.s32 $0x85E00, s0  }
0x11: {  	s14 =	sadd.s32 $0x8FC00, s0;
	s15 =	sadd.s32 $0x99A00, s0;
	s25 =	simm.s32 $0x9F00  }
0x12: {  	s0 =	simm.s32 $0x0;
	[dreg:$0x7] =	wrdreg s26;
	s26 =	simm.s32 $0xC700  }
.LBB2_1:
0x13: {  	s1 =	rddreg [dreg:$0x4]  }
0x14: {  	[tilespmem:s17], [sflag:$0x5] =	stream.linear.gather [hbm4b:s1+s3], $0x2780, $0x38;
	[tilespmem:$0x1DC00] =	vst v63  }
0x15: {  	_ =	swait.ge [sflag:s18], $0x2780  }
0x16: {  	[sflag:s18] =	ssyncset.done $0x0  }
0x17: {  	s7 =	rddreg [dreg:$0x5];
	[sflag:s18] =	ssyncadd.s32 $0xFFFFD880  }
0x18: {  	[tilespmem:s19], [sflag:$0x5] =	stream.linear.gather [hbm4b:s7+s3], $0x2780, $0x38;
	[tilespmem:$0x1DC00] =	vst v63  }
0x19: {  	_ =	swait.ge [sflag:s18], $0x2780  }
0x1a: {  	[sflag:s18] =	ssyncset.done $0x0  }
0x1b: {  	[sflag:s18] =	ssyncadd.s32 $0xFFFFD880  }
0x1c: {  	s8 =	rddreg [dreg:$0x1]  }
0x1d: {  	[tilespmem:s20], [sflag:$0x5] =	stream.linear.gather [hbm4b:s8+s3], $0x2780, $0x38;
	[tilespmem:$0x1DC00] =	vst v63  }
0x1e: {  	_ =	swait.ge [sflag:s18], $0x2780  }
0x1f: {  	[sflag:s18] =	ssyncset.done $0x0  }
0x20: {  	s10 =	rddreg [dreg:$0x6];
	[sflag:s18] =	ssyncadd.s32 $0xFFFFD880  }
0x21: {  	[tilespmem:s3], [sflag:$0x5] =	stream.linear.gather [hbm4b:s10+s3], $0x2710, $0x38;
	[tilespmem:$0x1DC00] =	vst v63  }
0x22: {  	_ =	swait.ge [sflag:s18], $0x2710  }
0x23: {  	[sflag:s18] =	ssyncset.done $0x0  }
0x24: {  	s11 =	rddreg [dreg:$0x7];
	[sflag:s18] =	ssyncadd.s32 $0xFFFFD8F0  }
0x25: {  	[tilespmem:s21], [sflag:$0x5] =	stream.linear.gather [hbm4b:s11+s3], $0x2710, $0x38;
	[tilespmem:$0x1DC00] =	vst v63  }
0x26: {  	_ =	swait.ge [sflag:s18], $0x2710  }
0x27: {  	[sflag:s18] =	ssyncset.done $0x0  }
0x28: {  	[sflag:s18] =	ssyncadd.s32 $0xFFFFD8F0  }
0x29: {  	[tilespmem:s23], [sflag:$0x1] =	stream.indirect.gather [hbm4b:s4+s22], $0x80, s3, s22, $0xb8;
	[tilespmem:$0x1DC00] =	vst v63  }
0x2a: {  	s2 =	simm.s32 $0x0  }
0x2b: {  	[tilespmem:s24], [sflag:$0x2] =	stream.indirect.gather [hbm4b:s5+s22], $0x80, s21, s22, $0xb8;
	[tilespmem:$0x1DC00] =	vst v63  }
.LBB2_2:
0x2c: {  	s7 =	smul.u32 $0xA0, s2;
	_ =	sdelay $0x1  }
0x2d: {  	s1 =	sadd.s32 $0x50, s7  }
0x2e: {  	[tilespmem:s25], [sflag:$0x3] =	stream.indirect.gather [hbm4b:s4+s22], $0x80, s1, s22, $0xb8;
	[tilespmem:$0x1DC00] =	vst v63  }
0x2f: {  	s8 =	sadd.s32 $0x27D0, s7  }
0x30: {  	[tilespmem:s26], [sflag:$0x4] =	stream.indirect.gather [hbm4b:s5+s22], $0x80, s8, s22, $0xb8;
	[tilespmem:$0x1DC00] =	vst v63  }
0x31: {  	_ =	swait.ge [sflag:s28], $0x2800  }
0x32: {  	[sflag:s28] =	ssyncset.done $0x0  }
0x33: {  	[sflag:s28] =	ssyncadd.s32 $0xFFFFD800  }
0x34: {  	_ =	swait.ge [sflag:s29], $0x2800  }
0x35: {  	[sflag:s29] =	ssyncset.done $0x0  }
0x36: {  	[sflag:s29] =	ssyncadd.s32 $0xFFFFD800  }
0x37: {  	v0 =	vld [tilespmem:s7+$0x2780]  }
0x38: {  	v1 =	vld [tilespmem:s7+$0x0];
	_ =	sdelay $0x6  }
0x39: {  	v2 =	vld.idx.msk [tilespmem:v0+s17+$0x0], $0xffff  }
0x3a: {  	v3 =	vld.idx.msk [tilespmem:v1+s17+$0x0], $0xffff;
	_ =	sdelay $0x4  }
0x3b: {  	v2 =	vsub.f32 v2, v3;
	_ =	sdelay $0x1  }
0x3c: {  	[tilespmem:s7+$0x16580] =	vst v2  }
0x3d: {  	v2 =	vld.idx.msk [tilespmem:v0+s19+$0x0], $0xffff  }
0x3e: {  	v3 =	vld.idx.msk [tilespmem:v1+s19+$0x0], $0xffff;
	_ =	sdelay $0x4  }
0x3f: {  	v2 =	vsub.f32 v2, v3;
	_ =	sdelay $0x1  }
0x40: {  	[tilespmem:s7+$0x18D00] =	vst v2;
	v2 =	vld [tilespmem:s7+$0x2790]  }
0x41: {  	v0 =	vld.idx.msk [tilespmem:v0+s20+$0x0], $0xffff  }
0x42: {  	v1 =	vld.idx.msk [tilespmem:v1+s20+$0x0], $0xffff  }
0x43: {  	v3 =	vld [tilespmem:s7+$0x10];
	_ =	sdelay $0x3  }
0x44: {  	v0 =	vsub.f32 v0, v1;
	_ =	sdelay $0x1  }
0x45: {  	[tilespmem:s7+$0x1B480] =	vst v0  }
0x46: {  	v0 =	vld.idx.msk [tilespmem:v2+s17+$0x0], $0xffff  }
0x47: {  	v1 =	vld.idx.msk [tilespmem:v3+s17+$0x0], $0xffff;
	_ =	sdelay $0x4  }
0x48: {  	v0 =	vsub.f32 v0, v1;
	_ =	sdelay $0x1  }
0x49: {  	[tilespmem:s7+$0x16590] =	vst v0  }
0x4a: {  	v0 =	vld.idx.msk [tilespmem:v2+s19+$0x0], $0xffff  }
0x4b: {  	v1 =	vld.idx.msk [tilespmem:v3+s19+$0x0], $0xffff;
	_ =	sdelay $0x4  }
0x4c: {  	v0 =	vsub.f32 v0, v1;
	_ =	sdelay $0x1  }
0x4d: {  	[tilespmem:s7+$0x18D10] =	vst v0  }
0x4e: {  	v0 =	vld.idx.msk [tilespmem:v2+s20+$0x0], $0xffff  }
0x4f: {  	v1 =	vld.idx.msk [tilespmem:v3+s20+$0x0], $0xffff  }
0x50: {  	v2 =	vld [tilespmem:s7+$0x27A0]  }
0x51: {  	v3 =	vld [tilespmem:s7+$0x20];
	_ =	sdelay $0x3  }
0x52: {  	v0 =	vsub.f32 v0, v1;
	_ =	sdelay $0x1  }
0x53: {  	[tilespmem:s7+$0x1B490] =	vst v0  }
0x54: {  	v0 =	vld.idx.msk [tilespmem:v2+s17+$0x0], $0xffff  }
0x55: {  	v1 =	vld.idx.msk [tilespmem:v3+s17+$0x0], $0xffff;
	_ =	sdelay $0x4  }
0x56: {  	v0 =	vsub.f32 v0, v1;
	_ =	sdelay $0x1  }
0x57: {  	[tilespmem:s7+$0x165A0] =	vst v0  }
0x58: {  	v0 =	vld.idx.msk [tilespmem:v2+s19+$0x0], $0xffff  }
0x59: {  	v1 =	vld.idx.msk [tilespmem:v3+s19+$0x0], $0xffff;
	_ =	sdelay $0x4  }
0x5a: {  	v0 =	vsub.f32 v0, v1;
	_ =	sdelay $0x1  }
0x5b: {  	[tilespmem:s7+$0x18D20] =	vst v0  }
0x5c: {  	v0 =	vld.idx.msk [tilespmem:v2+s20+$0x0], $0xffff  }
0x5d: {  	v1 =	vld.idx.msk [tilespmem:v3+s20+$0x0], $0xffff  }
0x5e: {  	v2 =	vld [tilespmem:s7+$0x27B0]  }
0x5f: {  	v3 =	vld [tilespmem:s7+$0x30];
	_ =	sdelay $0x3  }
0x60: {  	v0 =	vsub.f32 v0, v1;
	_ =	sdelay $0x1  }
0x61: {  	[tilespmem:s7+$0x1B4A0] =	vst v0  }
0x62: {  	v0 =	vld.idx.msk [tilespmem:v2+s17+$0x0], $0xffff  }
0x63: {  	v1 =	vld.idx.msk [tilespmem:v3+s17+$0x0], $0xffff;
	_ =	sdelay $0x4  }
0x64: {  	v0 =	vsub.f32 v0, v1;
	_ =	sdelay $0x1  }
0x65: {  	[tilespmem:s7+$0x165B0] =	vst v0  }
0x66: {  	v0 =	vld.idx.msk [tilespmem:v2+s19+$0x0], $0xffff  }
0x67: {  	v1 =	vld.idx.msk [tilespmem:v3+s19+$0x0], $0xffff;
	_ =	sdelay $0x4  }
0x68: {  	v0 =	vsub.f32 v0, v1;
	_ =	sdelay $0x1  }
0x69: {  	[tilespmem:s7+$0x18D30] =	vst v0  }
0x6a: {  	v0 =	vld.idx.msk [tilespmem:v2+s20+$0x0], $0xffff  }
0x6b: {  	v1 =	vld.idx.msk [tilespmem:v3+s20+$0x0], $0xffff  }
0x6c: {  	v2 =	vld [tilespmem:s7+$0x27C0]  }
0x6d: {  	v3 =	vld [tilespmem:s7+$0x40];
	_ =	sdelay $0x3  }
0x6e: {  	v0 =	vsub.f32 v0, v1;
	_ =	sdelay $0x1  }
0x6f: {  	[tilespmem:s7+$0x1B4B0] =	vst v0  }
0x70: {  	v0 =	vld.idx.msk [tilespmem:v2+s17+$0x0], $0xffff  }
0x71: {  	v1 =	vld.idx.msk [tilespmem:v3+s17+$0x0], $0xffff;
	_ =	sdelay $0x4  }
0x72: {  	v0 =	vsub.f32 v0, v1;
	_ =	sdelay $0x1  }
0x73: {  	[tilespmem:s7+$0x165C0] =	vst v0  }
0x74: {  	v0 =	vld.idx.msk [tilespmem:v2+s19+$0x0], $0xffff  }
0x75: {  	v1 =	vld.idx.msk [tilespmem:v3+s19+$0x0], $0xffff;
	_ =	sdelay $0x4  }
0x76: {  	v0 =	vsub.f32 v0, v1;
	_ =	sdelay $0x1  }
0x77: {  	[tilespmem:s7+$0x18D40] =	vst v0  }
0x78: {  	v0 =	vld.idx.msk [tilespmem:v2+s20+$0x0], $0xffff  }
0x79: {  	v1 =	vld.idx.msk [tilespmem:v3+s20+$0x0], $0xffff;
	_ =	sdelay $0x4  }
0x7a: {  	v0 =	vsub.f32 v0, v1;
	_ =	sdelay $0x1  }
0x7b: {  	s8 =	simm.s32 $0x0;
	[tilespmem:s7+$0x1B4C0] =	vst v0  }
0x7c: {  	v7 =	vld [tilespmem:s8+$0x7700]  }
0x7d: {  	v11 =	vld [tilespmem:s8+$0x7710]  }
0x7e: {  	v5 =	vld [tilespmem:s8+$0x7720]  }
0x7f: {  	v4 =	vld [tilespmem:s8+$0x7730]  }
0x80: {  	v3 =	vld [tilespmem:s8+$0x7740]  }
0x81: {  	v2 =	vld [tilespmem:s8+$0x7750]  }
0x82: {  	v1 =	vld [tilespmem:s8+$0x7760]  }
0x83: {  	v0 =	vld [tilespmem:s8+$0x7770]  }
0x84: {  	v12 =	vld [tilespmem:s8+$0x4F00]  }
0x85: {  	v13 =	vld [tilespmem:s8+$0x4F10]  }
0x86: {  	v10 =	vld [tilespmem:s8+$0x4F20]  }
0x87: {  	v9 =	vld [tilespmem:s8+$0x4F30]  }
0x88: {  	v8 =	vld [tilespmem:s8+$0x4F40]  }
0x89: {  	v6 =	vld [tilespmem:s8+$0x4F50];
	v12 =	vadd.f32 v7, v12  }
0x8a: {  	s10 =	simm.s32 $0x200;
	v11 =	vadd.f32 v11, v13;
	v7 =	vld [tilespmem:s8+$0x4F60]  }
.LBB2_3:
0x8b: {  	s11 =	sshra.s32 s10, $0x2;
	p0 =	sne.s32 s10, $0x9E00;
	[tilespmem:s8+$0x4F00] =	vst v12;
	v5 =	vadd.f32 v5, v10;
	v10 =	vld [tilespmem:s8+$0x4F70]  }
0x8c: {  	v12 =	vld [tilespmem:s11+$0x7700];
	[tilespmem:s8+$0x4F10] =	vst v11;
	v4 =	vadd.f32 v4, v9  }
0x8d: {  	v11 =	vld [tilespmem:s11+$0x7710];
	[tilespmem:s8+$0x4F20] =	vst v5;
	v3 =	vadd.f32 v3, v8  }
0x8e: {  	v5 =	vld [tilespmem:s11+$0x7720];
	[tilespmem:s8+$0x4F30] =	vst v4;
	v2 =	vadd.f32 v2, v6  }
0x8f: {  	v4 =	vld [tilespmem:s11+$0x7730];
	[tilespmem:s8+$0x4F40] =	vst v3;
	v1 =	vadd.f32 v1, v7  }
0x90: {  	v3 =	vld [tilespmem:s11+$0x7740];
	[tilespmem:s8+$0x4F50] =	vst v2;
	v0 =	vadd.f32 v0, v10  }
0x91: {  	v2 =	vld [tilespmem:s11+$0x7750];
	[tilespmem:s8+$0x4F60] =	vst v1  }
0x92: {  	v1 =	vld [tilespmem:s11+$0x7760];
	[tilespmem:s8+$0x4F70] =	vst v0;
	s8 =	smov.u32 s11  }
0x93: {  	v0 =	vld [tilespmem:s8+$0x7770]  }
0x94: {  	v6 =	vld [tilespmem:s8+$0x4F00]  }
0x95: {  	v7 =	vld [tilespmem:s8+$0x4F10]  }
.Ltmp0:
0x96: {  	v10 =	vld [tilespmem:s8+$0x4F20];
	(pc) =	sbr.rel @p0 .LBB2_3-.Ltmp0, $4  }
0x97: {  	v9 =	vld [tilespmem:s8+$0x4F30]  }
0x98: {  	v8 =	vld [tilespmem:s8+$0x4F40]  }
0x99: {  	v12 =	vadd.f32 v12, v6;
	v6 =	vld [tilespmem:s8+$0x4F50]  }
0x9a: {  	s10 =	sadd.s32 $0x200, s10;
	v11 =	vadd.f32 v11, v7;
	v7 =	vld [tilespmem:s8+$0x4F60]  }
0x9b: {  	[tilespmem:s8+$0x4F00] =	vst v12;
	v5 =	vadd.f32 v5, v10;
	v10 =	vld [tilespmem:s8+$0x4F70]  }
0x9c: {  	[tilespmem:s8+$0x4F10] =	vst v11;
	v4 =	vadd.f32 v4, v9  }
0x9d: {  	[tilespmem:s8+$0x4F20] =	vst v5;
	v3 =	vadd.f32 v3, v8  }
0x9e: {  	[tilespmem:s8+$0x4F30] =	vst v4;
	v2 =	vadd.f32 v2, v6  }
0x9f: {  	[tilespmem:s8+$0x4F40] =	vst v3;
	v1 =	vadd.f32 v1, v7  }
0xa0: {  	s10 =	sadd.s32 s6, s7;
	[tilespmem:s8+$0x4F50] =	vst v2;
	v0 =	vadd.f32 v0, v10  }
0xa1: {  	s10 =	sshll.u32 s10, $0x4;
	[tilespmem:s8+$0x4F60] =	vst v1  }
0xa2: {  	s11 =	simm.s32 $0x0;
	s10 =	sadd.s32 s9, s10;
	[tilespmem:s8+$0x4F70] =	vst v0  }
0xa3: {  	[hbm4b:s10+s11] =	stream.linear.scatter [tilespmem:s23], [sflag:$0x5], $0x2800, $0x38;
	[tilespmem:$0x1DC00] =	vst v63  }
0xa4: {  	_ =	swait.ge [sflag:s18], $0x2800  }
0xa5: {  	[sflag:s18] =	ssyncset.done $0x0  }
0xa6: {  	s11 =	sadd.s32 $0xA0, s7;
	[sflag:s18] =	ssyncadd.s32 $0xFFFFD800  }
0xa7: {  	[tilespmem:s23], [sflag:$0x1] =	stream.indirect.gather [hbm4b:s4+s22], $0x80, s11, s22, $0xb8;
	[tilespmem:$0x1DC00] =	vst v63  }
0xa8: {  	s10 =	sadd.s32 $0x2820, s7  }
0xa9: {  	[tilespmem:s24], [sflag:$0x2] =	stream.indirect.gather [hbm4b:s5+s22], $0x80, s10, s22, $0xb8;
	[tilespmem:$0x1DC00] =	vst v63  }
0xaa: {  	_ =	swait.ge [sflag:s30], $0x2800  }
0xab: {  	[sflag:s30] =	ssyncset.done $0x0  }
0xac: {  	[sflag:s30] =	ssyncadd.s32 $0xFFFFD800  }
0xad: {  	_ =	swait.ge [sflag:s31], $0x2800  }
0xae: {  	[sflag:s31] =	ssyncset.done $0x0  }
0xaf: {  	[sflag:s31] =	ssyncadd.s32 $0xFFFFD800  }
0xb0: {  	v0 =	vld [tilespmem:s1+$0x2780]  }
0xb1: {  	v1 =	vld [tilespmem:s7+$0x50];
	_ =	sdelay $0x6  }
0xb2: {  	v2 =	vld.idx.msk [tilespmem:v0+s17+$0x0], $0xffff  }
0xb3: {  	v3 =	vld.idx.msk [tilespmem:v1+s17+$0x0], $0xffff;
	_ =	sdelay $0x4  }
0xb4: {  	v2 =	vsub.f32 v2, v3;
	_ =	sdelay $0x1  }
0xb5: {  	[tilespmem:s1+$0x16580] =	vst v2  }
0xb6: {  	v2 =	vld.idx.msk [tilespmem:v0+s19+$0x0], $0xffff  }
0xb7: {  	v3 =	vld.idx.msk [tilespmem:v1+s19+$0x0], $0xffff;
	_ =	sdelay $0x4  }
0xb8: {  	v2 =	vsub.f32 v2, v3;
	_ =	sdelay $0x1  }
0xb9: {  	[tilespmem:s1+$0x18D00] =	vst v2  }
0xba: {  	v0 =	vld.idx.msk [tilespmem:v0+s20+$0x0], $0xffff  }
0xbb: {  	v1 =	vld.idx.msk [tilespmem:v1+s20+$0x0], $0xffff;
	_ =	sdelay $0x4  }
0xbc: {  	v0 =	vsub.f32 v0, v1;
	_ =	sdelay $0x1  }
0xbd: {  	[tilespmem:s1+$0x1B480] =	vst v0  }
0xbe: {  	v0 =	vld [tilespmem:s7+$0x27E0]  }
0xbf: {  	v1 =	vld [tilespmem:s7+$0x60];
	_ =	sdelay $0x6  }
0xc0: {  	v2 =	vld.idx.msk [tilespmem:v0+s17+$0x0], $0xffff  }
0xc1: {  	v3 =	vld.idx.msk [tilespmem:v1+s17+$0x0], $0xffff;
	_ =	sdelay $0x4  }
0xc2: {  	v2 =	vsub.f32 v2, v3;
	_ =	sdelay $0x1  }
0xc3: {  	[tilespmem:s7+$0x165E0] =	vst v2  }
0xc4: {  	v2 =	vld.idx.msk [tilespmem:v0+s19+$0x0], $0xffff  }
0xc5: {  	v3 =	vld.idx.msk [tilespmem:v1+s19+$0x0], $0xffff;
	_ =	sdelay $0x4  }
0xc6: {  	v2 =	vsub.f32 v2, v3;
	_ =	sdelay $0x1  }
0xc7: {  	[tilespmem:s7+$0x18D60] =	vst v2;
	v2 =	vld [tilespmem:s7+$0x27F0]  }
0xc8: {  	v0 =	vld.idx.msk [tilespmem:v0+s20+$0x0], $0xffff  }
0xc9: {  	v1 =	vld.idx.msk [tilespmem:v1+s20+$0x0], $0xffff  }
0xca: {  	v3 =	vld [tilespmem:s7+$0x70];
	_ =	sdelay $0x3  }
0xcb: {  	v0 =	vsub.f32 v0, v1;
	_ =	sdelay $0x1  }
0xcc: {  	[tilespmem:s7+$0x1B4E0] =	vst v0  }
0xcd: {  	v0 =	vld.idx.msk [tilespmem:v2+s17+$0x0], $0xffff  }
0xce: {  	v1 =	vld.idx.msk [tilespmem:v3+s17+$0x0], $0xffff;
	_ =	sdelay $0x4  }
0xcf: {  	v0 =	vsub.f32 v0, v1;
	_ =	sdelay $0x1  }
0xd0: {  	[tilespmem:s7+$0x165F0] =	vst v0  }
0xd1: {  	v0 =	vld.idx.msk [tilespmem:v2+s19+$0x0], $0xffff  }
0xd2: {  	v1 =	vld.idx.msk [tilespmem:v3+s19+$0x0], $0xffff;
	_ =	sdelay $0x4  }
0xd3: {  	v0 =	vsub.f32 v0, v1;
	_ =	sdelay $0x1  }
0xd4: {  	[tilespmem:s7+$0x18D70] =	vst v0  }
0xd5: {  	v0 =	vld.idx.msk [tilespmem:v2+s20+$0x0], $0xffff  }
0xd6: {  	v1 =	vld.idx.msk [tilespmem:v3+s20+$0x0], $0xffff;
	_ =	sdelay $0x4  }
0xd7: {  	v0 =	vsub.f32 v0, v1;
	_ =	sdelay $0x1  }
0xd8: {  	s11 =	sand.u32 $0x3FE0, s7;
	[tilespmem:s7+$0x1B4F0] =	vst v0  }
0xd9: {  	v0 =	vld [tilespmem:s11+$0x2800]  }
0xda: {  	v1 =	vld [tilespmem:s11+$0x80];
	_ =	sdelay $0x6  }
0xdb: {  	v2 =	vld.idx.msk [tilespmem:v0+s17+$0x0], $0xffff  }
0xdc: {  	v3 =	vld.idx.msk [tilespmem:v1+s17+$0x0], $0xffff;
	_ =	sdelay $0x4  }
0xdd: {  	v2 =	vsub.f32 v2, v3;
	_ =	sdelay $0x1  }
0xde: {  	[tilespmem:s11+$0x16600] =	vst v2  }
0xdf: {  	v2 =	vld.idx.msk [tilespmem:v0+s19+$0x0], $0xffff  }
0xe0: {  	v3 =	vld.idx.msk [tilespmem:v1+s19+$0x0], $0xffff;
	_ =	sdelay $0x4  }
0xe1: {  	v2 =	vsub.f32 v2, v3;
	_ =	sdelay $0x1  }
0xe2: {  	[tilespmem:s11+$0x18D80] =	vst v2  }
0xe3: {  	v0 =	vld.idx.msk [tilespmem:v0+s20+$0x0], $0xffff  }
0xe4: {  	v1 =	vld.idx.msk [tilespmem:v1+s20+$0x0], $0xffff;
	_ =	sdelay $0x4  }
0xe5: {  	v0 =	vsub.f32 v0, v1;
	_ =	sdelay $0x1  }
0xe6: {  	[tilespmem:s11+$0x1B500] =	vst v0  }
0xe7: {  	v0 =	vld [tilespmem:s7+$0x2810]  }
0xe8: {  	v1 =	vld [tilespmem:s7+$0x90];
	_ =	sdelay $0x6  }
0xe9: {  	v2 =	vld.idx.msk [tilespmem:v0+s17+$0x0], $0xffff  }
0xea: {  	v3 =	vld.idx.msk [tilespmem:v1+s17+$0x0], $0xffff;
	_ =	sdelay $0x4  }
0xeb: {  	v2 =	vsub.f32 v2, v3;
	_ =	sdelay $0x1  }
0xec: {  	[tilespmem:s7+$0x16610] =	vst v2  }
0xed: {  	v2 =	vld.idx.msk [tilespmem:v0+s19+$0x0], $0xffff  }
0xee: {  	v3 =	vld.idx.msk [tilespmem:v1+s19+$0x0], $0xffff;
	_ =	sdelay $0x4  }
0xef: {  	v2 =	vsub.f32 v2, v3;
	_ =	sdelay $0x1  }
0xf0: {  	[tilespmem:s7+$0x18D90] =	vst v2  }
0xf1: {  	v0 =	vld.idx.msk [tilespmem:v0+s20+$0x0], $0xffff  }
0xf2: {  	v1 =	vld.idx.msk [tilespmem:v1+s20+$0x0], $0xffff;
	_ =	sdelay $0x4  }
0xf3: {  	v0 =	vsub.f32 v0, v1;
	_ =	sdelay $0x1  }
0xf4: {  	[tilespmem:s7+$0x1B510] =	vst v0;
	s7 =	simm.s32 $0x0  }
0xf5: {  	v7 =	vld [tilespmem:s7+$0xC700]  }
0xf6: {  	v11 =	vld [tilespmem:s7+$0xC710]  }
0xf7: {  	v5 =	vld [tilespmem:s7+$0xC720]  }
0xf8: {  	v4 =	vld [tilespmem:s7+$0xC730]  }
0xf9: {  	v3 =	vld [tilespmem:s7+$0xC740]  }
0xfa: {  	v2 =	vld [tilespmem:s7+$0xC750]  }
0xfb: {  	v1 =	vld [tilespmem:s7+$0xC760]  }
0xfc: {  	v0 =	vld [tilespmem:s7+$0xC770]  }
0xfd: {  	v12 =	vld [tilespmem:s7+$0x9F00]  }
0xfe: {  	v13 =	vld [tilespmem:s7+$0x9F10]  }
0xff: {  	v10 =	vld [tilespmem:s7+$0x9F20]  }
0x100: {  	v9 =	vld [tilespmem:s7+$0x9F30]  }
0x101: {  	v8 =	vld [tilespmem:s7+$0x9F40]  }
0x102: {  	v6 =	vld [tilespmem:s7+$0x9F50];
	v12 =	vadd.f32 v7, v12  }
0x103: {  	s8 =	simm.s32 $0x200;
	v11 =	vadd.f32 v11, v13;
	v7 =	vld [tilespmem:s7+$0x9F60]  }
.LBB2_5:
0x104: {  	s10 =	sshra.s32 s8, $0x2;
	p0 =	sne.s32 s8, $0x9E00;
	[tilespmem:s7+$0x9F00] =	vst v12;
	v5 =	vadd.f32 v5, v10;
	v10 =	vld [tilespmem:s7+$0x9F70]  }
0x105: {  	v12 =	vld [tilespmem:s10+$0xC700];
	[tilespmem:s7+$0x9F10] =	vst v11;
	v4 =	vadd.f32 v4, v9  }
0x106: {  	v11 =	vld [tilespmem:s10+$0xC710];
	[tilespmem:s7+$0x9F20] =	vst v5;
	v3 =	vadd.f32 v3, v8  }
0x107: {  	v5 =	vld [tilespmem:s10+$0xC720];
	[tilespmem:s7+$0x9F30] =	vst v4;
	v2 =	vadd.f32 v2, v6  }
0x108: {  	v4 =	vld [tilespmem:s10+$0xC730];
	[tilespmem:s7+$0x9F40] =	vst v3;
	v1 =	vadd.f32 v1, v7  }
0x109: {  	v3 =	vld [tilespmem:s10+$0xC740];
	[tilespmem:s7+$0x9F50] =	vst v2;
	v0 =	vadd.f32 v0, v10  }
0x10a: {  	v2 =	vld [tilespmem:s10+$0xC750];
	[tilespmem:s7+$0x9F60] =	vst v1  }
0x10b: {  	v1 =	vld [tilespmem:s10+$0xC760];
	[tilespmem:s7+$0x9F70] =	vst v0;
	s7 =	smov.u32 s10  }
0x10c: {  	v0 =	vld [tilespmem:s7+$0xC770]  }
0x10d: {  	v6 =	vld [tilespmem:s7+$0x9F00]  }
0x10e: {  	v7 =	vld [tilespmem:s7+$0x9F10]  }
.Ltmp1:
0x10f: {  	v10 =	vld [tilespmem:s7+$0x9F20];
	(pc) =	sbr.rel @p0 .LBB2_5-.Ltmp1, $4  }
0x110: {  	v9 =	vld [tilespmem:s7+$0x9F30]  }
0x111: {  	v8 =	vld [tilespmem:s7+$0x9F40]  }
0x112: {  	v12 =	vadd.f32 v12, v6;
	v6 =	vld [tilespmem:s7+$0x9F50]  }
0x113: {  	s8 =	sadd.s32 $0x200, s8;
	v11 =	vadd.f32 v11, v7;
	v7 =	vld [tilespmem:s7+$0x9F60]  }
0x114: {  	[tilespmem:s7+$0x9F00] =	vst v12;
	v5 =	vadd.f32 v5, v10;
	v63 =	vld [tilespmem:s7+$0x9F70]  }
0x115: {  	[tilespmem:s7+$0x9F10] =	vst v11;
	v4 =	vadd.f32 v4, v9  }
0x116: {  	[tilespmem:s7+$0x9F20] =	vst v5;
	v3 =	vadd.f32 v3, v8  }
0x117: {  	[tilespmem:s7+$0x9F30] =	vst v4;
	v2 =	vadd.f32 v2, v6  }
0x118: {  	[tilespmem:s7+$0x9F40] =	vst v3;
	v1 =	vadd.f32 v1, v7  }
0x119: {  	s1 =	sadd.s32 s6, s1;
	s2 =	sadd.s32 $0x1, s2;
	[tilespmem:s7+$0x9F50] =	vst v2;
	v0 =	vadd.f32 v0, v63  }
0x11a: {  	s1 =	sshll.u32 s1, $0x4;
	p0 =	sne.s32 s2, $0x3E;
	[tilespmem:s7+$0x9F60] =	vst v1  }
.Ltmp2:
0x11b: {  	s1 =	sadd.s32 s9, s1;
	[tilespmem:s7+$0x9F70] =	vst v0;
	(pc) =	sbr.rel @p0 .LBB2_2-.Ltmp2, $4  }
0x11c: {  	[hbm4b:s1+s3] =	stream.linear.scatter [tilespmem:s25], [sflag:$0x5], $0x2800, $0x38;
	[tilespmem:$0x1DC00] =	vst v63  }
0x11d: {  	_ =	swait.ge [sflag:s18], $0x2800  }
0x11e: {  	[sflag:s18] =	ssyncset.done $0x0  }
0x11f: {  	[sflag:s18] =	ssyncadd.s32 $0xFFFFD800  }
0x120: {  	_ =	swait.ge [sflag:s28], $0x2800  }
0x121: {  	[sflag:s28] =	ssyncset.done $0x0  }
0x122: {  	[sflag:s28] =	ssyncadd.s32 $0xFFFFD800  }
0x123: {  	_ =	swait.ge [sflag:s29], $0x2800  }
0x124: {  	[sflag:s29] =	ssyncset.done $0x0  }
0x125: {  	[sflag:s29] =	ssyncadd.s32 $0xFFFFD800  }
0x126: {  	v0 =	vld [tilespmem:$0x4E40]  }
0x127: {  	v1 =	vld [tilespmem:$0x26C0];
	_ =	sdelay $0x6  }
0x128: {  	v2 =	vld.idx.msk [tilespmem:v0+s17+$0x0], $0xffff  }
0x129: {  	v3 =	vld.idx.msk [tilespmem:v1+s17+$0x0], $0xffff;
	_ =	sdelay $0x4  }
0x12a: {  	v2 =	vsub.f32 v2, v3;
	_ =	sdelay $0x1  }
0x12b: {  	[tilespmem:$0x18C40] =	vst v2  }
0x12c: {  	v2 =	vld.idx.msk [tilespmem:v0+s19+$0x0], $0xffff  }
0x12d: {  	v3 =	vld.idx.msk [tilespmem:v1+s19+$0x0], $0xffff;
	_ =	sdelay $0x4  }
0x12e: {  	v2 =	vsub.f32 v2, v3;
	_ =	sdelay $0x1  }
0x12f: {  	[tilespmem:$0x1B3C0] =	vst v2;
	v2 =	vld [tilespmem:$0x4E50]  }
0x130: {  	v0 =	vld.idx.msk [tilespmem:v0+s20+$0x0], $0xffff  }
0x131: {  	v1 =	vld.idx.msk [tilespmem:v1+s20+$0x0], $0xffff  }
0x132: {  	v3 =	vld [tilespmem:$0x26D0];
	_ =	sdelay $0x3  }
0x133: {  	v0 =	vsub.f32 v0, v1;
	_ =	sdelay $0x1  }
0x134: {  	[tilespmem:$0x1DB40] =	vst v0  }
0x135: {  	v0 =	vld.idx.msk [tilespmem:v2+s17+$0x0], $0xffff  }
0x136: {  	v1 =	vld.idx.msk [tilespmem:v3+s17+$0x0], $0xffff;
	_ =	sdelay $0x4  }
0x137: {  	v0 =	vsub.f32 v0, v1;
	_ =	sdelay $0x1  }
0x138: {  	[tilespmem:$0x18C50] =	vst v0  }
0x139: {  	v0 =	vld.idx.msk [tilespmem:v2+s19+$0x0], $0xffff  }
0x13a: {  	v1 =	vld.idx.msk [tilespmem:v3+s19+$0x0], $0xffff;
	_ =	sdelay $0x4  }
0x13b: {  	v0 =	vsub.f32 v0, v1;
	_ =	sdelay $0x1  }
0x13c: {  	[tilespmem:$0x1B3D0] =	vst v0  }
0x13d: {  	v0 =	vld.idx.msk [tilespmem:v2+s20+$0x0], $0xffff  }
0x13e: {  	v1 =	vld.idx.msk [tilespmem:v3+s20+$0x0], $0xffff  }
0x13f: {  	v2 =	vld [tilespmem:$0x4E60]  }
0x140: {  	v3 =	vld [tilespmem:$0x26E0];
	_ =	sdelay $0x3  }
0x141: {  	v0 =	vsub.f32 v0, v1;
	_ =	sdelay $0x1  }
0x142: {  	[tilespmem:$0x1DB50] =	vst v0  }
0x143: {  	v0 =	vld.idx.msk [tilespmem:v2+s17+$0x0], $0xffff  }
0x144: {  	v1 =	vld.idx.msk [tilespmem:v3+s17+$0x0], $0xffff;
	_ =	sdelay $0x4  }
0x145: {  	v0 =	vsub.f32 v0, v1;
	_ =	sdelay $0x1  }
0x146: {  	[tilespmem:$0x18C60] =	vst v0  }
0x147: {  	v0 =	vld.idx.msk [tilespmem:v2+s19+$0x0], $0xffff  }
0x148: {  	v1 =	vld.idx.msk [tilespmem:v3+s19+$0x0], $0xffff;
	_ =	sdelay $0x4  }
0x149: {  	v0 =	vsub.f32 v0, v1;
	_ =	sdelay $0x1  }
0x14a: {  	[tilespmem:$0x1B3E0] =	vst v0  }
0x14b: {  	v0 =	vld.idx.msk [tilespmem:v2+s20+$0x0], $0xffff  }
0x14c: {  	v1 =	vld.idx.msk [tilespmem:v3+s20+$0x0], $0xffff  }
0x14d: {  	v2 =	vld [tilespmem:$0x4E70]  }
0x14e: {  	v3 =	vld [tilespmem:$0x26F0];
	_ =	sdelay $0x3  }
0x14f: {  	v0 =	vsub.f32 v0, v1;
	_ =	sdelay $0x1  }
0x150: {  	[tilespmem:$0x1DB60] =	vst v0  }
0x151: {  	v0 =	vld.idx.msk [tilespmem:v2+s17+$0x0], $0xffff  }
0x152: {  	v1 =	vld.idx.msk [tilespmem:v3+s17+$0x0], $0xffff;
	_ =	sdelay $0x4  }
0x153: {  	v0 =	vsub.f32 v0, v1;
	_ =	sdelay $0x1  }
0x154: {  	[tilespmem:$0x18C70] =	vst v0  }
0x155: {  	v0 =	vld.idx.msk [tilespmem:v2+s19+$0x0], $0xffff  }
0x156: {  	v1 =	vld.idx.msk [tilespmem:v3+s19+$0x0], $0xffff;
	_ =	sdelay $0x4  }
0x157: {  	v0 =	vsub.f32 v0, v1;
	_ =	sdelay $0x1  }
0x158: {  	[tilespmem:$0x1B3F0] =	vst v0  }
0x159: {  	v0 =	vld.idx.msk [tilespmem:v2+s20+$0x0], $0xffff  }
0x15a: {  	v1 =	vld.idx.msk [tilespmem:v3+s20+$0x0], $0xffff  }
0x15b: {  	v2 =	vld [tilespmem:$0x4E80]  }
0x15c: {  	v3 =	vld [tilespmem:$0x2700];
	_ =	sdelay $0x3  }
0x15d: {  	v0 =	vsub.f32 v0, v1;
	_ =	sdelay $0x1  }
0x15e: {  	[tilespmem:$0x1DB70] =	vst v0  }
0x15f: {  	v0 =	vld.idx.msk [tilespmem:v2+s17+$0x0], $0xffff  }
0x160: {  	v1 =	vld.idx.msk [tilespmem:v3+s17+$0x0], $0xffff;
	_ =	sdelay $0x4  }
0x161: {  	v0 =	vsub.f32 v0, v1;
	_ =	sdelay $0x1  }
0x162: {  	[tilespmem:$0x18C80] =	vst v0  }
0x163: {  	v0 =	vld.idx.msk [tilespmem:v2+s19+$0x0], $0xffff  }
0x164: {  	v1 =	vld.idx.msk [tilespmem:v3+s19+$0x0], $0xffff;
	_ =	sdelay $0x4  }
0x165: {  	v0 =	vsub.f32 v0, v1;
	_ =	sdelay $0x1  }
0x166: {  	[tilespmem:$0x1B400] =	vst v0  }
0x167: {  	v0 =	vld.idx.msk [tilespmem:v2+s20+$0x0], $0xffff  }
0x168: {  	v1 =	vld.idx.msk [tilespmem:v3+s20+$0x0], $0xffff;
	_ =	sdelay $0x4  }
0x169: {  	v0 =	vsub.f32 v0, v1;
	_ =	sdelay $0x1  }
0x16a: {  	s1 =	simm.s32 $0x0;
	[tilespmem:$0x1DB80] =	vst v0  }
0x16b: {  	v7 =	vld [tilespmem:s1+$0x7700]  }
0x16c: {  	v11 =	vld [tilespmem:s1+$0x7710]  }
0x16d: {  	v5 =	vld [tilespmem:s1+$0x7720]  }
0x16e: {  	v4 =	vld [tilespmem:s1+$0x7730]  }
0x16f: {  	v3 =	vld [tilespmem:s1+$0x7740]  }
0x170: {  	v2 =	vld [tilespmem:s1+$0x7750]  }
0x171: {  	v1 =	vld [tilespmem:s1+$0x7760]  }
0x172: {  	v0 =	vld [tilespmem:s1+$0x7770]  }
0x173: {  	v12 =	vld [tilespmem:s1+$0x4F00]  }
0x174: {  	v13 =	vld [tilespmem:s1+$0x4F10]  }
0x175: {  	v10 =	vld [tilespmem:s1+$0x4F20]  }
0x176: {  	v9 =	vld [tilespmem:s1+$0x4F30]  }
0x177: {  	v8 =	vld [tilespmem:s1+$0x4F40]  }
0x178: {  	v6 =	vld [tilespmem:s1+$0x4F50];
	v12 =	vadd.f32 v7, v12  }
0x179: {  	s2 =	simm.s32 $0x200;
	v11 =	vadd.f32 v11, v13;
	v7 =	vld [tilespmem:s1+$0x4F60]  }
.LBB2_8:
0x17a: {  	s7 =	sshra.s32 s2, $0x2;
	p0 =	sne.s32 s2, $0x9E00;
	[tilespmem:s1+$0x4F00] =	vst v12;
	v5 =	vadd.f32 v5, v10;
	v10 =	vld [tilespmem:s1+$0x4F70]  }
0x17b: {  	v12 =	vld [tilespmem:s7+$0x7700];
	[tilespmem:s1+$0x4F10] =	vst v11;
	v4 =	vadd.f32 v4, v9  }
0x17c: {  	v11 =	vld [tilespmem:s7+$0x7710];
	[tilespmem:s1+$0x4F20] =	vst v5;
	v3 =	vadd.f32 v3, v8  }
0x17d: {  	v5 =	vld [tilespmem:s7+$0x7720];
	[tilespmem:s1+$0x4F30] =	vst v4;
	v2 =	vadd.f32 v2, v6  }
0x17e: {  	v4 =	vld [tilespmem:s7+$0x7730];
	[tilespmem:s1+$0x4F40] =	vst v3;
	v1 =	vadd.f32 v1, v7  }
0x17f: {  	v3 =	vld [tilespmem:s7+$0x7740];
	[tilespmem:s1+$0x4F50] =	vst v2;
	v0 =	vadd.f32 v0, v10  }
0x180: {  	v2 =	vld [tilespmem:s7+$0x7750];
	[tilespmem:s1+$0x4F60] =	vst v1  }
0x181: {  	v1 =	vld [tilespmem:s7+$0x7760];
	[tilespmem:s1+$0x4F70] =	vst v0;
	s1 =	smov.u32 s7  }
0x182: {  	v0 =	vld [tilespmem:s1+$0x7770]  }
0x183: {  	v6 =	vld [tilespmem:s1+$0x4F00]  }
0x184: {  	v7 =	vld [tilespmem:s1+$0x4F10]  }
.Ltmp3:
0x185: {  	v10 =	vld [tilespmem:s1+$0x4F20];
	(pc) =	sbr.rel @p0 .LBB2_8-.Ltmp3, $4  }
0x186: {  	v9 =	vld [tilespmem:s1+$0x4F30]  }
0x187: {  	v8 =	vld [tilespmem:s1+$0x4F40]  }
0x188: {  	v12 =	vadd.f32 v12, v6;
	v6 =	vld [tilespmem:s1+$0x4F50]  }
0x189: {  	s2 =	sadd.s32 $0x200, s2;
	v11 =	vadd.f32 v11, v7;
	v7 =	vld [tilespmem:s1+$0x4F60]  }
0x18a: {  	[tilespmem:s1+$0x4F00] =	vst v12;
	v5 =	vadd.f32 v5, v10;
	v63 =	vld [tilespmem:s1+$0x4F70]  }
0x18b: {  	[tilespmem:s1+$0x4F10] =	vst v11;
	v4 =	vadd.f32 v4, v9  }
0x18c: {  	[tilespmem:s1+$0x4F20] =	vst v5;
	v3 =	vadd.f32 v3, v8  }
0x18d: {  	[tilespmem:s1+$0x4F30] =	vst v4;
	v2 =	vadd.f32 v2, v6  }
0x18e: {  	[tilespmem:s1+$0x4F40] =	vst v3;
	v1 =	vadd.f32 v1, v7  }
0x18f: {  	[tilespmem:s1+$0x4F50] =	vst v2;
	v0 =	vadd.f32 v0, v63  }
0x190: {  	[tilespmem:s1+$0x4F60] =	vst v1  }
0x191: {  	[tilespmem:s1+$0x4F70] =	vst v0  }
0x192: {  	[hbm4b:s12+s3] =	stream.linear.scatter [tilespmem:s23], [sflag:$0x5], $0x2800, $0x38;
	[tilespmem:$0x1DC00] =	vst v63  }
0x193: {  	_ =	swait.ge [sflag:s18], $0x2800  }
0x194: {  	[sflag:s18] =	ssyncset.done $0x0  }
0x195: {  	s8 =	simm.s32 $0x16580;
	[sflag:s18] =	ssyncadd.s32 $0xFFFFD800  }
0x196: {  	[hbm4b:s13+s3] =	stream.linear.scatter [tilespmem:s8], [sflag:$0x5], $0x2710, $0x38;
	[tilespmem:$0x1DC00] =	vst v63  }
0x197: {  	_ =	swait.ge [sflag:s18], $0x2710  }
0x198: {  	[sflag:s18] =	ssyncset.done $0x0  }
0x199: {  	s10 =	simm.s32 $0x18D00;
	[sflag:s18] =	ssyncadd.s32 $0xFFFFD8F0  }
0x19a: {  	[hbm4b:s14+s3] =	stream.linear.scatter [tilespmem:s10], [sflag:$0x5], $0x2710, $0x38;
	[tilespmem:$0x1DC00] =	vst v63  }
0x19b: {  	s0 =	sadd.s32 $0x1, s0;
	_ =	swait.ge [sflag:s18], $0x2710  }
0x19c: {  	p0 =	sne.s32 s0, s16;
	[sflag:s18] =	ssyncset.done $0x0  }
.Ltmp4:
0x19d: {  	s11 =	simm.s32 $0x1B480;
	[sflag:s18] =	ssyncadd.s32 $0xFFFFD8F0;
	(pc) =	sbr.rel @p0 .LBB2_1-.Ltmp4, $4  }
0x19e: {  	[hbm4b:s15+s3] =	stream.linear.scatter [tilespmem:s11], [sflag:$0x5], $0x2710, $0x38;
	[tilespmem:$0x1DC00] =	vst v63  }
0x19f: {  	_ =	swait.ge [sflag:s18], $0x2710  }
0x1a0: {  	[sflag:s18] =	ssyncset.done $0x0  }
0x1a1: {  	[sflag:s18] =	ssyncadd.s32 $0xFFFFD8F0  }
0x1a2: {  	_ =	sfence.sel $0x180000  }
0x1a3: {  	[bflag:$0x0] =	sbarrier.arrive $0xFFFF  }
0x1a4: {  	_ =	strace $0x90000047  }
0x1a5: {  	s0 =	stileid.u32;
	[bflag:$0x2] =	sbarrier.arrive $0xFFFF  }
0x1a6: {  	p0 =	sne.s32 s0, $0x0;
	s0 =	rddreg [dreg:$0x3]  }
0x1a7: {  	s0 =	sadd.s32 @!p0 $0x100000, s0  }
0x1a8: {  	[sflag:s0] =	ssyncadd.tile.s32 @!p0 $0x1;
	_ =	shalt  }
.Lfunc_end2:
_tile_overlayer_lowered:
.L_overlay_start_2:
0x1a9: {  	(tag) =	ssettag $0x2  }
0x1aa: {  	s0 =	rddreg [dreg:$0x0];
	s2 =	stileid.u32  }
0x1ab: {  	s1 =	rddreg [dreg:$0x1];
	p0 =	sne.s32 s2, $0x0  }
0x1ac: {  	s3 =	rddreg [dreg:$0x2];
	[bflag:$0x3] =	sbarrier.arrive $0xFFFF;
	s2 =	simm.s32 @!p0 $0x1C05  }
0x1ad: {  	[timem:s3], [sflag:s2] =	dma.local @!p0 [hbm:s0], s1  }
0x1ae: {  	s0 =	simm.s32 @!p0 $0x5  }
0x1af: {  	_ =	swait.ge @!p0 [sflag:s0], s1  }
0x1b0: {  	s1 =	ssub.s32 @!p0 $0x0, s1;
	[sflag:s0] =	ssyncset.done @!p0 $0x0  }
0x1b1: {  	[sflag:s0] =	ssyncadd.s32 @!p0 s1  }
0x1b2: {  	[bflag:$0x3] =	sbarrier.arrive $0xFFFF  }
0x1b3: {  	_ =	shalt  }

</sc_bundles>
